<compile_context>
chip_gen: v7x
topology: tpu7x:2x2x1
jax: 0.10.2.dev20260603
libtpu: 0.0.44.dev20260713+nightly
codegen_flags: <defaults>
</compile_context>

<pallas_src>
import functools

import jax
import jax.numpy as jnp
from jax import lax
from jax.experimental import pallas as pl
from jax.experimental.pallas import tpu as pltpu
from jax.experimental.pallas import tpu_sc as plsc

_N = 16384
_C = 64
_CP = 128
_CAT_ROWS = 101
_TXT = 1536
_NTOK = 18



def _sc_cat_gather(tables_pad, cat_idx_flat):
    info = plsc.get_sparse_core_info()
    nw = info.num_cores * info.num_subcores
    chunk = _N // nw
    sub = chunk // 2

    mesh = plsc.VectorSubcoreMesh(core_axis_name="c", subcore_axis_name="s")

    @functools.partial(
        pl.kernel,
        mesh=mesh,
        out_type=jax.ShapeDtypeStruct((8, _N, _CP), jnp.float32),
        scratch_types=[
            pltpu.VMEM((sub,), jnp.int32),
            pltpu.VMEM((sub,), jnp.int32),
            pltpu.VMEM((2, sub, _CP), jnp.float32),
            pltpu.SemaphoreType.DMA,
            pltpu.SemaphoreType.DMA,
        ],
    )
    def body(tab_hbm, idx_hbm, out_hbm, idx0_v, idx1_v, rows_v, sem0, sem1):
        sems = (sem0, sem1)
        idxs = (idx0_v, idx1_v)
        wid = lax.axis_index("s") * info.num_cores + lax.axis_index("c")
        base = wid * chunk

        def src_off(s):
            return (s // 2) * _N + base + (s % 2) * sub

        def load_idx(s, b):
            iv = idxs[b]
            pltpu.sync_copy(idx_hbm.at[pl.ds(src_off(s), sub)], iv)
            off = jnp.int32((s // 2) * _CAT_ROWS)

            def add_off(j, _):
                sl = pl.ds(j * 16, 16)
                iv[sl] = iv[sl] + off
                return 0

            lax.fori_loop(0, sub // 16, add_off, 0)

        def start_gather(b):
            return pltpu.async_copy(tab_hbm.at[idxs[b]], rows_v.at[b],
                                    sems[b])

        def store(s, b):
            pltpu.sync_copy(
                rows_v.at[b],
                out_hbm.at[s // 2, pl.ds(base + (s % 2) * sub, sub)])

        load_idx(0, 0)
        h = start_gather(0)
        for s in range(1, 16):
            b = s % 2
            load_idx(s, b)
            h2 = start_gather(b)
            h.wait()
            store(s - 1, 1 - b)
            h = h2
        h.wait()
        store(15, 1)

    return body(tables_pad, cat_idx_flat)


def _tc_assemble(sc_rows, un, inum, ut3, it3, num_w, num_bin, num_bout,
                 u_w, i_w, txt_b):
    bn = 512
    nchunks = _N // bn

    def body(ut_hbm, it_hbm, sc_ref, un_ref, in_ref, w_ref, bin_ref,
             bout_ref, uw_ref, iw_ref, tb_ref, out_ref,
             ut_buf, it_buf, us0, us1, is0, is1):
        i = pl.program_id(0)
        usems = (us0, us1)
        isems = (is0, is1)

        def tcopy(hbm_ref, buf, sem, blk):
            return pltpu.make_async_copy(
                hbm_ref.at[pl.ds(blk * bn, bn), 0, :], buf, sem)

        @pl.when(i == 0)
        def _():
            tcopy(ut_hbm, ut_buf.at[0], usems[0], 0).start()
            tcopy(it_hbm, it_buf.at[0], isems[0], 0).start()

        nxt = i + 1
        for b in (0, 1):
            @pl.when((nxt < nchunks) & (nxt % 2 == b))
            def _(b=b):
                tcopy(ut_hbm, ut_buf.at[b], usems[b], nxt).start()
                tcopy(it_hbm, it_buf.at[b], isems[b], nxt).start()

        def num_token(src_ref, col, row):
            x = src_ref[:, col:col + 1]
            h = x * w_ref[row:row + 1, :] + bin_ref[row:row + 1, :]
            return h * jax.nn.sigmoid(h) + bout_ref[row:row + 1, :]

        for k in range(4):
            out_ref[k] = num_token(un_ref, k, k)
            out_ref[9 + k] = num_token(in_ref, k, 4 + k)
        for c in range(4):
            out_ref[4 + c] = sc_ref[c, :, :_C]
            out_ref[13 + c] = sc_ref[4 + c, :, :_C]

        for b in (0, 1):
            @pl.when(i % 2 == b)
            def _(b=b):
                tcopy(ut_hbm, ut_buf.at[b], usems[b], i).wait()
                tcopy(it_hbm, it_buf.at[b], isems[b], i).wait()
                out_ref[8] = jnp.dot(
                    ut_buf[b], uw_ref[...],
                    preferred_element_type=jnp.float32) + tb_ref[0:1, :]
                out_ref[17] = jnp.dot(
                    it_buf[b], iw_ref[...],
                    preferred_element_type=jnp.float32) + tb_ref[1:2, :]

    grid = (nchunks,)
    return pl.pallas_call(
        body,
        grid=grid,
        in_specs=[
            pl.BlockSpec(memory_space=pl.ANY),
            pl.BlockSpec(memory_space=pl.ANY),
            pl.BlockSpec((8, bn, _CP), lambda i: (0, i, 0)),
            pl.BlockSpec((bn, 4), lambda i: (i, 0)),
            pl.BlockSpec((bn, 4), lambda i: (i, 0)),
            pl.BlockSpec((8, _C), lambda i: (0, 0)),
            pl.BlockSpec((8, _C), lambda i: (0, 0)),
            pl.BlockSpec((8, _C), lambda i: (0, 0)),
            pl.BlockSpec((_TXT, _C), lambda i: (0, 0)),
            pl.BlockSpec((_TXT, _C), lambda i: (0, 0)),
            pl.BlockSpec((2, _C), lambda i: (0, 0)),
        ],
        out_specs=pl.BlockSpec((_NTOK, bn, _C), lambda i: (0, i, 0)),
        out_shape=jax.ShapeDtypeStruct((_NTOK, _N, _C), jnp.float32),
        scratch_shapes=[
            pltpu.VMEM((2, bn, _TXT), jnp.float32),
            pltpu.VMEM((2, bn, _TXT), jnp.float32),
            pltpu.SemaphoreType.DMA,
            pltpu.SemaphoreType.DMA,
            pltpu.SemaphoreType.DMA,
            pltpu.SemaphoreType.DMA,
        ],
    )(ut3, it3, sc_rows, un, inum, num_w, num_bin, num_bout, u_w, i_w, txt_b)


def _idx_tokens():
    rows = _NTOK * _N // 128

    def body(node_ref, col_ref, table_ref):
        r = jax.lax.broadcasted_iota(jnp.int32, (rows, 128), 0)
        l = jax.lax.broadcasted_iota(jnp.int32, (rows, 128), 1)
        e = r * 128 + l
        k = e >> 14
        n = e - (k << 14)
        tix = (k >= 9).astype(jnp.int32)
        node_ref[...] = n + tix * _N
        col_ref[...] = k
        table_ref[...] = tix

    shp = jax.ShapeDtypeStruct((rows, 128), jnp.int32)
    node, col, table = pl.pallas_call(
        body,
        out_shape=(shp, shp, shp),
    )()
    flat = _NTOK * _N
    return node.reshape(flat), col.reshape(flat), table.reshape(flat)


def kernel(users_numerical, users_categorical, users_text,
           items_numerical, items_categorical, items_text, params):
    p = params
    t_emb = p["table_emb"]

    num_w, num_bin, num_bout = [], [], []
    cat_tabs = []
    txt_b = []
    for tix, t in enumerate(("users", "items")):
        for i in range(4):
            num_w.append(p[f"{t}_num{i}_W"][0])
            num_bin.append(p[f"{t}_num{i}_b"])
            num_bout.append(p[f"{t}_num{i}_col"] + t_emb[tix])
        for i in range(4):
            cat_tabs.append(p[f"{t}_cat{i}_emb"]
                            + p[f"{t}_cat{i}_col"] + t_emb[tix])
        txt_b.append(p[f"{t}_txt0_b"] + p[f"{t}_txt0_col"] + t_emb[tix])
    num_w = jnp.stack(num_w)
    num_bin = jnp.stack(num_bin)
    num_bout = jnp.stack(num_bout)
    tables = jnp.concatenate(cat_tabs, axis=0)
    tables_pad = jnp.pad(tables, ((0, 0), (0, _CP - _C)))
    txt_b = jnp.stack(txt_b)

    cat_idx_flat = jnp.concatenate(
        [users_categorical.T, items_categorical.T],
        axis=0).astype(jnp.int32).reshape(-1)

    sc_rows = _sc_cat_gather(tables_pad, cat_idx_flat)
    x3 = _tc_assemble(sc_rows, users_numerical, items_numerical,
                      users_text, items_text,
                      num_w, num_bin, num_bout,
                      p["users_txt0_W"], p["items_txt0_W"], txt_b)
    x = x3.reshape(_NTOK * _N, _C)

    node_idxs, col_idxs, table_idxs = _idx_tokens()
    return (x, node_idxs, col_idxs, table_idxs)

# --- scband reference (transcript-rebuilt; emitter-appended) ---
"""Pipeline reference for scband-rtembedding-75402445848762 (READ-ONLY COPY).

The authoritative reference and input builder live on the scoring server;
editing this copy changes nothing except your own understanding.
"""

import jax, jax.numpy as jnp
import numpy as np

N = 16384
C = 64
NUM = 4
CAT = 4
CAT_ROWS = 101
TXT = 1536
TABLES = ["users", "items"]


def setup_inputs(seed: int = 0):
    key = jax.random.key(seed)
    ks = iter(jax.random.split(key, 64))
    inp = {}
    params = {"table_emb": jax.random.normal(next(ks), (len(TABLES), C), jnp.float32)}
    for t in TABLES:
        inp[t + "_numerical"] = jax.random.normal(next(ks), (N, NUM), jnp.float32)
        inp[t + "_categorical"] = jax.random.randint(next(ks), (N, CAT), 0, CAT_ROWS)
        inp[t + "_text"] = jax.random.normal(next(ks), (N, 1, TXT), jnp.float32)
        for i in range(NUM):
            params[t + "_num%d_W" % i] = jax.random.normal(next(ks), (1, C), jnp.float32) * 0.1
        for i in range(NUM):
            params[t + "_num%d_b" % i] = jnp.zeros((C,), jnp.float32)
            params[t + "_num%d_col" % i] = jax.random.normal(next(ks), (C,), jnp.float32)
        for i in range(CAT):
            params[t + "_cat%d_emb" % i] = jax.random.normal(next(ks), (CAT_ROWS, C), jnp.float32) * 0.05
            params[t + "_cat%d_col" % i] = jax.random.normal(next(ks), (C,), jnp.float32)
        params[t + "_txt0_W"] = jax.random.normal(next(ks), (TXT, C), jnp.float32) * 0.02
        params[t + "_txt0_b"] = jnp.zeros((C,), jnp.float32)
        params[t + "_txt0_col"] = jax.random.normal(next(ks), (C,), jnp.float32)
    inp["params"] = params
    return inp


def _fwd_x(un, ut, inum, itxt, params, ucat, icat):
    tokens = []
    specs = [("users", un, ucat, ut, 0), ("items", inum, icat, itxt, 1)]
    for t, num, cat, txt, tix in specs:
        t_emb = params["table_emb"][tix]
        # numerical columns: Linear(1->C) + SiLU, then + col_emb + table_emb
        for i in range(NUM):
            h = num[:, i:i + 1] @ params[t + "_num%d_W" % i] + params[t + "_num%d_b" % i]
            tokens.append(jax.nn.silu(h) + params[t + "_num%d_col" % i] + t_emb)
        # categorical columns: embedding gather, then + col_emb + table_emb
        for i in range(CAT):
            v = jnp.take(params[t + "_cat%d_emb" % i], cat[:, i], axis=0)
            tokens.append(v + params[t + "_cat%d_col" % i] + t_emb)
        # text column: Linear(TXT->C), then + col_emb + table_emb
        v = txt[:, 0, :] @ params[t + "_txt0_W"] + params[t + "_txt0_b"]
        tokens.append(v + params[t + "_txt0_col"] + t_emb)
    return jnp.concatenate(tokens, axis=0)


def _indices():
    node = []
    table = []
    col = []
    c = 0
    for tix in range(len(TABLES)):
        off = tix * N
        for _ in range(NUM + CAT + 1):
            node.append(jnp.arange(off, off + N))
            table.append(jnp.full((N,), tix))
            col.append(jnp.full((N,), c))
            c += 1
    return jnp.concatenate(node), jnp.concatenate(col), jnp.concatenate(table)


def reference(users_numerical, users_categorical, users_text, items_numerical, items_categorical, items_text, params):
    x = _fwd_x(users_numerical, users_text, items_numerical, items_text, params,
               users_categorical, items_categorical)
    node_idxs, col_idxs, table_idxs = _indices()
    # f2p_nbr_idxs is None (edge_index_dict not provided); curr_node_offset = 2*N
    return (x, node_idxs, col_idxs, table_idxs)

if __name__ == "__main__":
    import jax
    _d = setup_inputs()
    print(jax.jit(kernel)(*tuple(_d.values())))

</pallas_src>

<mosaic_0001>
#map = affine_map<(d0, d1) -> (0, 0)>
#map1 = affine_map<(d0, d1) -> (0)>
#map2 = affine_map<(d0, d1) -> (0, 0, 0)>
module attributes {stable_mosaic.version = 14 : i64} {
  func.func @body(%arg0: i32, %arg1: i32, %arg2: memref<808x128xf32, #tpu.memory_space<hbm>>, %arg3: memref<131072xi32, #tpu.memory_space<hbm>>, %arg4: memref<8x16384x128xf32, #tpu.memory_space<hbm>>, %arg5: memref<256xi32, #tpu.memory_space<vmem>>, %arg6: memref<256xi32, #tpu.memory_space<vmem>>, %arg7: memref<2x256x128xf32, #tpu.memory_space<vmem>>, %arg8: memref<!tpu.dma_semaphore, #tpu.memory_space<semaphore_mem>>, %arg9: memref<!tpu.dma_semaphore, #tpu.memory_space<semaphore_mem>>) attributes {dimension_semantics = [#tpu.dimension_semantics<core_parallel>, #tpu.dimension_semantics<subcore_parallel>], iteration_bounds = array<i64: 2, 16>, scalar_prefetch = 0 : i64, scratch_operands = 5 : i64, tpu.core_type = #tpu.core_type<sc_vector_subcore>, window_params = [{transform_indices = #map}, {transform_indices = #map1}, {transform_indices = #map2}]} {
    %mul3A = arith.constant 2 : i32
    %mul3A_0 = arith.muli %arg1, %mul3A : i32
    %add3A = arith.addi %mul3A_0, %arg0 : i32
    %mul3A_1 = arith.constant 512 : i32
    %mul3A_2 = arith.muli %add3A, %mul3A_1 : i32
    %add3A_3 = arith.constant 0 : i32
    %add3A_4 = arith.addi %add3A_3, %mul3A_2 : i32
    %add3A_5 = arith.constant 0 : i32
    %add3A_6 = arith.addi %add3A_4, %add3A_5 : i32
    "tpu.region"() ({
      %run_scoped3A_511 = tpu.sem_alloc : memref<!tpu.dma_semaphore, #tpu.memory_space<semaphore_mem>>
      %dma_start3A_512 = tpu.memref_slice %arg3[%add3A_6] : memref<131072xi32, #tpu.memory_space<hbm>> -> memref<256xi32, #tpu.memory_space<hbm>>
      %dma_start3A_513 = tpu.memref_slice %arg3[%add3A_6] : memref<131072xi32, #tpu.memory_space<hbm>> -> memref<256xi32, #tpu.memory_space<hbm>>
      tpu.enqueue_dma source(%dma_start3A_513 : memref<256xi32, #tpu.memory_space<hbm>>) target(%arg5 : memref<256xi32, #tpu.memory_space<vmem>>) target_semaphore(%run_scoped3A_511 : memref<!tpu.dma_semaphore, #tpu.memory_space<semaphore_mem>>)
      %dma_wait3A_514 = tpu.memref_slice %arg3[%add3A_6] : memref<131072xi32, #tpu.memory_space<hbm>> -> memref<256xi32, #tpu.memory_space<hbm>>
      %dma_wait3A_515 = tpu.memref_slice %arg3[%add3A_6] : memref<131072xi32, #tpu.memory_space<hbm>> -> memref<256xi32, #tpu.memory_space<hbm>>
      tpu.wait_dma2 semaphore(%run_scoped3A_511 : memref<!tpu.dma_semaphore, #tpu.memory_space<semaphore_mem>>) src(%dma_wait3A_515 : memref<256xi32, #tpu.memory_space<hbm>>) dst(%arg5 : memref<256xi32, #tpu.memory_space<vmem>>)
      tpu.yield
    }) : () -> ()
    %scan3A = arith.constant 0 : i32
    %scan3A_7 = arith.constant 0 : i32
    %scan3A_8 = arith.constant 0 : i32
    %scan3A_9 = arith.constant 16 : i32
    %scan3A_10 = arith.addi %scan3A_8, %scan3A_9 : i32
    %scan3A_11 = arith.constant 1 : i32
    %scan3A_12 = scf.for %scan3A_511 = %scan3A_8 to %scan3A_10 step %scan3A_11 iter_args(%scan3A_512 = %scan3A_7) -> (i32)  : i32 {
      %mul3A_513 = arith.constant 16 : i32
      %mul3A_514 = arith.muli %scan3A_511, %mul3A_513 : i32
      %get3A = arith.index_cast %mul3A_514 : i32 to index
      %get3A_515 = tpu.vector_load %arg5[%get3A] {strides = array<i32>} : memref<256xi32, #tpu.memory_space<vmem>>, vector<16xi32>,
      %get3A_516 = vector.shape_cast %get3A_515 : vector<16xi32> to vector<16xi32>
      %add3A_517 = vector.broadcast %scan3A : i32 to vector<16xi32>
      %add3A_518 = arith.addi %get3A_516, %add3A_517 : vector<16xi32>
      %swap3A = arith.index_cast %mul3A_514 : i32 to index
      %swap3A_519 = tpu.vector_load %arg5[%swap3A] {strides = array<i32>} : memref<256xi32, #tpu.memory_space<vmem>>, vector<16xi32>,
      %swap3A_520 = vector.shape_cast %swap3A_519 : vector<16xi32> to vector<16xi32>
      %swap3A_521 = vector.shape_cast %add3A_518 : vector<16xi32> to vector<16xi32>
      tpu.vector_store %arg5[%swap3A], %swap3A_521 {strides = array<i32>} : memref<256xi32, #tpu.memory_space<vmem>>, vector<16xi32>,
      %scan3A_522 = arith.constant 0 : i32
      scf.yield %scan3A_522 : i32
    }
    %scan3A_13 = arith.constant 16 : i32
    %dma_start3A = arith.constant 0 : i32
    %dma_start3A_14 = arith.constant 0 : i32
    %dma_start3A_15 = arith.constant 0 : i32
    %dma_start3A_16 = tpu.memref_slice %arg7[%dma_start3A, %dma_start3A_14, %dma_start3A_15] : memref<2x256x128xf32, #tpu.memory_space<vmem>> -> memref<1x256x128xf32, #tpu.memory_space<vmem>>
    %dma_start3A_17 = tpu.memref_squeeze %dma_start3A_16 : memref<1x256x128xf32, #tpu.memory_space<vmem>> -> memref<256x128xf32, #tpu.memory_space<vmem>>
    %dma_start3A_18 = arith.constant 0 : i32
    %dma_start3A_19 = arith.constant 0 : i32
    %dma_start3A_20 = tpu.memref_slice %arg2[%dma_start3A_18, %dma_start3A_19] : memref<808x128xf32, #tpu.memory_space<hbm>> -> memref<808x128xf32, #tpu.memory_space<hbm>>
    tpu.enqueue_indirect_dma source(%dma_start3A_20 : memref<808x128xf32, #tpu.memory_space<hbm>>) target(%dma_start3A_17 : memref<256x128xf32, #tpu.memory_space<vmem>>) offsets(%arg5 : memref<256xi32, #tpu.memory_space<vmem>>) semaphore(%arg8 : memref<!tpu.dma_semaphore, #tpu.memory_space<semaphore_mem>>)
    %add3A_21 = arith.constant 0 : i32
    %add3A_22 = arith.addi %add3A_21, %mul3A_2 : i32
    %add3A_23 = arith.constant 256 : i32
    %add3A_24 = arith.addi %add3A_22, %add3A_23 : i32
    "tpu.region"() ({
      %run_scoped3A_511 = tpu.sem_alloc : memref<!tpu.dma_semaphore, #tpu.memory_space<semaphore_mem>>
      %dma_start3A_512 = tpu.memref_slice %arg3[%add3A_24] : memref<131072xi32, #tpu.memory_space<hbm>> -> memref<256xi32, #tpu.memory_space<hbm>>
      %dma_start3A_513 = tpu.memref_slice %arg3[%add3A_24] : memref<131072xi32, #tpu.memory_space<hbm>> -> memref<256xi32, #tpu.memory_space<hbm>>
      tpu.enqueue_dma source(%dma_start3A_513 : memref<256xi32, #tpu.memory_space<hbm>>) target(%arg6 : memref<256xi32, #tpu.memory_space<vmem>>) target_semaphore(%run_scoped3A_511 : memref<!tpu.dma_semaphore, #tpu.memory_space<semaphore_mem>>)
      %dma_wait3A_514 = tpu.memref_slice %arg3[%add3A_24] : memref<131072xi32, #tpu.memory_space<hbm>> -> memref<256xi32, #tpu.memory_space<hbm>>
      %dma_wait3A_515 = tpu.memref_slice %arg3[%add3A_24] : memref<131072xi32, #tpu.memory_space<hbm>> -> memref<256xi32, #tpu.memory_space<hbm>>
      tpu.wait_dma2 semaphore(%run_scoped3A_511 : memref<!tpu.dma_semaphore, #tpu.memory_space<semaphore_mem>>) src(%dma_wait3A_515 : memref<256xi32, #tpu.memory_space<hbm>>) dst(%arg6 : memref<256xi32, #tpu.memory_space<vmem>>)
      tpu.yield
    }) : () -> ()
    %scan3A_25 = arith.constant 0 : i32
    %scan3A_26 = arith.constant 0 : i32
    %scan3A_27 = arith.constant 0 : i32
    %scan3A_28 = arith.constant 16 : i32
    %scan3A_29 = arith.addi %scan3A_27, %scan3A_28 : i32
    %scan3A_30 = arith.constant 1 : i32
    %scan3A_31 = scf.for %scan3A_511 = %scan3A_27 to %scan3A_29 step %scan3A_30 iter_args(%scan3A_512 = %scan3A_26) -> (i32)  : i32 {
      %mul3A_513 = arith.constant 16 : i32
      %mul3A_514 = arith.muli %scan3A_511, %mul3A_513 : i32
      %get3A = arith.index_cast %mul3A_514 : i32 to index
      %get3A_515 = tpu.vector_load %arg6[%get3A] {strides = array<i32>} : memref<256xi32, #tpu.memory_space<vmem>>, vector<16xi32>,
      %get3A_516 = vector.shape_cast %get3A_515 : vector<16xi32> to vector<16xi32>
      %add3A_517 = vector.broadcast %scan3A_25 : i32 to vector<16xi32>
      %add3A_518 = arith.addi %get3A_516, %add3A_517 : vector<16xi32>
      %swap3A = arith.index_cast %mul3A_514 : i32 to index
      %swap3A_519 = tpu.vector_load %arg6[%swap3A] {strides = array<i32>} : memref<256xi32, #tpu.memory_space<vmem>>, vector<16xi32>,
      %swap3A_520 = vector.shape_cast %swap3A_519 : vector<16xi32> to vector<16xi32>
      %swap3A_521 = vector.shape_cast %add3A_518 : vector<16xi32> to vector<16xi32>
      tpu.vector_store %arg6[%swap3A], %swap3A_521 {strides = array<i32>} : memref<256xi32, #tpu.memory_space<vmem>>, vector<16xi32>,
      %scan3A_522 = arith.constant 0 : i32
      scf.yield %scan3A_522 : i32
    }
    %scan3A_32 = arith.constant 16 : i32
    %dma_start3A_33 = arith.constant 1 : i32
    %dma_start3A_34 = arith.constant 0 : i32
    %dma_start3A_35 = arith.constant 0 : i32
    %dma_start3A_36 = tpu.memref_slice %arg7[%dma_start3A_33, %dma_start3A_34, %dma_start3A_35] : memref<2x256x128xf32, #tpu.memory_space<vmem>> -> memref<1x256x128xf32, #tpu.memory_space<vmem>>
    %dma_start3A_37 = tpu.memref_squeeze %dma_start3A_36 : memref<1x256x128xf32, #tpu.memory_space<vmem>> -> memref<256x128xf32, #tpu.memory_space<vmem>>
    %dma_start3A_38 = arith.constant 0 : i32
    %dma_start3A_39 = arith.constant 0 : i32
    %dma_start3A_40 = tpu.memref_slice %arg2[%dma_start3A_38, %dma_start3A_39] : memref<808x128xf32, #tpu.memory_space<hbm>> -> memref<808x128xf32, #tpu.memory_space<hbm>>
    tpu.enqueue_indirect_dma source(%dma_start3A_40 : memref<808x128xf32, #tpu.memory_space<hbm>>) target(%dma_start3A_37 : memref<256x128xf32, #tpu.memory_space<vmem>>) offsets(%arg6 : memref<256xi32, #tpu.memory_space<vmem>>) semaphore(%arg9 : memref<!tpu.dma_semaphore, #tpu.memory_space<semaphore_mem>>)
    %dma_wait3A = arith.constant 0 : i32
    %dma_wait3A_41 = arith.constant 0 : i32
    %dma_wait3A_42 = arith.constant 0 : i32
    %dma_wait3A_43 = tpu.memref_slice %arg7[%dma_wait3A, %dma_wait3A_41, %dma_wait3A_42] : memref<2x256x128xf32, #tpu.memory_space<vmem>> -> memref<1x256x128xf32, #tpu.memory_space<vmem>>
    %dma_wait3A_44 = tpu.memref_squeeze %dma_wait3A_43 : memref<1x256x128xf32, #tpu.memory_space<vmem>> -> memref<256x128xf32, #tpu.memory_space<vmem>>
    %dma_wait3A_45 = arith.constant 0 : i32
    %dma_wait3A_46 = arith.constant 0 : i32
    %dma_wait3A_47 = tpu.memref_slice %arg2[%dma_wait3A_45, %dma_wait3A_46] : memref<808x128xf32, #tpu.memory_space<hbm>> -> memref<808x128xf32, #tpu.memory_space<hbm>>
    tpu.wait_indirect_dma semaphore(%arg8 : memref<!tpu.dma_semaphore, #tpu.memory_space<semaphore_mem>>) src(%dma_wait3A_47 : memref<808x128xf32, #tpu.memory_space<hbm>>) dst(%dma_wait3A_44 : memref<256x128xf32, #tpu.memory_space<vmem>>)
    %add3A_48 = arith.constant 0 : i32
    %add3A_49 = arith.addi %mul3A_2, %add3A_48 : i32
    %run_scoped3A = arith.constant 0 : i32
    %run_scoped3A_50 = arith.constant 0 : i32
    "tpu.region"() ({
      %run_scoped3A_511 = tpu.sem_alloc : memref<!tpu.dma_semaphore, #tpu.memory_space<semaphore_mem>>
      %dma_start3A_512 = arith.constant 0 : i32
      %dma_start3A_513 = arith.constant 0 : i32
      %dma_start3A_514 = tpu.memref_slice %arg7[%run_scoped3A, %dma_start3A_512, %dma_start3A_513] : memref<2x256x128xf32, #tpu.memory_space<vmem>> -> memref<1x256x128xf32, #tpu.memory_space<vmem>>
      %dma_start3A_515 = tpu.memref_squeeze %dma_start3A_514 : memref<1x256x128xf32, #tpu.memory_space<vmem>> -> memref<256x128xf32, #tpu.memory_space<vmem>>
      %dma_start3A_516 = arith.constant 0 : i32
      %dma_start3A_517 = tpu.memref_slice %arg4[%run_scoped3A_50, %add3A_49, %dma_start3A_516] : memref<8x16384x128xf32, #tpu.memory_space<hbm>> -> memref<1x256x128xf32, #tpu.memory_space<hbm>>
      %dma_start3A_518 = tpu.memref_squeeze %dma_start3A_517 : memref<1x256x128xf32, #tpu.memory_space<hbm>> -> memref<256x128xf32, #tpu.memory_space<hbm>>
      %dma_start3A_519 = arith.constant 0 : i32
      %dma_start3A_520 = tpu.memref_slice %arg4[%run_scoped3A_50, %add3A_49, %dma_start3A_519] : memref<8x16384x128xf32, #tpu.memory_space<hbm>> -> memref<1x256x128xf32, #tpu.memory_space<hbm>>
      %dma_start3A_521 = tpu.memref_squeeze %dma_start3A_520 : memref<1x256x128xf32, #tpu.memory_space<hbm>> -> memref<256x128xf32, #tpu.memory_space<hbm>>
      %dma_start3A_522 = arith.constant 0 : i32
      %dma_start3A_523 = arith.constant 0 : i32
      %dma_start3A_524 = tpu.memref_slice %arg7[%run_scoped3A, %dma_start3A_522, %dma_start3A_523] : memref<2x256x128xf32, #tpu.memory_space<vmem>> -> memref<1x256x128xf32, #tpu.memory_space<vmem>>
      %dma_start3A_525 = tpu.memref_squeeze %dma_start3A_524 : memref<1x256x128xf32, #tpu.memory_space<vmem>> -> memref<256x128xf32, #tpu.memory_space<vmem>>
      tpu.enqueue_dma source(%dma_start3A_525 : memref<256x128xf32, #tpu.memory_space<vmem>>) target(%dma_start3A_521 : memref<256x128xf32, #tpu.memory_space<hbm>>) target_semaphore(%run_scoped3A_511 : memref<!tpu.dma_semaphore, #tpu.memory_space<semaphore_mem>>)
      %dma_wait3A_526 = arith.constant 0 : i32
      %dma_wait3A_527 = arith.constant 0 : i32
      %dma_wait3A_528 = tpu.memref_slice %arg7[%run_scoped3A, %dma_wait3A_526, %dma_wait3A_527] : memref<2x256x128xf32, #tpu.memory_space<vmem>> -> memref<1x256x128xf32, #tpu.memory_space<vmem>>
      %dma_wait3A_529 = tpu.memref_squeeze %dma_wait3A_528 : memref<1x256x128xf32, #tpu.memory_space<vmem>> -> memref<256x128xf32, #tpu.memory_space<vmem>>
      %dma_wait3A_530 = arith.constant 0 : i32
      %dma_wait3A_531 = tpu.memref_slice %arg4[%run_scoped3A_50, %add3A_49, %dma_wait3A_530] : memref<8x16384x128xf32, #tpu.memory_space<hbm>> -> memref<1x256x128xf32, #tpu.memory_space<hbm>>
      %dma_wait3A_532 = tpu.memref_squeeze %dma_wait3A_531 : memref<1x256x128xf32, #tpu.memory_space<hbm>> -> memref<256x128xf32, #tpu.memory_space<hbm>>
      %dma_wait3A_533 = arith.constant 0 : i32
      %dma_wait3A_534 = tpu.memref_slice %arg4[%run_scoped3A_50, %add3A_49, %dma_wait3A_533] : memref<8x16384x128xf32, #tpu.memory_space<hbm>> -> memref<1x256x128xf32, #tpu.memory_space<hbm>>
      %dma_wait3A_535 = tpu.memref_squeeze %dma_wait3A_534 : memref<1x256x128xf32, #tpu.memory_space<hbm>> -> memref<256x128xf32, #tpu.memory_space<hbm>>
      %dma_wait3A_536 = arith.constant 0 : i32
      %dma_wait3A_537 = arith.constant 0 : i32
      %dma_wait3A_538 = tpu.memref_slice %arg7[%run_scoped3A, %dma_wait3A_536, %dma_wait3A_537] : memref<2x256x128xf32, #tpu.memory_space<vmem>> -> memref<1x256x128xf32, #tpu.memory_space<vmem>>
      %dma_wait3A_539 = tpu.memref_squeeze %dma_wait3A_538 : memref<1x256x128xf32, #tpu.memory_space<vmem>> -> memref<256x128xf32, #tpu.memory_space<vmem>>
      tpu.wait_dma2 semaphore(%run_scoped3A_511 : memref<!tpu.dma_semaphore, #tpu.memory_space<semaphore_mem>>) src(%dma_wait3A_539 : memref<256x128xf32, #tpu.memory_space<vmem>>) dst(%dma_wait3A_535 : memref<256x128xf32, #tpu.memory_space<hbm>>)
      tpu.yield
    }) : () -> ()
    %add3A_51 = arith.constant 16384 : i32
    %add3A_52 = arith.addi %add3A_51, %mul3A_2 : i32
    %add3A_53 = arith.constant 0 : i32
    %add3A_54 = arith.addi %add3A_52, %add3A_53 : i32
    "tpu.region"() ({
      %run_scoped3A_511 = tpu.sem_alloc : memref<!tpu.dma_semaphore, #tpu.memory_space<semaphore_mem>>
      %dma_start3A_512 = tpu.memref_slice %arg3[%add3A_54] : memref<131072xi32, #tpu.memory_space<hbm>> -> memref<256xi32, #tpu.memory_space<hbm>>
      %dma_start3A_513 = tpu.memref_slice %arg3[%add3A_54] : memref<131072xi32, #tpu.memory_space<hbm>> -> memref<256xi32, #tpu.memory_space<hbm>>
      tpu.enqueue_dma source(%dma_start3A_513 : memref<256xi32, #tpu.memory_space<hbm>>) target(%arg5 : memref<256xi32, #tpu.memory_space<vmem>>) target_semaphore(%run_scoped3A_511 : memref<!tpu.dma_semaphore, #tpu.memory_space<semaphore_mem>>)
      %dma_wait3A_514 = tpu.memref_slice %arg3[%add3A_54] : memref<131072xi32, #tpu.memory_space<hbm>> -> memref<256xi32, #tpu.memory_space<hbm>>
      %dma_wait3A_515 = tpu.memref_slice %arg3[%add3A_54] : memref<131072xi32, #tpu.memory_space<hbm>> -> memref<256xi32, #tpu.memory_space<hbm>>
      tpu.wait_dma2 semaphore(%run_scoped3A_511 : memref<!tpu.dma_semaphore, #tpu.memory_space<semaphore_mem>>) src(%dma_wait3A_515 : memref<256xi32, #tpu.memory_space<hbm>>) dst(%arg5 : memref<256xi32, #tpu.memory_space<vmem>>)
      tpu.yield
    }) : () -> ()
    %scan3A_55 = arith.constant 101 : i32
    %scan3A_56 = arith.constant 0 : i32
    %scan3A_57 = arith.constant 0 : i32
    %scan3A_58 = arith.constant 16 : i32
    %scan3A_59 = arith.addi %scan3A_57, %scan3A_58 : i32
    %scan3A_60 = arith.constant 1 : i32
    %scan3A_61 = scf.for %scan3A_511 = %scan3A_57 to %scan3A_59 step %scan3A_60 iter_args(%scan3A_512 = %scan3A_56) -> (i32)  : i32 {
      %mul3A_513 = arith.constant 16 : i32
      %mul3A_514 = arith.muli %scan3A_511, %mul3A_513 : i32
      %get3A = arith.index_cast %mul3A_514 : i32 to index
      %get3A_515 = tpu.vector_load %arg5[%get3A] {strides = array<i32>} : memref<256xi32, #tpu.memory_space<vmem>>, vector<16xi32>,
      %get3A_516 = vector.shape_cast %get3A_515 : vector<16xi32> to vector<16xi32>
      %add3A_517 = vector.broadcast %scan3A_55 : i32 to vector<16xi32>
      %add3A_518 = arith.addi %get3A_516, %add3A_517 : vector<16xi32>
      %swap3A = arith.index_cast %mul3A_514 : i32 to index
      %swap3A_519 = tpu.vector_load %arg5[%swap3A] {strides = array<i32>} : memref<256xi32, #tpu.memory_space<vmem>>, vector<16xi32>,
      %swap3A_520 = vector.shape_cast %swap3A_519 : vector<16xi32> to vector<16xi32>
      %swap3A_521 = vector.shape_cast %add3A_518 : vector<16xi32> to vector<16xi32>
      tpu.vector_store %arg5[%swap3A], %swap3A_521 {strides = array<i32>} : memref<256xi32, #tpu.memory_space<vmem>>, vector<16xi32>,
      %scan3A_522 = arith.constant 0 : i32
      scf.yield %scan3A_522 : i32
    }
    %scan3A_62 = arith.constant 16 : i32
    %dma_start3A_63 = arith.constant 0 : i32
    %dma_start3A_64 = arith.constant 0 : i32
    %dma_start3A_65 = arith.constant 0 : i32
    %dma_start3A_66 = tpu.memref_slice %arg7[%dma_start3A_63, %dma_start3A_64, %dma_start3A_65] : memref<2x256x128xf32, #tpu.memory_space<vmem>> -> memref<1x256x128xf32, #tpu.memory_space<vmem>>
    %dma_start3A_67 = tpu.memref_squeeze %dma_start3A_66 : memref<1x256x128xf32, #tpu.memory_space<vmem>> -> memref<256x128xf32, #tpu.memory_space<vmem>>
    %dma_start3A_68 = arith.constant 0 : i32
    %dma_start3A_69 = arith.constant 0 : i32
    %dma_start3A_70 = tpu.memref_slice %arg2[%dma_start3A_68, %dma_start3A_69] : memref<808x128xf32, #tpu.memory_space<hbm>> -> memref<808x128xf32, #tpu.memory_space<hbm>>
    tpu.enqueue_indirect_dma source(%dma_start3A_70 : memref<808x128xf32, #tpu.memory_space<hbm>>) target(%dma_start3A_67 : memref<256x128xf32, #tpu.memory_space<vmem>>) offsets(%arg5 : memref<256xi32, #tpu.memory_space<vmem>>) semaphore(%arg8 : memref<!tpu.dma_semaphore, #tpu.memory_space<semaphore_mem>>)
    %dma_wait3A_71 = arith.constant 1 : i32
    %dma_wait3A_72 = arith.constant 0 : i32
    %dma_wait3A_73 = arith.constant 0 : i32
    %dma_wait3A_74 = tpu.memref_slice %arg7[%dma_wait3A_71, %dma_wait3A_72, %dma_wait3A_73] : memref<2x256x128xf32, #tpu.memory_space<vmem>> -> memref<1x256x128xf32, #tpu.memory_space<vmem>>
    %dma_wait3A_75 = tpu.memref_squeeze %dma_wait3A_74 : memref<1x256x128xf32, #tpu.memory_space<vmem>> -> memref<256x128xf32, #tpu.memory_space<vmem>>
    %dma_wait3A_76 = arith.constant 0 : i32
    %dma_wait3A_77 = arith.constant 0 : i32
    %dma_wait3A_78 = tpu.memref_slice %arg2[%dma_wait3A_76, %dma_wait3A_77] : memref<808x128xf32, #tpu.memory_space<hbm>> -> memref<808x128xf32, #tpu.memory_space<hbm>>
    tpu.wait_indirect_dma semaphore(%arg9 : memref<!tpu.dma_semaphore, #tpu.memory_space<semaphore_mem>>) src(%dma_wait3A_78 : memref<808x128xf32, #tpu.memory_space<hbm>>) dst(%dma_wait3A_75 : memref<256x128xf32, #tpu.memory_space<vmem>>)
    %add3A_79 = arith.constant 256 : i32
    %add3A_80 = arith.addi %mul3A_2, %add3A_79 : i32
    %run_scoped3A_81 = arith.constant 1 : i32
    %run_scoped3A_82 = arith.constant 0 : i32
    "tpu.region"() ({
      %run_scoped3A_511 = tpu.sem_alloc : memref<!tpu.dma_semaphore, #tpu.memory_space<semaphore_mem>>
      %dma_start3A_512 = arith.constant 0 : i32
      %dma_start3A_513 = arith.constant 0 : i32
      %dma_start3A_514 = tpu.memref_slice %arg7[%run_scoped3A_81, %dma_start3A_512, %dma_start3A_513] : memref<2x256x128xf32, #tpu.memory_space<vmem>> -> memref<1x256x128xf32, #tpu.memory_space<vmem>>
      %dma_start3A_515 = tpu.memref_squeeze %dma_start3A_514 : memref<1x256x128xf32, #tpu.memory_space<vmem>> -> memref<256x128xf32, #tpu.memory_space<vmem>>
      %dma_start3A_516 = arith.constant 0 : i32
      %dma_start3A_517 = tpu.memref_slice %arg4[%run_scoped3A_82, %add3A_80, %dma_start3A_516] : memref<8x16384x128xf32, #tpu.memory_space<hbm>> -> memref<1x256x128xf32, #tpu.memory_space<hbm>>
      %dma_start3A_518 = tpu.memref_squeeze %dma_start3A_517 : memref<1x256x128xf32, #tpu.memory_space<hbm>> -> memref<256x128xf32, #tpu.memory_space<hbm>>
      %dma_start3A_519 = arith.constant 0 : i32
      %dma_start3A_520 = tpu.memref_slice %arg4[%run_scoped3A_82, %add3A_80, %dma_start3A_519] : memref<8x16384x128xf32, #tpu.memory_space<hbm>> -> memref<1x256x128xf32, #tpu.memory_space<hbm>>
      %dma_start3A_521 = tpu.memref_squeeze %dma_start3A_520 : memref<1x256x128xf32, #tpu.memory_space<hbm>> -> memref<256x128xf32, #tpu.memory_space<hbm>>
      %dma_start3A_522 = arith.constant 0 : i32
      %dma_start3A_523 = arith.constant 0 : i32
      %dma_start3A_524 = tpu.memref_slice %arg7[%run_scoped3A_81, %dma_start3A_522, %dma_start3A_523] : memref<2x256x128xf32, #tpu.memory_space<vmem>> -> memref<1x256x128xf32, #tpu.memory_space<vmem>>
      %dma_start3A_525 = tpu.memref_squeeze %dma_start3A_524 : memref<1x256x128xf32, #tpu.memory_space<vmem>> -> memref<256x128xf32, #tpu.memory_space<vmem>>
      tpu.enqueue_dma source(%dma_start3A_525 : memref<256x128xf32, #tpu.memory_space<vmem>>) target(%dma_start3A_521 : memref<256x128xf32, #tpu.memory_space<hbm>>) target_semaphore(%run_scoped3A_511 : memref<!tpu.dma_semaphore, #tpu.memory_space<semaphore_mem>>)
      %dma_wait3A_526 = arith.constant 0 : i32
      %dma_wait3A_527 = arith.constant 0 : i32
      %dma_wait3A_528 = tpu.memref_slice %arg7[%run_scoped3A_81, %dma_wait3A_526, %dma_wait3A_527] : memref<2x256x128xf32, #tpu.memory_space<vmem>> -> memref<1x256x128xf32, #tpu.memory_space<vmem>>
      %dma_wait3A_529 = tpu.memref_squeeze %dma_wait3A_528 : memref<1x256x128xf32, #tpu.memory_space<vmem>> -> memref<256x128xf32, #tpu.memory_space<vmem>>
      %dma_wait3A_530 = arith.constant 0 : i32
      %dma_wait3A_531 = tpu.memref_slice %arg4[%run_scoped3A_82, %add3A_80, %dma_wait3A_530] : memref<8x16384x128xf32, #tpu.memory_space<hbm>> -> memref<1x256x128xf32, #tpu.memory_space<hbm>>
      %dma_wait3A_532 = tpu.memref_squeeze %dma_wait3A_531 : memref<1x256x128xf32, #tpu.memory_space<hbm>> -> memref<256x128xf32, #tpu.memory_space<hbm>>
      %dma_wait3A_533 = arith.constant 0 : i32
      %dma_wait3A_534 = tpu.memref_slice %arg4[%run_scoped3A_82, %add3A_80, %dma_wait3A_533] : memref<8x16384x128xf32, #tpu.memory_space<hbm>> -> memref<1x256x128xf32, #tpu.memory_space<hbm>>
      %dma_wait3A_535 = tpu.memref_squeeze %dma_wait3A_534 : memref<1x256x128xf32, #tpu.memory_space<hbm>> -> memref<256x128xf32, #tpu.memory_space<hbm>>
      %dma_wait3A_536 = arith.constant 0 : i32
      %dma_wait3A_537 = arith.constant 0 : i32
      %dma_wait3A_538 = tpu.memref_slice %arg7[%run_scoped3A_81, %dma_wait3A_536, %dma_wait3A_537] : memref<2x256x128xf32, #tpu.memory_space<vmem>> -> memref<1x256x128xf32, #tpu.memory_space<vmem>>
      %dma_wait3A_539 = tpu.memref_squeeze %dma_wait3A_538 : memref<1x256x128xf32, #tpu.memory_space<vmem>> -> memref<256x128xf32, #tpu.memory_space<vmem>>
      tpu.wait_dma2 semaphore(%run_scoped3A_511 : memref<!tpu.dma_semaphore, #tpu.memory_space<semaphore_mem>>) src(%dma_wait3A_539 : memref<256x128xf32, #tpu.memory_space<vmem>>) dst(%dma_wait3A_535 : memref<256x128xf32, #tpu.memory_space<hbm>>)
      tpu.yield
    }) : () -> ()
    %add3A_83 = arith.constant 16384 : i32
    %add3A_84 = arith.addi %add3A_83, %mul3A_2 : i32
    %add3A_85 = arith.constant 256 : i32
    %add3A_86 = arith.addi %add3A_84, %add3A_85 : i32
    "tpu.region"() ({
      %run_scoped3A_511 = tpu.sem_alloc : memref<!tpu.dma_semaphore, #tpu.memory_space<semaphore_mem>>
      %dma_start3A_512 = tpu.memref_slice %arg3[%add3A_86] : memref<131072xi32, #tpu.memory_space<hbm>> -> memref<256xi32, #tpu.memory_space<hbm>>
      %dma_start3A_513 = tpu.memref_slice %arg3[%add3A_86] : memref<131072xi32, #tpu.memory_space<hbm>> -> memref<256xi32, #tpu.memory_space<hbm>>
      tpu.enqueue_dma source(%dma_start3A_513 : memref<256xi32, #tpu.memory_space<hbm>>) target(%arg6 : memref<256xi32, #tpu.memory_space<vmem>>) target_semaphore(%run_scoped3A_511 : memref<!tpu.dma_semaphore, #tpu.memory_space<semaphore_mem>>)
      %dma_wait3A_514 = tpu.memref_slice %arg3[%add3A_86] : memref<131072xi32, #tpu.memory_space<hbm>> -> memref<256xi32, #tpu.memory_space<hbm>>
      %dma_wait3A_515 = tpu.memref_slice %arg3[%add3A_86] : memref<131072xi32, #tpu.memory_space<hbm>> -> memref<256xi32, #tpu.memory_space<hbm>>
      tpu.wait_dma2 semaphore(%run_scoped3A_511 : memref<!tpu.dma_semaphore, #tpu.memory_space<semaphore_mem>>) src(%dma_wait3A_515 : memref<256xi32, #tpu.memory_space<hbm>>) dst(%arg6 : memref<256xi32, #tpu.memory_space<vmem>>)
      tpu.yield
    }) : () -> ()
    %scan3A_87 = arith.constant 101 : i32
    %scan3A_88 = arith.constant 0 : i32
    %scan3A_89 = arith.constant 0 : i32
    %scan3A_90 = arith.constant 16 : i32
    %scan3A_91 = arith.addi %scan3A_89, %scan3A_90 : i32
    %scan3A_92 = arith.constant 1 : i32
    %scan3A_93 = scf.for %scan3A_511 = %scan3A_89 to %scan3A_91 step %scan3A_92 iter_args(%scan3A_512 = %scan3A_88) -> (i32)  : i32 {
      %mul3A_513 = arith.constant 16 : i32
      %mul3A_514 = arith.muli %scan3A_511, %mul3A_513 : i32
      %get3A = arith.index_cast %mul3A_514 : i32 to index
      %get3A_515 = tpu.vector_load %arg6[%get3A] {strides = array<i32>} : memref<256xi32, #tpu.memory_space<vmem>>, vector<16xi32>,
      %get3A_516 = vector.shape_cast %get3A_515 : vector<16xi32> to vector<16xi32>
      %add3A_517 = vector.broadcast %scan3A_87 : i32 to vector<16xi32>
      %add3A_518 = arith.addi %get3A_516, %add3A_517 : vector<16xi32>
      %swap3A = arith.index_cast %mul3A_514 : i32 to index
      %swap3A_519 = tpu.vector_load %arg6[%swap3A] {strides = array<i32>} : memref<256xi32, #tpu.memory_space<vmem>>, vector<16xi32>,
      %swap3A_520 = vector.shape_cast %swap3A_519 : vector<16xi32> to vector<16xi32>
      %swap3A_521 = vector.shape_cast %add3A_518 : vector<16xi32> to vector<16xi32>
      tpu.vector_store %arg6[%swap3A], %swap3A_521 {strides = array<i32>} : memref<256xi32, #tpu.memory_space<vmem>>, vector<16xi32>,
      %scan3A_522 = arith.constant 0 : i32
      scf.yield %scan3A_522 : i32
    }
    %scan3A_94 = arith.constant 16 : i32
    %dma_start3A_95 = arith.constant 1 : i32
    %dma_start3A_96 = arith.constant 0 : i32
    %dma_start3A_97 = arith.constant 0 : i32
    %dma_start3A_98 = tpu.memref_slice %arg7[%dma_start3A_95, %dma_start3A_96, %dma_start3A_97] : memref<2x256x128xf32, #tpu.memory_space<vmem>> -> memref<1x256x128xf32, #tpu.memory_space<vmem>>
    %dma_start3A_99 = tpu.memref_squeeze %dma_start3A_98 : memref<1x256x128xf32, #tpu.memory_space<vmem>> -> memref<256x128xf32, #tpu.memory_space<vmem>>
    %dma_start3A_100 = arith.constant 0 : i32
    %dma_start3A_101 = arith.constant 0 : i32
    %dma_start3A_102 = tpu.memref_slice %arg2[%dma_start3A_100, %dma_start3A_101] : memref<808x128xf32, #tpu.memory_space<hbm>> -> memref<808x128xf32, #tpu.memory_space<hbm>>
    tpu.enqueue_indirect_dma source(%dma_start3A_102 : memref<808x128xf32, #tpu.memory_space<hbm>>) target(%dma_start3A_99 : memref<256x128xf32, #tpu.memory_space<vmem>>) offsets(%arg6 : memref<256xi32, #tpu.memory_space<vmem>>) semaphore(%arg9 : memref<!tpu.dma_semaphore, #tpu.memory_space<semaphore_mem>>)
    %dma_wait3A_103 = arith.constant 0 : i32
    %dma_wait3A_104 = arith.constant 0 : i32
    %dma_wait3A_105 = arith.constant 0 : i32
    %dma_wait3A_106 = tpu.memref_slice %arg7[%dma_wait3A_103, %dma_wait3A_104, %dma_wait3A_105] : memref<2x256x128xf32, #tpu.memory_space<vmem>> -> memref<1x256x128xf32, #tpu.memory_space<vmem>>
    %dma_wait3A_107 = tpu.memref_squeeze %dma_wait3A_106 : memref<1x256x128xf32, #tpu.memory_space<vmem>> -> memref<256x128xf32, #tpu.memory_space<vmem>>
    %dma_wait3A_108 = arith.constant 0 : i32
    %dma_wait3A_109 = arith.constant 0 : i32
    %dma_wait3A_110 = tpu.memref_slice %arg2[%dma_wait3A_108, %dma_wait3A_109] : memref<808x128xf32, #tpu.memory_space<hbm>> -> memref<808x128xf32, #tpu.memory_space<hbm>>
    tpu.wait_indirect_dma semaphore(%arg8 : memref<!tpu.dma_semaphore, #tpu.memory_space<semaphore_mem>>) src(%dma_wait3A_110 : memref<808x128xf32, #tpu.memory_space<hbm>>) dst(%dma_wait3A_107 : memref<256x128xf32, #tpu.memory_space<vmem>>)
    %add3A_111 = arith.constant 0 : i32
    %add3A_112 = arith.addi %mul3A_2, %add3A_111 : i32
    %run_scoped3A_113 = arith.constant 0 : i32
    %run_scoped3A_114 = arith.constant 1 : i32
    "tpu.region"() ({
      %run_scoped3A_511 = tpu.sem_alloc : memref<!tpu.dma_semaphore, #tpu.memory_space<semaphore_mem>>
      %dma_start3A_512 = arith.constant 0 : i32
      %dma_start3A_513 = arith.constant 0 : i32
      %dma_start3A_514 = tpu.memref_slice %arg7[%run_scoped3A_113, %dma_start3A_512, %dma_start3A_513] : memref<2x256x128xf32, #tpu.memory_space<vmem>> -> memref<1x256x128xf32, #tpu.memory_space<vmem>>
      %dma_start3A_515 = tpu.memref_squeeze %dma_start3A_514 : memref<1x256x128xf32, #tpu.memory_space<vmem>> -> memref<256x128xf32, #tpu.memory_space<vmem>>
      %dma_start3A_516 = arith.constant 0 : i32
      %dma_start3A_517 = tpu.memref_slice %arg4[%run_scoped3A_114, %add3A_112, %dma_start3A_516] : memref<8x16384x128xf32, #tpu.memory_space<hbm>> -> memref<1x256x128xf32, #tpu.memory_space<hbm>>
      %dma_start3A_518 = tpu.memref_squeeze %dma_start3A_517 : memref<1x256x128xf32, #tpu.memory_space<hbm>> -> memref<256x128xf32, #tpu.memory_space<hbm>>
      %dma_start3A_519 = arith.constant 0 : i32
      %dma_start3A_520 = tpu.memref_slice %arg4[%run_scoped3A_114, %add3A_112, %dma_start3A_519] : memref<8x16384x128xf32, #tpu.memory_space<hbm>> -> memref<1x256x128xf32, #tpu.memory_space<hbm>>
      %dma_start3A_521 = tpu.memref_squeeze %dma_start3A_520 : memref<1x256x128xf32, #tpu.memory_space<hbm>> -> memref<256x128xf32, #tpu.memory_space<hbm>>
      %dma_start3A_522 = arith.constant 0 : i32
      %dma_start3A_523 = arith.constant 0 : i32
      %dma_start3A_524 = tpu.memref_slice %arg7[%run_scoped3A_113, %dma_start3A_522, %dma_start3A_523] : memref<2x256x128xf32, #tpu.memory_space<vmem>> -> memref<1x256x128xf32, #tpu.memory_space<vmem>>
      %dma_start3A_525 = tpu.memref_squeeze %dma_start3A_524 : memref<1x256x128xf32, #tpu.memory_space<vmem>> -> memref<256x128xf32, #tpu.memory_space<vmem>>
      tpu.enqueue_dma source(%dma_start3A_525 : memref<256x128xf32, #tpu.memory_space<vmem>>) target(%dma_start3A_521 : memref<256x128xf32, #tpu.memory_space<hbm>>) target_semaphore(%run_scoped3A_511 : memref<!tpu.dma_semaphore, #tpu.memory_space<semaphore_mem>>)
      %dma_wait3A_526 = arith.constant 0 : i32
      %dma_wait3A_527 = arith.constant 0 : i32
      %dma_wait3A_528 = tpu.memref_slice %arg7[%run_scoped3A_113, %dma_wait3A_526, %dma_wait3A_527] : memref<2x256x128xf32, #tpu.memory_space<vmem>> -> memref<1x256x128xf32, #tpu.memory_space<vmem>>
      %dma_wait3A_529 = tpu.memref_squeeze %dma_wait3A_528 : memref<1x256x128xf32, #tpu.memory_space<vmem>> -> memref<256x128xf32, #tpu.memory_space<vmem>>
      %dma_wait3A_530 = arith.constant 0 : i32
      %dma_wait3A_531 = tpu.memref_slice %arg4[%run_scoped3A_114, %add3A_112, %dma_wait3A_530] : memref<8x16384x128xf32, #tpu.memory_space<hbm>> -> memref<1x256x128xf32, #tpu.memory_space<hbm>>
      %dma_wait3A_532 = tpu.memref_squeeze %dma_wait3A_531 : memref<1x256x128xf32, #tpu.memory_space<hbm>> -> memref<256x128xf32, #tpu.memory_space<hbm>>
      %dma_wait3A_533 = arith.constant 0 : i32
      %dma_wait3A_534 = tpu.memref_slice %arg4[%run_scoped3A_114, %add3A_112, %dma_wait3A_533] : memref<8x16384x128xf32, #tpu.memory_space<hbm>> -> memref<1x256x128xf32, #tpu.memory_space<hbm>>
      %dma_wait3A_535 = tpu.memref_squeeze %dma_wait3A_534 : memref<1x256x128xf32, #tpu.memory_space<hbm>> -> memref<256x128xf32, #tpu.memory_space<hbm>>
      %dma_wait3A_536 = arith.constant 0 : i32
      %dma_wait3A_537 = arith.constant 0 : i32
      %dma_wait3A_538 = tpu.memref_slice %arg7[%run_scoped3A_113, %dma_wait3A_536, %dma_wait3A_537] : memref<2x256x128xf32, #tpu.memory_space<vmem>> -> memref<1x256x128xf32, #tpu.memory_space<vmem>>
      %dma_wait3A_539 = tpu.memref_squeeze %dma_wait3A_538 : memref<1x256x128xf32, #tpu.memory_space<vmem>> -> memref<256x128xf32, #tpu.memory_space<vmem>>
      tpu.wait_dma2 semaphore(%run_scoped3A_511 : memref<!tpu.dma_semaphore, #tpu.memory_space<semaphore_mem>>) src(%dma_wait3A_539 : memref<256x128xf32, #tpu.memory_space<vmem>>) dst(%dma_wait3A_535 : memref<256x128xf32, #tpu.memory_space<hbm>>)
      tpu.yield
    }) : () -> ()
    %add3A_115 = arith.constant 32768 : i32
    %add3A_116 = arith.addi %add3A_115, %mul3A_2 : i32
    %add3A_117 = arith.constant 0 : i32
    %add3A_118 = arith.addi %add3A_116, %add3A_117 : i32
    "tpu.region"() ({
      %run_scoped3A_511 = tpu.sem_alloc : memref<!tpu.dma_semaphore, #tpu.memory_space<semaphore_mem>>
      %dma_start3A_512 = tpu.memref_slice %arg3[%add3A_118] : memref<131072xi32, #tpu.memory_space<hbm>> -> memref<256xi32, #tpu.memory_space<hbm>>
      %dma_start3A_513 = tpu.memref_slice %arg3[%add3A_118] : memref<131072xi32, #tpu.memory_space<hbm>> -> memref<256xi32, #tpu.memory_space<hbm>>
      tpu.enqueue_dma source(%dma_start3A_513 : memref<256xi32, #tpu.memory_space<hbm>>) target(%arg5 : memref<256xi32, #tpu.memory_space<vmem>>) target_semaphore(%run_scoped3A_511 : memref<!tpu.dma_semaphore, #tpu.memory_space<semaphore_mem>>)
      %dma_wait3A_514 = tpu.memref_slice %arg3[%add3A_118] : memref<131072xi32, #tpu.memory_space<hbm>> -> memref<256xi32, #tpu.memory_space<hbm>>
      %dma_wait3A_515 = tpu.memref_slice %arg3[%add3A_118] : memref<131072xi32, #tpu.memory_space<hbm>> -> memref<256xi32, #tpu.memory_space<hbm>>
      tpu.wait_dma2 semaphore(%run_scoped3A_511 : memref<!tpu.dma_semaphore, #tpu.memory_space<semaphore_mem>>) src(%dma_wait3A_515 : memref<256xi32, #tpu.memory_space<hbm>>) dst(%arg5 : memref<256xi32, #tpu.memory_space<vmem>>)
      tpu.yield
    }) : () -> ()
    %scan3A_119 = arith.constant 202 : i32
    %scan3A_120 = arith.constant 0 : i32
    %scan3A_121 = arith.constant 0 : i32
    %scan3A_122 = arith.constant 16 : i32
    %scan3A_123 = arith.addi %scan3A_121, %scan3A_122 : i32
    %scan3A_124 = arith.constant 1 : i32
    %scan3A_125 = scf.for %scan3A_511 = %scan3A_121 to %scan3A_123 step %scan3A_124 iter_args(%scan3A_512 = %scan3A_120) -> (i32)  : i32 {
      %mul3A_513 = arith.constant 16 : i32
      %mul3A_514 = arith.muli %scan3A_511, %mul3A_513 : i32
      %get3A = arith.index_cast %mul3A_514 : i32 to index
      %get3A_515 = tpu.vector_load %arg5[%get3A] {strides = array<i32>} : memref<256xi32, #tpu.memory_space<vmem>>, vector<16xi32>,
      %get3A_516 = vector.shape_cast %get3A_515 : vector<16xi32> to vector<16xi32>
      %add3A_517 = vector.broadcast %scan3A_119 : i32 to vector<16xi32>
      %add3A_518 = arith.addi %get3A_516, %add3A_517 : vector<16xi32>
      %swap3A = arith.index_cast %mul3A_514 : i32 to index
      %swap3A_519 = tpu.vector_load %arg5[%swap3A] {strides = array<i32>} : memref<256xi32, #tpu.memory_space<vmem>>, vector<16xi32>,
      %swap3A_520 = vector.shape_cast %swap3A_519 : vector<16xi32> to vector<16xi32>
      %swap3A_521 = vector.shape_cast %add3A_518 : vector<16xi32> to vector<16xi32>
      tpu.vector_store %arg5[%swap3A], %swap3A_521 {strides = array<i32>} : memref<256xi32, #tpu.memory_space<vmem>>, vector<16xi32>,
      %scan3A_522 = arith.constant 0 : i32
      scf.yield %scan3A_522 : i32
    }
    %scan3A_126 = arith.constant 16 : i32
    %dma_start3A_127 = arith.constant 0 : i32
    %dma_start3A_128 = arith.constant 0 : i32
    %dma_start3A_129 = arith.constant 0 : i32
    %dma_start3A_130 = tpu.memref_slice %arg7[%dma_start3A_127, %dma_start3A_128, %dma_start3A_129] : memref<2x256x128xf32, #tpu.memory_space<vmem>> -> memref<1x256x128xf32, #tpu.memory_space<vmem>>
    %dma_start3A_131 = tpu.memref_squeeze %dma_start3A_130 : memref<1x256x128xf32, #tpu.memory_space<vmem>> -> memref<256x128xf32, #tpu.memory_space<vmem>>
    %dma_start3A_132 = arith.constant 0 : i32
    %dma_start3A_133 = arith.constant 0 : i32
    %dma_start3A_134 = tpu.memref_slice %arg2[%dma_start3A_132, %dma_start3A_133] : memref<808x128xf32, #tpu.memory_space<hbm>> -> memref<808x128xf32, #tpu.memory_space<hbm>>
    tpu.enqueue_indirect_dma source(%dma_start3A_134 : memref<808x128xf32, #tpu.memory_space<hbm>>) target(%dma_start3A_131 : memref<256x128xf32, #tpu.memory_space<vmem>>) offsets(%arg5 : memref<256xi32, #tpu.memory_space<vmem>>) semaphore(%arg8 : memref<!tpu.dma_semaphore, #tpu.memory_space<semaphore_mem>>)
    %dma_wait3A_135 = arith.constant 1 : i32
    %dma_wait3A_136 = arith.constant 0 : i32
    %dma_wait3A_137 = arith.constant 0 : i32
    %dma_wait3A_138 = tpu.memref_slice %arg7[%dma_wait3A_135, %dma_wait3A_136, %dma_wait3A_137] : memref<2x256x128xf32, #tpu.memory_space<vmem>> -> memref<1x256x128xf32, #tpu.memory_space<vmem>>
    %dma_wait3A_139 = tpu.memref_squeeze %dma_wait3A_138 : memref<1x256x128xf32, #tpu.memory_space<vmem>> -> memref<256x128xf32, #tpu.memory_space<vmem>>
    %dma_wait3A_140 = arith.constant 0 : i32
    %dma_wait3A_141 = arith.constant 0 : i32
    %dma_wait3A_142 = tpu.memref_slice %arg2[%dma_wait3A_140, %dma_wait3A_141] : memref<808x128xf32, #tpu.memory_space<hbm>> -> memref<808x128xf32, #tpu.memory_space<hbm>>
    tpu.wait_indirect_dma semaphore(%arg9 : memref<!tpu.dma_semaphore, #tpu.memory_space<semaphore_mem>>) src(%dma_wait3A_142 : memref<808x128xf32, #tpu.memory_space<hbm>>) dst(%dma_wait3A_139 : memref<256x128xf32, #tpu.memory_space<vmem>>)
    %add3A_143 = arith.constant 256 : i32
    %add3A_144 = arith.addi %mul3A_2, %add3A_143 : i32
    %run_scoped3A_145 = arith.constant 1 : i32
    %run_scoped3A_146 = arith.constant 1 : i32
    "tpu.region"() ({
      %run_scoped3A_511 = tpu.sem_alloc : memref<!tpu.dma_semaphore, #tpu.memory_space<semaphore_mem>>
      %dma_start3A_512 = arith.constant 0 : i32
      %dma_start3A_513 = arith.constant 0 : i32
      %dma_start3A_514 = tpu.memref_slice %arg7[%run_scoped3A_145, %dma_start3A_512, %dma_start3A_513] : memref<2x256x128xf32, #tpu.memory_space<vmem>> -> memref<1x256x128xf32, #tpu.memory_space<vmem>>
      %dma_start3A_515 = tpu.memref_squeeze %dma_start3A_514 : memref<1x256x128xf32, #tpu.memory_space<vmem>> -> memref<256x128xf32, #tpu.memory_space<vmem>>
      %dma_start3A_516 = arith.constant 0 : i32
      %dma_start3A_517 = tpu.memref_slice %arg4[%run_scoped3A_146, %add3A_144, %dma_start3A_516] : memref<8x16384x128xf32, #tpu.memory_space<hbm>> -> memref<1x256x128xf32, #tpu.memory_space<hbm>>
      %dma_start3A_518 = tpu.memref_squeeze %dma_start3A_517 : memref<1x256x128xf32, #tpu.memory_space<hbm>> -> memref<256x128xf32, #tpu.memory_space<hbm>>
      %dma_start3A_519 = arith.constant 0 : i32
      %dma_start3A_520 = tpu.memref_slice %arg4[%run_scoped3A_146, %add3A_144, %dma_start3A_519] : memref<8x16384x128xf32, #tpu.memory_space<hbm>> -> memref<1x256x128xf32, #tpu.memory_space<hbm>>
      %dma_start3A_521 = tpu.memref_squeeze %dma_start3A_520 : memref<1x256x128xf32, #tpu.memory_space<hbm>> -> memref<256x128xf32, #tpu.memory_space<hbm>>
      %dma_start3A_522 = arith.constant 0 : i32
      %dma_start3A_523 = arith.constant 0 : i32
      %dma_start3A_524 = tpu.memref_slice %arg7[%run_scoped3A_145, %dma_start3A_522, %dma_start3A_523] : memref<2x256x128xf32, #tpu.memory_space<vmem>> -> memref<1x256x128xf32, #tpu.memory_space<vmem>>
      %dma_start3A_525 = tpu.memref_squeeze %dma_start3A_524 : memref<1x256x128xf32, #tpu.memory_space<vmem>> -> memref<256x128xf32, #tpu.memory_space<vmem>>
      tpu.enqueue_dma source(%dma_start3A_525 : memref<256x128xf32, #tpu.memory_space<vmem>>) target(%dma_start3A_521 : memref<256x128xf32, #tpu.memory_space<hbm>>) target_semaphore(%run_scoped3A_511 : memref<!tpu.dma_semaphore, #tpu.memory_space<semaphore_mem>>)
      %dma_wait3A_526 = arith.constant 0 : i32
      %dma_wait3A_527 = arith.constant 0 : i32
      %dma_wait3A_528 = tpu.memref_slice %arg7[%run_scoped3A_145, %dma_wait3A_526, %dma_wait3A_527] : memref<2x256x128xf32, #tpu.memory_space<vmem>> -> memref<1x256x128xf32, #tpu.memory_space<vmem>>
      %dma_wait3A_529 = tpu.memref_squeeze %dma_wait3A_528 : memref<1x256x128xf32, #tpu.memory_space<vmem>> -> memref<256x128xf32, #tpu.memory_space<vmem>>
      %dma_wait3A_530 = arith.constant 0 : i32
      %dma_wait3A_531 = tpu.memref_slice %arg4[%run_scoped3A_146, %add3A_144, %dma_wait3A_530] : memref<8x16384x128xf32, #tpu.memory_space<hbm>> -> memref<1x256x128xf32, #tpu.memory_space<hbm>>
      %dma_wait3A_532 = tpu.memref_squeeze %dma_wait3A_531 : memref<1x256x128xf32, #tpu.memory_space<hbm>> -> memref<256x128xf32, #tpu.memory_space<hbm>>
      %dma_wait3A_533 = arith.constant 0 : i32
      %dma_wait3A_534 = tpu.memref_slice %arg4[%run_scoped3A_146, %add3A_144, %dma_wait3A_533] : memref<8x16384x128xf32, #tpu.memory_space<hbm>> -> memref<1x256x128xf32, #tpu.memory_space<hbm>>
      %dma_wait3A_535 = tpu.memref_squeeze %dma_wait3A_534 : memref<1x256x128xf32, #tpu.memory_space<hbm>> -> memref<256x128xf32, #tpu.memory_space<hbm>>
      %dma_wait3A_536 = arith.constant 0 : i32
      %dma_wait3A_537 = arith.constant 0 : i32
      %dma_wait3A_538 = tpu.memref_slice %arg7[%run_scoped3A_145, %dma_wait3A_536, %dma_wait3A_537] : memref<2x256x128xf32, #tpu.memory_space<vmem>> -> memref<1x256x128xf32, #tpu.memory_space<vmem>>
      %dma_wait3A_539 = tpu.memref_squeeze %dma_wait3A_538 : memref<1x256x128xf32, #tpu.memory_space<vmem>> -> memref<256x128xf32, #tpu.memory_space<vmem>>
      tpu.wait_dma2 semaphore(%run_scoped3A_511 : memref<!tpu.dma_semaphore, #tpu.memory_space<semaphore_mem>>) src(%dma_wait3A_539 : memref<256x128xf32, #tpu.memory_space<vmem>>) dst(%dma_wait3A_535 : memref<256x128xf32, #tpu.memory_space<hbm>>)
      tpu.yield
    }) : () -> ()
    %add3A_147 = arith.constant 32768 : i32
    %add3A_148 = arith.addi %add3A_147, %mul3A_2 : i32
    %add3A_149 = arith.constant 256 : i32
    %add3A_150 = arith.addi %add3A_148, %add3A_149 : i32
    "tpu.region"() ({
      %run_scoped3A_511 = tpu.sem_alloc : memref<!tpu.dma_semaphore, #tpu.memory_space<semaphore_mem>>
      %dma_start3A_512 = tpu.memref_slice %arg3[%add3A_150] : memref<131072xi32, #tpu.memory_space<hbm>> -> memref<256xi32, #tpu.memory_space<hbm>>
      %dma_start3A_513 = tpu.memref_slice %arg3[%add3A_150] : memref<131072xi32, #tpu.memory_space<hbm>> -> memref<256xi32, #tpu.memory_space<hbm>>
      tpu.enqueue_dma source(%dma_start3A_513 : memref<256xi32, #tpu.memory_space<hbm>>) target(%arg6 : memref<256xi32, #tpu.memory_space<vmem>>) target_semaphore(%run_scoped3A_511 : memref<!tpu.dma_semaphore, #tpu.memory_space<semaphore_mem>>)
      %dma_wait3A_514 = tpu.memref_slice %arg3[%add3A_150] : memref<131072xi32, #tpu.memory_space<hbm>> -> memref<256xi32, #tpu.memory_space<hbm>>
      %dma_wait3A_515 = tpu.memref_slice %arg3[%add3A_150] : memref<131072xi32, #tpu.memory_space<hbm>> -> memref<256xi32, #tpu.memory_space<hbm>>
      tpu.wait_dma2 semaphore(%run_scoped3A_511 : memref<!tpu.dma_semaphore, #tpu.memory_space<semaphore_mem>>) src(%dma_wait3A_515 : memref<256xi32, #tpu.memory_space<hbm>>) dst(%arg6 : memref<256xi32, #tpu.memory_space<vmem>>)
      tpu.yield
    }) : () -> ()
    %scan3A_151 = arith.constant 202 : i32
    %scan3A_152 = arith.constant 0 : i32
    %scan3A_153 = arith.constant 0 : i32
    %scan3A_154 = arith.constant 16 : i32
    %scan3A_155 = arith.addi %scan3A_153, %scan3A_154 : i32
    %scan3A_156 = arith.constant 1 : i32
    %scan3A_157 = scf.for %scan3A_511 = %scan3A_153 to %scan3A_155 step %scan3A_156 iter_args(%scan3A_512 = %scan3A_152) -> (i32)  : i32 {
      %mul3A_513 = arith.constant 16 : i32
      %mul3A_514 = arith.muli %scan3A_511, %mul3A_513 : i32
      %get3A = arith.index_cast %mul3A_514 : i32 to index
      %get3A_515 = tpu.vector_load %arg6[%get3A] {strides = array<i32>} : memref<256xi32, #tpu.memory_space<vmem>>, vector<16xi32>,
      %get3A_516 = vector.shape_cast %get3A_515 : vector<16xi32> to vector<16xi32>
      %add3A_517 = vector.broadcast %scan3A_151 : i32 to vector<16xi32>
      %add3A_518 = arith.addi %get3A_516, %add3A_517 : vector<16xi32>
      %swap3A = arith.index_cast %mul3A_514 : i32 to index
      %swap3A_519 = tpu.vector_load %arg6[%swap3A] {strides = array<i32>} : memref<256xi32, #tpu.memory_space<vmem>>, vector<16xi32>,
      %swap3A_520 = vector.shape_cast %swap3A_519 : vector<16xi32> to vector<16xi32>
      %swap3A_521 = vector.shape_cast %add3A_518 : vector<16xi32> to vector<16xi32>
      tpu.vector_store %arg6[%swap3A], %swap3A_521 {strides = array<i32>} : memref<256xi32, #tpu.memory_space<vmem>>, vector<16xi32>,
      %scan3A_522 = arith.constant 0 : i32
      scf.yield %scan3A_522 : i32
    }
    %scan3A_158 = arith.constant 16 : i32
    %dma_start3A_159 = arith.constant 1 : i32
    %dma_start3A_160 = arith.constant 0 : i32
    %dma_start3A_161 = arith.constant 0 : i32
    %dma_start3A_162 = tpu.memref_slice %arg7[%dma_start3A_159, %dma_start3A_160, %dma_start3A_161] : memref<2x256x128xf32, #tpu.memory_space<vmem>> -> memref<1x256x128xf32, #tpu.memory_space<vmem>>
    %dma_start3A_163 = tpu.memref_squeeze %dma_start3A_162 : memref<1x256x128xf32, #tpu.memory_space<vmem>> -> memref<256x128xf32, #tpu.memory_space<vmem>>
    %dma_start3A_164 = arith.constant 0 : i32
    %dma_start3A_165 = arith.constant 0 : i32
    %dma_start3A_166 = tpu.memref_slice %arg2[%dma_start3A_164, %dma_start3A_165] : memref<808x128xf32, #tpu.memory_space<hbm>> -> memref<808x128xf32, #tpu.memory_space<hbm>>
    tpu.enqueue_indirect_dma source(%dma_start3A_166 : memref<808x128xf32, #tpu.memory_space<hbm>>) target(%dma_start3A_163 : memref<256x128xf32, #tpu.memory_space<vmem>>) offsets(%arg6 : memref<256xi32, #tpu.memory_space<vmem>>) semaphore(%arg9 : memref<!tpu.dma_semaphore, #tpu.memory_space<semaphore_mem>>)
    %dma_wait3A_167 = arith.constant 0 : i32
    %dma_wait3A_168 = arith.constant 0 : i32
    %dma_wait3A_169 = arith.constant 0 : i32
    %dma_wait3A_170 = tpu.memref_slice %arg7[%dma_wait3A_167, %dma_wait3A_168, %dma_wait3A_169] : memref<2x256x128xf32, #tpu.memory_space<vmem>> -> memref<1x256x128xf32, #tpu.memory_space<vmem>>
    %dma_wait3A_171 = tpu.memref_squeeze %dma_wait3A_170 : memref<1x256x128xf32, #tpu.memory_space<vmem>> -> memref<256x128xf32, #tpu.memory_space<vmem>>
    %dma_wait3A_172 = arith.constant 0 : i32
    %dma_wait3A_173 = arith.constant 0 : i32
    %dma_wait3A_174 = tpu.memref_slice %arg2[%dma_wait3A_172, %dma_wait3A_173] : memref<808x128xf32, #tpu.memory_space<hbm>> -> memref<808x128xf32, #tpu.memory_space<hbm>>
    tpu.wait_indirect_dma semaphore(%arg8 : memref<!tpu.dma_semaphore, #tpu.memory_space<semaphore_mem>>) src(%dma_wait3A_174 : memref<808x128xf32, #tpu.memory_space<hbm>>) dst(%dma_wait3A_171 : memref<256x128xf32, #tpu.memory_space<vmem>>)
    %add3A_175 = arith.constant 0 : i32
    %add3A_176 = arith.addi %mul3A_2, %add3A_175 : i32
    %run_scoped3A_177 = arith.constant 0 : i32
    %run_scoped3A_178 = arith.constant 2 : i32
    "tpu.region"() ({
      %run_scoped3A_511 = tpu.sem_alloc : memref<!tpu.dma_semaphore, #tpu.memory_space<semaphore_mem>>
      %dma_start3A_512 = arith.constant 0 : i32
      %dma_start3A_513 = arith.constant 0 : i32
      %dma_start3A_514 = tpu.memref_slice %arg7[%run_scoped3A_177, %dma_start3A_512, %dma_start3A_513] : memref<2x256x128xf32, #tpu.memory_space<vmem>> -> memref<1x256x128xf32, #tpu.memory_space<vmem>>
      %dma_start3A_515 = tpu.memref_squeeze %dma_start3A_514 : memref<1x256x128xf32, #tpu.memory_space<vmem>> -> memref<256x128xf32, #tpu.memory_space<vmem>>
      %dma_start3A_516 = arith.constant 0 : i32
      %dma_start3A_517 = tpu.memref_slice %arg4[%run_scoped3A_178, %add3A_176, %dma_start3A_516] : memref<8x16384x128xf32, #tpu.memory_space<hbm>> -> memref<1x256x128xf32, #tpu.memory_space<hbm>>
      %dma_start3A_518 = tpu.memref_squeeze %dma_start3A_517 : memref<1x256x128xf32, #tpu.memory_space<hbm>> -> memref<256x128xf32, #tpu.memory_space<hbm>>
      %dma_start3A_519 = arith.constant 0 : i32
      %dma_start3A_520 = tpu.memref_slice %arg4[%run_scoped3A_178, %add3A_176, %dma_start3A_519] : memref<8x16384x128xf32, #tpu.memory_space<hbm>> -> memref<1x256x128xf32, #tpu.memory_space<hbm>>
      %dma_start3A_521 = tpu.memref_squeeze %dma_start3A_520 : memref<1x256x128xf32, #tpu.memory_space<hbm>> -> memref<256x128xf32, #tpu.memory_space<hbm>>
      %dma_start3A_522 = arith.constant 0 : i32
      %dma_start3A_523 = arith.constant 0 : i32
      %dma_start3A_524 = tpu.memref_slice %arg7[%run_scoped3A_177, %dma_start3A_522, %dma_start3A_523] : memref<2x256x128xf32, #tpu.memory_space<vmem>> -> memref<1x256x128xf32, #tpu.memory_space<vmem>>
      %dma_start3A_525 = tpu.memref_squeeze %dma_start3A_524 : memref<1x256x128xf32, #tpu.memory_space<vmem>> -> memref<256x128xf32, #tpu.memory_space<vmem>>
      tpu.enqueue_dma source(%dma_start3A_525 : memref<256x128xf32, #tpu.memory_space<vmem>>) target(%dma_start3A_521 : memref<256x128xf32, #tpu.memory_space<hbm>>) target_semaphore(%run_scoped3A_511 : memref<!tpu.dma_semaphore, #tpu.memory_space<semaphore_mem>>)
      %dma_wait3A_526 = arith.constant 0 : i32
      %dma_wait3A_527 = arith.constant 0 : i32
      %dma_wait3A_528 = tpu.memref_slice %arg7[%run_scoped3A_177, %dma_wait3A_526, %dma_wait3A_527] : memref<2x256x128xf32, #tpu.memory_space<vmem>> -> memref<1x256x128xf32, #tpu.memory_space<vmem>>
      %dma_wait3A_529 = tpu.memref_squeeze %dma_wait3A_528 : memref<1x256x128xf32, #tpu.memory_space<vmem>> -> memref<256x128xf32, #tpu.memory_space<vmem>>
      %dma_wait3A_530 = arith.constant 0 : i32
      %dma_wait3A_531 = tpu.memref_slice %arg4[%run_scoped3A_178, %add3A_176, %dma_wait3A_530] : memref<8x16384x128xf32, #tpu.memory_space<hbm>> -> memref<1x256x128xf32, #tpu.memory_space<hbm>>
      %dma_wait3A_532 = tpu.memref_squeeze %dma_wait3A_531 : memref<1x256x128xf32, #tpu.memory_space<hbm>> -> memref<256x128xf32, #tpu.memory_space<hbm>>
      %dma_wait3A_533 = arith.constant 0 : i32
      %dma_wait3A_534 = tpu.memref_slice %arg4[%run_scoped3A_178, %add3A_176, %dma_wait3A_533] : memref<8x16384x128xf32, #tpu.memory_space<hbm>> -> memref<1x256x128xf32, #tpu.memory_space<hbm>>
      %dma_wait3A_535 = tpu.memref_squeeze %dma_wait3A_534 : memref<1x256x128xf32, #tpu.memory_space<hbm>> -> memref<256x128xf32, #tpu.memory_space<hbm>>
      %dma_wait3A_536 = arith.constant 0 : i32
      %dma_wait3A_537 = arith.constant 0 : i32
      %dma_wait3A_538 = tpu.memref_slice %arg7[%run_scoped3A_177, %dma_wait3A_536, %dma_wait3A_537] : memref<2x256x128xf32, #tpu.memory_space<vmem>> -> memref<1x256x128xf32, #tpu.memory_space<vmem>>
      %dma_wait3A_539 = tpu.memref_squeeze %dma_wait3A_538 : memref<1x256x128xf32, #tpu.memory_space<vmem>> -> memref<256x128xf32, #tpu.memory_space<vmem>>
      tpu.wait_dma2 semaphore(%run_scoped3A_511 : memref<!tpu.dma_semaphore, #tpu.memory_space<semaphore_mem>>) src(%dma_wait3A_539 : memref<256x128xf32, #tpu.memory_space<vmem>>) dst(%dma_wait3A_535 : memref<256x128xf32, #tpu.memory_space<hbm>>)
      tpu.yield
    }) : () -> ()
    %add3A_179 = arith.constant 49152 : i32
    %add3A_180 = arith.addi %add3A_179, %mul3A_2 : i32
    %add3A_181 = arith.constant 0 : i32
    %add3A_182 = arith.addi %add3A_180, %add3A_181 : i32
    "tpu.region"() ({
      %run_scoped3A_511 = tpu.sem_alloc : memref<!tpu.dma_semaphore, #tpu.memory_space<semaphore_mem>>
      %dma_start3A_512 = tpu.memref_slice %arg3[%add3A_182] : memref<131072xi32, #tpu.memory_space<hbm>> -> memref<256xi32, #tpu.memory_space<hbm>>
      %dma_start3A_513 = tpu.memref_slice %arg3[%add3A_182] : memref<131072xi32, #tpu.memory_space<hbm>> -> memref<256xi32, #tpu.memory_space<hbm>>
      tpu.enqueue_dma source(%dma_start3A_513 : memref<256xi32, #tpu.memory_space<hbm>>) target(%arg5 : memref<256xi32, #tpu.memory_space<vmem>>) target_semaphore(%run_scoped3A_511 : memref<!tpu.dma_semaphore, #tpu.memory_space<semaphore_mem>>)
      %dma_wait3A_514 = tpu.memref_slice %arg3[%add3A_182] : memref<131072xi32, #tpu.memory_space<hbm>> -> memref<256xi32, #tpu.memory_space<hbm>>
      %dma_wait3A_515 = tpu.memref_slice %arg3[%add3A_182] : memref<131072xi32, #tpu.memory_space<hbm>> -> memref<256xi32, #tpu.memory_space<hbm>>
      tpu.wait_dma2 semaphore(%run_scoped3A_511 : memref<!tpu.dma_semaphore, #tpu.memory_space<semaphore_mem>>) src(%dma_wait3A_515 : memref<256xi32, #tpu.memory_space<hbm>>) dst(%arg5 : memref<256xi32, #tpu.memory_space<vmem>>)
      tpu.yield
    }) : () -> ()
    %scan3A_183 = arith.constant 303 : i32
    %scan3A_184 = arith.constant 0 : i32
    %scan3A_185 = arith.constant 0 : i32
    %scan3A_186 = arith.constant 16 : i32
    %scan3A_187 = arith.addi %scan3A_185, %scan3A_186 : i32
    %scan3A_188 = arith.constant 1 : i32
    %scan3A_189 = scf.for %scan3A_511 = %scan3A_185 to %scan3A_187 step %scan3A_188 iter_args(%scan3A_512 = %scan3A_184) -> (i32)  : i32 {
      %mul3A_513 = arith.constant 16 : i32
      %mul3A_514 = arith.muli %scan3A_511, %mul3A_513 : i32
      %get3A = arith.index_cast %mul3A_514 : i32 to index
      %get3A_515 = tpu.vector_load %arg5[%get3A] {strides = array<i32>} : memref<256xi32, #tpu.memory_space<vmem>>, vector<16xi32>,
      %get3A_516 = vector.shape_cast %get3A_515 : vector<16xi32> to vector<16xi32>
      %add3A_517 = vector.broadcast %scan3A_183 : i32 to vector<16xi32>
      %add3A_518 = arith.addi %get3A_516, %add3A_517 : vector<16xi32>
      %swap3A = arith.index_cast %mul3A_514 : i32 to index
      %swap3A_519 = tpu.vector_load %arg5[%swap3A] {strides = array<i32>} : memref<256xi32, #tpu.memory_space<vmem>>, vector<16xi32>,
      %swap3A_520 = vector.shape_cast %swap3A_519 : vector<16xi32> to vector<16xi32>
      %swap3A_521 = vector.shape_cast %add3A_518 : vector<16xi32> to vector<16xi32>
      tpu.vector_store %arg5[%swap3A], %swap3A_521 {strides = array<i32>} : memref<256xi32, #tpu.memory_space<vmem>>, vector<16xi32>,
      %scan3A_522 = arith.constant 0 : i32
      scf.yield %scan3A_522 : i32
    }
    %scan3A_190 = arith.constant 16 : i32
    %dma_start3A_191 = arith.constant 0 : i32
    %dma_start3A_192 = arith.constant 0 : i32
    %dma_start3A_193 = arith.constant 0 : i32
    %dma_start3A_194 = tpu.memref_slice %arg7[%dma_start3A_191, %dma_start3A_192, %dma_start3A_193] : memref<2x256x128xf32, #tpu.memory_space<vmem>> -> memref<1x256x128xf32, #tpu.memory_space<vmem>>
    %dma_start3A_195 = tpu.memref_squeeze %dma_start3A_194 : memref<1x256x128xf32, #tpu.memory_space<vmem>> -> memref<256x128xf32, #tpu.memory_space<vmem>>
    %dma_start3A_196 = arith.constant 0 : i32
    %dma_start3A_197 = arith.constant 0 : i32
    %dma_start3A_198 = tpu.memref_slice %arg2[%dma_start3A_196, %dma_start3A_197] : memref<808x128xf32, #tpu.memory_space<hbm>> -> memref<808x128xf32, #tpu.memory_space<hbm>>
    tpu.enqueue_indirect_dma source(%dma_start3A_198 : memref<808x128xf32, #tpu.memory_space<hbm>>) target(%dma_start3A_195 : memref<256x128xf32, #tpu.memory_space<vmem>>) offsets(%arg5 : memref<256xi32, #tpu.memory_space<vmem>>) semaphore(%arg8 : memref<!tpu.dma_semaphore, #tpu.memory_space<semaphore_mem>>)
    %dma_wait3A_199 = arith.constant 1 : i32
    %dma_wait3A_200 = arith.constant 0 : i32
    %dma_wait3A_201 = arith.constant 0 : i32
    %dma_wait3A_202 = tpu.memref_slice %arg7[%dma_wait3A_199, %dma_wait3A_200, %dma_wait3A_201] : memref<2x256x128xf32, #tpu.memory_space<vmem>> -> memref<1x256x128xf32, #tpu.memory_space<vmem>>
    %dma_wait3A_203 = tpu.memref_squeeze %dma_wait3A_202 : memref<1x256x128xf32, #tpu.memory_space<vmem>> -> memref<256x128xf32, #tpu.memory_space<vmem>>
    %dma_wait3A_204 = arith.constant 0 : i32
    %dma_wait3A_205 = arith.constant 0 : i32
    %dma_wait3A_206 = tpu.memref_slice %arg2[%dma_wait3A_204, %dma_wait3A_205] : memref<808x128xf32, #tpu.memory_space<hbm>> -> memref<808x128xf32, #tpu.memory_space<hbm>>
    tpu.wait_indirect_dma semaphore(%arg9 : memref<!tpu.dma_semaphore, #tpu.memory_space<semaphore_mem>>) src(%dma_wait3A_206 : memref<808x128xf32, #tpu.memory_space<hbm>>) dst(%dma_wait3A_203 : memref<256x128xf32, #tpu.memory_space<vmem>>)
    %add3A_207 = arith.constant 256 : i32
    %add3A_208 = arith.addi %mul3A_2, %add3A_207 : i32
    %run_scoped3A_209 = arith.constant 1 : i32
    %run_scoped3A_210 = arith.constant 2 : i32
    "tpu.region"() ({
      %run_scoped3A_511 = tpu.sem_alloc : memref<!tpu.dma_semaphore, #tpu.memory_space<semaphore_mem>>
      %dma_start3A_512 = arith.constant 0 : i32
      %dma_start3A_513 = arith.constant 0 : i32
      %dma_start3A_514 = tpu.memref_slice %arg7[%run_scoped3A_209, %dma_start3A_512, %dma_start3A_513] : memref<2x256x128xf32, #tpu.memory_space<vmem>> -> memref<1x256x128xf32, #tpu.memory_space<vmem>>
      %dma_start3A_515 = tpu.memref_squeeze %dma_start3A_514 : memref<1x256x128xf32, #tpu.memory_space<vmem>> -> memref<256x128xf32, #tpu.memory_space<vmem>>
      %dma_start3A_516 = arith.constant 0 : i32
      %dma_start3A_517 = tpu.memref_slice %arg4[%run_scoped3A_210, %add3A_208, %dma_start3A_516] : memref<8x16384x128xf32, #tpu.memory_space<hbm>> -> memref<1x256x128xf32, #tpu.memory_space<hbm>>
      %dma_start3A_518 = tpu.memref_squeeze %dma_start3A_517 : memref<1x256x128xf32, #tpu.memory_space<hbm>> -> memref<256x128xf32, #tpu.memory_space<hbm>>
      %dma_start3A_519 = arith.constant 0 : i32
      %dma_start3A_520 = tpu.memref_slice %arg4[%run_scoped3A_210, %add3A_208, %dma_start3A_519] : memref<8x16384x128xf32, #tpu.memory_space<hbm>> -> memref<1x256x128xf32, #tpu.memory_space<hbm>>
      %dma_start3A_521 = tpu.memref_squeeze %dma_start3A_520 : memref<1x256x128xf32, #tpu.memory_space<hbm>> -> memref<256x128xf32, #tpu.memory_space<hbm>>
      %dma_start3A_522 = arith.constant 0 : i32
      %dma_start3A_523 = arith.constant 0 : i32
      %dma_start3A_524 = tpu.memref_slice %arg7[%run_scoped3A_209, %dma_start3A_522, %dma_start3A_523] : memref<2x256x128xf32, #tpu.memory_space<vmem>> -> memref<1x256x128xf32, #tpu.memory_space<vmem>>
      %dma_start3A_525 = tpu.memref_squeeze %dma_start3A_524 : memref<1x256x128xf32, #tpu.memory_space<vmem>> -> memref<256x128xf32, #tpu.memory_space<vmem>>
      tpu.enqueue_dma source(%dma_start3A_525 : memref<256x128xf32, #tpu.memory_space<vmem>>) target(%dma_start3A_521 : memref<256x128xf32, #tpu.memory_space<hbm>>) target_semaphore(%run_scoped3A_511 : memref<!tpu.dma_semaphore, #tpu.memory_space<semaphore_mem>>)
      %dma_wait3A_526 = arith.constant 0 : i32
      %dma_wait3A_527 = arith.constant 0 : i32
      %dma_wait3A_528 = tpu.memref_slice %arg7[%run_scoped3A_209, %dma_wait3A_526, %dma_wait3A_527] : memref<2x256x128xf32, #tpu.memory_space<vmem>> -> memref<1x256x128xf32, #tpu.memory_space<vmem>>
      %dma_wait3A_529 = tpu.memref_squeeze %dma_wait3A_528 : memref<1x256x128xf32, #tpu.memory_space<vmem>> -> memref<256x128xf32, #tpu.memory_space<vmem>>
      %dma_wait3A_530 = arith.constant 0 : i32
      %dma_wait3A_531 = tpu.memref_slice %arg4[%run_scoped3A_210, %add3A_208, %dma_wait3A_530] : memref<8x16384x128xf32, #tpu.memory_space<hbm>> -> memref<1x256x128xf32, #tpu.memory_space<hbm>>
      %dma_wait3A_532 = tpu.memref_squeeze %dma_wait3A_531 : memref<1x256x128xf32, #tpu.memory_space<hbm>> -> memref<256x128xf32, #tpu.memory_space<hbm>>
      %dma_wait3A_533 = arith.constant 0 : i32
      %dma_wait3A_534 = tpu.memref_slice %arg4[%run_scoped3A_210, %add3A_208, %dma_wait3A_533] : memref<8x16384x128xf32, #tpu.memory_space<hbm>> -> memref<1x256x128xf32, #tpu.memory_space<hbm>>
      %dma_wait3A_535 = tpu.memref_squeeze %dma_wait3A_534 : memref<1x256x128xf32, #tpu.memory_space<hbm>> -> memref<256x128xf32, #tpu.memory_space<hbm>>
      %dma_wait3A_536 = arith.constant 0 : i32
      %dma_wait3A_537 = arith.constant 0 : i32
      %dma_wait3A_538 = tpu.memref_slice %arg7[%run_scoped3A_209, %dma_wait3A_536, %dma_wait3A_537] : memref<2x256x128xf32, #tpu.memory_space<vmem>> -> memref<1x256x128xf32, #tpu.memory_space<vmem>>
      %dma_wait3A_539 = tpu.memref_squeeze %dma_wait3A_538 : memref<1x256x128xf32, #tpu.memory_space<vmem>> -> memref<256x128xf32, #tpu.memory_space<vmem>>
      tpu.wait_dma2 semaphore(%run_scoped3A_511 : memref<!tpu.dma_semaphore, #tpu.memory_space<semaphore_mem>>) src(%dma_wait3A_539 : memref<256x128xf32, #tpu.memory_space<vmem>>) dst(%dma_wait3A_535 : memref<256x128xf32, #tpu.memory_space<hbm>>)
      tpu.yield
    }) : () -> ()
    %add3A_211 = arith.constant 49152 : i32
    %add3A_212 = arith.addi %add3A_211, %mul3A_2 : i32
    %add3A_213 = arith.constant 256 : i32
    %add3A_214 = arith.addi %add3A_212, %add3A_213 : i32
    "tpu.region"() ({
      %run_scoped3A_511 = tpu.sem_alloc : memref<!tpu.dma_semaphore, #tpu.memory_space<semaphore_mem>>
      %dma_start3A_512 = tpu.memref_slice %arg3[%add3A_214] : memref<131072xi32, #tpu.memory_space<hbm>> -> memref<256xi32, #tpu.memory_space<hbm>>
      %dma_start3A_513 = tpu.memref_slice %arg3[%add3A_214] : memref<131072xi32, #tpu.memory_space<hbm>> -> memref<256xi32, #tpu.memory_space<hbm>>
      tpu.enqueue_dma source(%dma_start3A_513 : memref<256xi32, #tpu.memory_space<hbm>>) target(%arg6 : memref<256xi32, #tpu.memory_space<vmem>>) target_semaphore(%run_scoped3A_511 : memref<!tpu.dma_semaphore, #tpu.memory_space<semaphore_mem>>)
      %dma_wait3A_514 = tpu.memref_slice %arg3[%add3A_214] : memref<131072xi32, #tpu.memory_space<hbm>> -> memref<256xi32, #tpu.memory_space<hbm>>
      %dma_wait3A_515 = tpu.memref_slice %arg3[%add3A_214] : memref<131072xi32, #tpu.memory_space<hbm>> -> memref<256xi32, #tpu.memory_space<hbm>>
      tpu.wait_dma2 semaphore(%run_scoped3A_511 : memref<!tpu.dma_semaphore, #tpu.memory_space<semaphore_mem>>) src(%dma_wait3A_515 : memref<256xi32, #tpu.memory_space<hbm>>) dst(%arg6 : memref<256xi32, #tpu.memory_space<vmem>>)
      tpu.yield
    }) : () -> ()
    %scan3A_215 = arith.constant 303 : i32
    %scan3A_216 = arith.constant 0 : i32
    %scan3A_217 = arith.constant 0 : i32
    %scan3A_218 = arith.constant 16 : i32
    %scan3A_219 = arith.addi %scan3A_217, %scan3A_218 : i32
    %scan3A_220 = arith.constant 1 : i32
    %scan3A_221 = scf.for %scan3A_511 = %scan3A_217 to %scan3A_219 step %scan3A_220 iter_args(%scan3A_512 = %scan3A_216) -> (i32)  : i32 {
      %mul3A_513 = arith.constant 16 : i32
      %mul3A_514 = arith.muli %scan3A_511, %mul3A_513 : i32
      %get3A = arith.index_cast %mul3A_514 : i32 to index
      %get3A_515 = tpu.vector_load %arg6[%get3A] {strides = array<i32>} : memref<256xi32, #tpu.memory_space<vmem>>, vector<16xi32>,
      %get3A_516 = vector.shape_cast %get3A_515 : vector<16xi32> to vector<16xi32>
      %add3A_517 = vector.broadcast %scan3A_215 : i32 to vector<16xi32>
      %add3A_518 = arith.addi %get3A_516, %add3A_517 : vector<16xi32>
      %swap3A = arith.index_cast %mul3A_514 : i32 to index
      %swap3A_519 = tpu.vector_load %arg6[%swap3A] {strides = array<i32>} : memref<256xi32, #tpu.memory_space<vmem>>, vector<16xi32>,
      %swap3A_520 = vector.shape_cast %swap3A_519 : vector<16xi32> to vector<16xi32>
      %swap3A_521 = vector.shape_cast %add3A_518 : vector<16xi32> to vector<16xi32>
      tpu.vector_store %arg6[%swap3A], %swap3A_521 {strides = array<i32>} : memref<256xi32, #tpu.memory_space<vmem>>, vector<16xi32>,
      %scan3A_522 = arith.constant 0 : i32
      scf.yield %scan3A_522 : i32
    }
    %scan3A_222 = arith.constant 16 : i32
    %dma_start3A_223 = arith.constant 1 : i32
    %dma_start3A_224 = arith.constant 0 : i32
    %dma_start3A_225 = arith.constant 0 : i32
    %dma_start3A_226 = tpu.memref_slice %arg7[%dma_start3A_223, %dma_start3A_224, %dma_start3A_225] : memref<2x256x128xf32, #tpu.memory_space<vmem>> -> memref<1x256x128xf32, #tpu.memory_space<vmem>>
    %dma_start3A_227 = tpu.memref_squeeze %dma_start3A_226 : memref<1x256x128xf32, #tpu.memory_space<vmem>> -> memref<256x128xf32, #tpu.memory_space<vmem>>
    %dma_start3A_228 = arith.constant 0 : i32
    %dma_start3A_229 = arith.constant 0 : i32
    %dma_start3A_230 = tpu.memref_slice %arg2[%dma_start3A_228, %dma_start3A_229] : memref<808x128xf32, #tpu.memory_space<hbm>> -> memref<808x128xf32, #tpu.memory_space<hbm>>
    tpu.enqueue_indirect_dma source(%dma_start3A_230 : memref<808x128xf32, #tpu.memory_space<hbm>>) target(%dma_start3A_227 : memref<256x128xf32, #tpu.memory_space<vmem>>) offsets(%arg6 : memref<256xi32, #tpu.memory_space<vmem>>) semaphore(%arg9 : memref<!tpu.dma_semaphore, #tpu.memory_space<semaphore_mem>>)
    %dma_wait3A_231 = arith.constant 0 : i32
    %dma_wait3A_232 = arith.constant 0 : i32
    %dma_wait3A_233 = arith.constant 0 : i32
    %dma_wait3A_234 = tpu.memref_slice %arg7[%dma_wait3A_231, %dma_wait3A_232, %dma_wait3A_233] : memref<2x256x128xf32, #tpu.memory_space<vmem>> -> memref<1x256x128xf32, #tpu.memory_space<vmem>>
    %dma_wait3A_235 = tpu.memref_squeeze %dma_wait3A_234 : memref<1x256x128xf32, #tpu.memory_space<vmem>> -> memref<256x128xf32, #tpu.memory_space<vmem>>
    %dma_wait3A_236 = arith.constant 0 : i32
    %dma_wait3A_237 = arith.constant 0 : i32
    %dma_wait3A_238 = tpu.memref_slice %arg2[%dma_wait3A_236, %dma_wait3A_237] : memref<808x128xf32, #tpu.memory_space<hbm>> -> memref<808x128xf32, #tpu.memory_space<hbm>>
    tpu.wait_indirect_dma semaphore(%arg8 : memref<!tpu.dma_semaphore, #tpu.memory_space<semaphore_mem>>) src(%dma_wait3A_238 : memref<808x128xf32, #tpu.memory_space<hbm>>) dst(%dma_wait3A_235 : memref<256x128xf32, #tpu.memory_space<vmem>>)
    %add3A_239 = arith.constant 0 : i32
    %add3A_240 = arith.addi %mul3A_2, %add3A_239 : i32
    %run_scoped3A_241 = arith.constant 0 : i32
    %run_scoped3A_242 = arith.constant 3 : i32
    "tpu.region"() ({
      %run_scoped3A_511 = tpu.sem_alloc : memref<!tpu.dma_semaphore, #tpu.memory_space<semaphore_mem>>
      %dma_start3A_512 = arith.constant 0 : i32
      %dma_start3A_513 = arith.constant 0 : i32
      %dma_start3A_514 = tpu.memref_slice %arg7[%run_scoped3A_241, %dma_start3A_512, %dma_start3A_513] : memref<2x256x128xf32, #tpu.memory_space<vmem>> -> memref<1x256x128xf32, #tpu.memory_space<vmem>>
      %dma_start3A_515 = tpu.memref_squeeze %dma_start3A_514 : memref<1x256x128xf32, #tpu.memory_space<vmem>> -> memref<256x128xf32, #tpu.memory_space<vmem>>
      %dma_start3A_516 = arith.constant 0 : i32
      %dma_start3A_517 = tpu.memref_slice %arg4[%run_scoped3A_242, %add3A_240, %dma_start3A_516] : memref<8x16384x128xf32, #tpu.memory_space<hbm>> -> memref<1x256x128xf32, #tpu.memory_space<hbm>>
      %dma_start3A_518 = tpu.memref_squeeze %dma_start3A_517 : memref<1x256x128xf32, #tpu.memory_space<hbm>> -> memref<256x128xf32, #tpu.memory_space<hbm>>
      %dma_start3A_519 = arith.constant 0 : i32
      %dma_start3A_520 = tpu.memref_slice %arg4[%run_scoped3A_242, %add3A_240, %dma_start3A_519] : memref<8x16384x128xf32, #tpu.memory_space<hbm>> -> memref<1x256x128xf32, #tpu.memory_space<hbm>>
      %dma_start3A_521 = tpu.memref_squeeze %dma_start3A_520 : memref<1x256x128xf32, #tpu.memory_space<hbm>> -> memref<256x128xf32, #tpu.memory_space<hbm>>
      %dma_start3A_522 = arith.constant 0 : i32
      %dma_start3A_523 = arith.constant 0 : i32
      %dma_start3A_524 = tpu.memref_slice %arg7[%run_scoped3A_241, %dma_start3A_522, %dma_start3A_523] : memref<2x256x128xf32, #tpu.memory_space<vmem>> -> memref<1x256x128xf32, #tpu.memory_space<vmem>>
      %dma_start3A_525 = tpu.memref_squeeze %dma_start3A_524 : memref<1x256x128xf32, #tpu.memory_space<vmem>> -> memref<256x128xf32, #tpu.memory_space<vmem>>
      tpu.enqueue_dma source(%dma_start3A_525 : memref<256x128xf32, #tpu.memory_space<vmem>>) target(%dma_start3A_521 : memref<256x128xf32, #tpu.memory_space<hbm>>) target_semaphore(%run_scoped3A_511 : memref<!tpu.dma_semaphore, #tpu.memory_space<semaphore_mem>>)
      %dma_wait3A_526 = arith.constant 0 : i32
      %dma_wait3A_527 = arith.constant 0 : i32
      %dma_wait3A_528 = tpu.memref_slice %arg7[%run_scoped3A_241, %dma_wait3A_526, %dma_wait3A_527] : memref<2x256x128xf32, #tpu.memory_space<vmem>> -> memref<1x256x128xf32, #tpu.memory_space<vmem>>
      %dma_wait3A_529 = tpu.memref_squeeze %dma_wait3A_528 : memref<1x256x128xf32, #tpu.memory_space<vmem>> -> memref<256x128xf32, #tpu.memory_space<vmem>>
      %dma_wait3A_530 = arith.constant 0 : i32
      %dma_wait3A_531 = tpu.memref_slice %arg4[%run_scoped3A_242, %add3A_240, %dma_wait3A_530] : memref<8x16384x128xf32, #tpu.memory_space<hbm>> -> memref<1x256x128xf32, #tpu.memory_space<hbm>>
      %dma_wait3A_532 = tpu.memref_squeeze %dma_wait3A_531 : memref<1x256x128xf32, #tpu.memory_space<hbm>> -> memref<256x128xf32, #tpu.memory_space<hbm>>
      %dma_wait3A_533 = arith.constant 0 : i32
      %dma_wait3A_534 = tpu.memref_slice %arg4[%run_scoped3A_242, %add3A_240, %dma_wait3A_533] : memref<8x16384x128xf32, #tpu.memory_space<hbm>> -> memref<1x256x128xf32, #tpu.memory_space<hbm>>
      %dma_wait3A_535 = tpu.memref_squeeze %dma_wait3A_534 : memref<1x256x128xf32, #tpu.memory_space<hbm>> -> memref<256x128xf32, #tpu.memory_space<hbm>>
      %dma_wait3A_536 = arith.constant 0 : i32
      %dma_wait3A_537 = arith.constant 0 : i32
      %dma_wait3A_538 = tpu.memref_slice %arg7[%run_scoped3A_241, %dma_wait3A_536, %dma_wait3A_537] : memref<2x256x128xf32, #tpu.memory_space<vmem>> -> memref<1x256x128xf32, #tpu.memory_space<vmem>>
      %dma_wait3A_539 = tpu.memref_squeeze %dma_wait3A_538 : memref<1x256x128xf32, #tpu.memory_space<vmem>> -> memref<256x128xf32, #tpu.memory_space<vmem>>
      tpu.wait_dma2 semaphore(%run_scoped3A_511 : memref<!tpu.dma_semaphore, #tpu.memory_space<semaphore_mem>>) src(%dma_wait3A_539 : memref<256x128xf32, #tpu.memory_space<vmem>>) dst(%dma_wait3A_535 : memref<256x128xf32, #tpu.memory_space<hbm>>)
      tpu.yield
    }) : () -> ()
    %add3A_243 = arith.constant 65536 : i32
    %add3A_244 = arith.addi %add3A_243, %mul3A_2 : i32
    %add3A_245 = arith.constant 0 : i32
    %add3A_246 = arith.addi %add3A_244, %add3A_245 : i32
    "tpu.region"() ({
      %run_scoped3A_511 = tpu.sem_alloc : memref<!tpu.dma_semaphore, #tpu.memory_space<semaphore_mem>>
      %dma_start3A_512 = tpu.memref_slice %arg3[%add3A_246] : memref<131072xi32, #tpu.memory_space<hbm>> -> memref<256xi32, #tpu.memory_space<hbm>>
      %dma_start3A_513 = tpu.memref_slice %arg3[%add3A_246] : memref<131072xi32, #tpu.memory_space<hbm>> -> memref<256xi32, #tpu.memory_space<hbm>>
      tpu.enqueue_dma source(%dma_start3A_513 : memref<256xi32, #tpu.memory_space<hbm>>) target(%arg5 : memref<256xi32, #tpu.memory_space<vmem>>) target_semaphore(%run_scoped3A_511 : memref<!tpu.dma_semaphore, #tpu.memory_space<semaphore_mem>>)
      %dma_wait3A_514 = tpu.memref_slice %arg3[%add3A_246] : memref<131072xi32, #tpu.memory_space<hbm>> -> memref<256xi32, #tpu.memory_space<hbm>>
      %dma_wait3A_515 = tpu.memref_slice %arg3[%add3A_246] : memref<131072xi32, #tpu.memory_space<hbm>> -> memref<256xi32, #tpu.memory_space<hbm>>
      tpu.wait_dma2 semaphore(%run_scoped3A_511 : memref<!tpu.dma_semaphore, #tpu.memory_space<semaphore_mem>>) src(%dma_wait3A_515 : memref<256xi32, #tpu.memory_space<hbm>>) dst(%arg5 : memref<256xi32, #tpu.memory_space<vmem>>)
      tpu.yield
    }) : () -> ()
    %scan3A_247 = arith.constant 404 : i32
    %scan3A_248 = arith.constant 0 : i32
    %scan3A_249 = arith.constant 0 : i32
    %scan3A_250 = arith.constant 16 : i32
    %scan3A_251 = arith.addi %scan3A_249, %scan3A_250 : i32
    %scan3A_252 = arith.constant 1 : i32
    %scan3A_253 = scf.for %scan3A_511 = %scan3A_249 to %scan3A_251 step %scan3A_252 iter_args(%scan3A_512 = %scan3A_248) -> (i32)  : i32 {
      %mul3A_513 = arith.constant 16 : i32
      %mul3A_514 = arith.muli %scan3A_511, %mul3A_513 : i32
      %get3A = arith.index_cast %mul3A_514 : i32 to index
      %get3A_515 = tpu.vector_load %arg5[%get3A] {strides = array<i32>} : memref<256xi32, #tpu.memory_space<vmem>>, vector<16xi32>,
      %get3A_516 = vector.shape_cast %get3A_515 : vector<16xi32> to vector<16xi32>
      %add3A_517 = vector.broadcast %scan3A_247 : i32 to vector<16xi32>
      %add3A_518 = arith.addi %get3A_516, %add3A_517 : vector<16xi32>
      %swap3A = arith.index_cast %mul3A_514 : i32 to index
      %swap3A_519 = tpu.vector_load %arg5[%swap3A] {strides = array<i32>} : memref<256xi32, #tpu.memory_space<vmem>>, vector<16xi32>,
      %swap3A_520 = vector.shape_cast %swap3A_519 : vector<16xi32> to vector<16xi32>
      %swap3A_521 = vector.shape_cast %add3A_518 : vector<16xi32> to vector<16xi32>
      tpu.vector_store %arg5[%swap3A], %swap3A_521 {strides = array<i32>} : memref<256xi32, #tpu.memory_space<vmem>>, vector<16xi32>,
      %scan3A_522 = arith.constant 0 : i32
      scf.yield %scan3A_522 : i32
    }
    %scan3A_254 = arith.constant 16 : i32
    %dma_start3A_255 = arith.constant 0 : i32
    %dma_start3A_256 = arith.constant 0 : i32
    %dma_start3A_257 = arith.constant 0 : i32
    %dma_start3A_258 = tpu.memref_slice %arg7[%dma_start3A_255, %dma_start3A_256, %dma_start3A_257] : memref<2x256x128xf32, #tpu.memory_space<vmem>> -> memref<1x256x128xf32, #tpu.memory_space<vmem>>
    %dma_start3A_259 = tpu.memref_squeeze %dma_start3A_258 : memref<1x256x128xf32, #tpu.memory_space<vmem>> -> memref<256x128xf32, #tpu.memory_space<vmem>>
    %dma_start3A_260 = arith.constant 0 : i32
    %dma_start3A_261 = arith.constant 0 : i32
    %dma_start3A_262 = tpu.memref_slice %arg2[%dma_start3A_260, %dma_start3A_261] : memref<808x128xf32, #tpu.memory_space<hbm>> -> memref<808x128xf32, #tpu.memory_space<hbm>>
    tpu.enqueue_indirect_dma source(%dma_start3A_262 : memref<808x128xf32, #tpu.memory_space<hbm>>) target(%dma_start3A_259 : memref<256x128xf32, #tpu.memory_space<vmem>>) offsets(%arg5 : memref<256xi32, #tpu.memory_space<vmem>>) semaphore(%arg8 : memref<!tpu.dma_semaphore, #tpu.memory_space<semaphore_mem>>)
    %dma_wait3A_263 = arith.constant 1 : i32
    %dma_wait3A_264 = arith.constant 0 : i32
    %dma_wait3A_265 = arith.constant 0 : i32
    %dma_wait3A_266 = tpu.memref_slice %arg7[%dma_wait3A_263, %dma_wait3A_264, %dma_wait3A_265] : memref<2x256x128xf32, #tpu.memory_space<vmem>> -> memref<1x256x128xf32, #tpu.memory_space<vmem>>
    %dma_wait3A_267 = tpu.memref_squeeze %dma_wait3A_266 : memref<1x256x128xf32, #tpu.memory_space<vmem>> -> memref<256x128xf32, #tpu.memory_space<vmem>>
    %dma_wait3A_268 = arith.constant 0 : i32
    %dma_wait3A_269 = arith.constant 0 : i32
    %dma_wait3A_270 = tpu.memref_slice %arg2[%dma_wait3A_268, %dma_wait3A_269] : memref<808x128xf32, #tpu.memory_space<hbm>> -> memref<808x128xf32, #tpu.memory_space<hbm>>
    tpu.wait_indirect_dma semaphore(%arg9 : memref<!tpu.dma_semaphore, #tpu.memory_space<semaphore_mem>>) src(%dma_wait3A_270 : memref<808x128xf32, #tpu.memory_space<hbm>>) dst(%dma_wait3A_267 : memref<256x128xf32, #tpu.memory_space<vmem>>)
    %add3A_271 = arith.constant 256 : i32
    %add3A_272 = arith.addi %mul3A_2, %add3A_271 : i32
    %run_scoped3A_273 = arith.constant 1 : i32
    %run_scoped3A_274 = arith.constant 3 : i32
    "tpu.region"() ({
      %run_scoped3A_511 = tpu.sem_alloc : memref<!tpu.dma_semaphore, #tpu.memory_space<semaphore_mem>>
      %dma_start3A_512 = arith.constant 0 : i32
      %dma_start3A_513 = arith.constant 0 : i32
      %dma_start3A_514 = tpu.memref_slice %arg7[%run_scoped3A_273, %dma_start3A_512, %dma_start3A_513] : memref<2x256x128xf32, #tpu.memory_space<vmem>> -> memref<1x256x128xf32, #tpu.memory_space<vmem>>
      %dma_start3A_515 = tpu.memref_squeeze %dma_start3A_514 : memref<1x256x128xf32, #tpu.memory_space<vmem>> -> memref<256x128xf32, #tpu.memory_space<vmem>>
      %dma_start3A_516 = arith.constant 0 : i32
      %dma_start3A_517 = tpu.memref_slice %arg4[%run_scoped3A_274, %add3A_272, %dma_start3A_516] : memref<8x16384x128xf32, #tpu.memory_space<hbm>> -> memref<1x256x128xf32, #tpu.memory_space<hbm>>
      %dma_start3A_518 = tpu.memref_squeeze %dma_start3A_517 : memref<1x256x128xf32, #tpu.memory_space<hbm>> -> memref<256x128xf32, #tpu.memory_space<hbm>>
      %dma_start3A_519 = arith.constant 0 : i32
      %dma_start3A_520 = tpu.memref_slice %arg4[%run_scoped3A_274, %add3A_272, %dma_start3A_519] : memref<8x16384x128xf32, #tpu.memory_space<hbm>> -> memref<1x256x128xf32, #tpu.memory_space<hbm>>
      %dma_start3A_521 = tpu.memref_squeeze %dma_start3A_520 : memref<1x256x128xf32, #tpu.memory_space<hbm>> -> memref<256x128xf32, #tpu.memory_space<hbm>>
      %dma_start3A_522 = arith.constant 0 : i32
      %dma_start3A_523 = arith.constant 0 : i32
      %dma_start3A_524 = tpu.memref_slice %arg7[%run_scoped3A_273, %dma_start3A_522, %dma_start3A_523] : memref<2x256x128xf32, #tpu.memory_space<vmem>> -> memref<1x256x128xf32, #tpu.memory_space<vmem>>
      %dma_start3A_525 = tpu.memref_squeeze %dma_start3A_524 : memref<1x256x128xf32, #tpu.memory_space<vmem>> -> memref<256x128xf32, #tpu.memory_space<vmem>>
      tpu.enqueue_dma source(%dma_start3A_525 : memref<256x128xf32, #tpu.memory_space<vmem>>) target(%dma_start3A_521 : memref<256x128xf32, #tpu.memory_space<hbm>>) target_semaphore(%run_scoped3A_511 : memref<!tpu.dma_semaphore, #tpu.memory_space<semaphore_mem>>)
      %dma_wait3A_526 = arith.constant 0 : i32
      %dma_wait3A_527 = arith.constant 0 : i32
      %dma_wait3A_528 = tpu.memref_slice %arg7[%run_scoped3A_273, %dma_wait3A_526, %dma_wait3A_527] : memref<2x256x128xf32, #tpu.memory_space<vmem>> -> memref<1x256x128xf32, #tpu.memory_space<vmem>>
      %dma_wait3A_529 = tpu.memref_squeeze %dma_wait3A_528 : memref<1x256x128xf32, #tpu.memory_space<vmem>> -> memref<256x128xf32, #tpu.memory_space<vmem>>
      %dma_wait3A_530 = arith.constant 0 : i32
      %dma_wait3A_531 = tpu.memref_slice %arg4[%run_scoped3A_274, %add3A_272, %dma_wait3A_530] : memref<8x16384x128xf32, #tpu.memory_space<hbm>> -> memref<1x256x128xf32, #tpu.memory_space<hbm>>
      %dma_wait3A_532 = tpu.memref_squeeze %dma_wait3A_531 : memref<1x256x128xf32, #tpu.memory_space<hbm>> -> memref<256x128xf32, #tpu.memory_space<hbm>>
      %dma_wait3A_533 = arith.constant 0 : i32
      %dma_wait3A_534 = tpu.memref_slice %arg4[%run_scoped3A_274, %add3A_272, %dma_wait3A_533] : memref<8x16384x128xf32, #tpu.memory_space<hbm>> -> memref<1x256x128xf32, #tpu.memory_space<hbm>>
      %dma_wait3A_535 = tpu.memref_squeeze %dma_wait3A_534 : memref<1x256x128xf32, #tpu.memory_space<hbm>> -> memref<256x128xf32, #tpu.memory_space<hbm>>
      %dma_wait3A_536 = arith.constant 0 : i32
      %dma_wait3A_537 = arith.constant 0 : i32
      %dma_wait3A_538 = tpu.memref_slice %arg7[%run_scoped3A_273, %dma_wait3A_536, %dma_wait3A_537] : memref<2x256x128xf32, #tpu.memory_space<vmem>> -> memref<1x256x128xf32, #tpu.memory_space<vmem>>
      %dma_wait3A_539 = tpu.memref_squeeze %dma_wait3A_538 : memref<1x256x128xf32, #tpu.memory_space<vmem>> -> memref<256x128xf32, #tpu.memory_space<vmem>>
      tpu.wait_dma2 semaphore(%run_scoped3A_511 : memref<!tpu.dma_semaphore, #tpu.memory_space<semaphore_mem>>) src(%dma_wait3A_539 : memref<256x128xf32, #tpu.memory_space<vmem>>) dst(%dma_wait3A_535 : memref<256x128xf32, #tpu.memory_space<hbm>>)
      tpu.yield
    }) : () -> ()
    %add3A_275 = arith.constant 65536 : i32
    %add3A_276 = arith.addi %add3A_275, %mul3A_2 : i32
    %add3A_277 = arith.constant 256 : i32
    %add3A_278 = arith.addi %add3A_276, %add3A_277 : i32
    "tpu.region"() ({
      %run_scoped3A_511 = tpu.sem_alloc : memref<!tpu.dma_semaphore, #tpu.memory_space<semaphore_mem>>
      %dma_start3A_512 = tpu.memref_slice %arg3[%add3A_278] : memref<131072xi32, #tpu.memory_space<hbm>> -> memref<256xi32, #tpu.memory_space<hbm>>
      %dma_start3A_513 = tpu.memref_slice %arg3[%add3A_278] : memref<131072xi32, #tpu.memory_space<hbm>> -> memref<256xi32, #tpu.memory_space<hbm>>
      tpu.enqueue_dma source(%dma_start3A_513 : memref<256xi32, #tpu.memory_space<hbm>>) target(%arg6 : memref<256xi32, #tpu.memory_space<vmem>>) target_semaphore(%run_scoped3A_511 : memref<!tpu.dma_semaphore, #tpu.memory_space<semaphore_mem>>)
      %dma_wait3A_514 = tpu.memref_slice %arg3[%add3A_278] : memref<131072xi32, #tpu.memory_space<hbm>> -> memref<256xi32, #tpu.memory_space<hbm>>
      %dma_wait3A_515 = tpu.memref_slice %arg3[%add3A_278] : memref<131072xi32, #tpu.memory_space<hbm>> -> memref<256xi32, #tpu.memory_space<hbm>>
      tpu.wait_dma2 semaphore(%run_scoped3A_511 : memref<!tpu.dma_semaphore, #tpu.memory_space<semaphore_mem>>) src(%dma_wait3A_515 : memref<256xi32, #tpu.memory_space<hbm>>) dst(%arg6 : memref<256xi32, #tpu.memory_space<vmem>>)
      tpu.yield
    }) : () -> ()
    %scan3A_279 = arith.constant 404 : i32
    %scan3A_280 = arith.constant 0 : i32
    %scan3A_281 = arith.constant 0 : i32
    %scan3A_282 = arith.constant 16 : i32
    %scan3A_283 = arith.addi %scan3A_281, %scan3A_282 : i32
    %scan3A_284 = arith.constant 1 : i32
    %scan3A_285 = scf.for %scan3A_511 = %scan3A_281 to %scan3A_283 step %scan3A_284 iter_args(%scan3A_512 = %scan3A_280) -> (i32)  : i32 {
      %mul3A_513 = arith.constant 16 : i32
      %mul3A_514 = arith.muli %scan3A_511, %mul3A_513 : i32
      %get3A = arith.index_cast %mul3A_514 : i32 to index
      %get3A_515 = tpu.vector_load %arg6[%get3A] {strides = array<i32>} : memref<256xi32, #tpu.memory_space<vmem>>, vector<16xi32>,
      %get3A_516 = vector.shape_cast %get3A_515 : vector<16xi32> to vector<16xi32>
      %add3A_517 = vector.broadcast %scan3A_279 : i32 to vector<16xi32>
      %add3A_518 = arith.addi %get3A_516, %add3A_517 : vector<16xi32>
      %swap3A = arith.index_cast %mul3A_514 : i32 to index
      %swap3A_519 = tpu.vector_load %arg6[%swap3A] {strides = array<i32>} : memref<256xi32, #tpu.memory_space<vmem>>, vector<16xi32>,
      %swap3A_520 = vector.shape_cast %swap3A_519 : vector<16xi32> to vector<16xi32>
      %swap3A_521 = vector.shape_cast %add3A_518 : vector<16xi32> to vector<16xi32>
      tpu.vector_store %arg6[%swap3A], %swap3A_521 {strides = array<i32>} : memref<256xi32, #tpu.memory_space<vmem>>, vector<16xi32>,
      %scan3A_522 = arith.constant 0 : i32
      scf.yield %scan3A_522 : i32
    }
    %scan3A_286 = arith.constant 16 : i32
    %dma_start3A_287 = arith.constant 1 : i32
    %dma_start3A_288 = arith.constant 0 : i32
    %dma_start3A_289 = arith.constant 0 : i32
    %dma_start3A_290 = tpu.memref_slice %arg7[%dma_start3A_287, %dma_start3A_288, %dma_start3A_289] : memref<2x256x128xf32, #tpu.memory_space<vmem>> -> memref<1x256x128xf32, #tpu.memory_space<vmem>>
    %dma_start3A_291 = tpu.memref_squeeze %dma_start3A_290 : memref<1x256x128xf32, #tpu.memory_space<vmem>> -> memref<256x128xf32, #tpu.memory_space<vmem>>
    %dma_start3A_292 = arith.constant 0 : i32
    %dma_start3A_293 = arith.constant 0 : i32
    %dma_start3A_294 = tpu.memref_slice %arg2[%dma_start3A_292, %dma_start3A_293] : memref<808x128xf32, #tpu.memory_space<hbm>> -> memref<808x128xf32, #tpu.memory_space<hbm>>
    tpu.enqueue_indirect_dma source(%dma_start3A_294 : memref<808x128xf32, #tpu.memory_space<hbm>>) target(%dma_start3A_291 : memref<256x128xf32, #tpu.memory_space<vmem>>) offsets(%arg6 : memref<256xi32, #tpu.memory_space<vmem>>) semaphore(%arg9 : memref<!tpu.dma_semaphore, #tpu.memory_space<semaphore_mem>>)
    %dma_wait3A_295 = arith.constant 0 : i32
    %dma_wait3A_296 = arith.constant 0 : i32
    %dma_wait3A_297 = arith.constant 0 : i32
    %dma_wait3A_298 = tpu.memref_slice %arg7[%dma_wait3A_295, %dma_wait3A_296, %dma_wait3A_297] : memref<2x256x128xf32, #tpu.memory_space<vmem>> -> memref<1x256x128xf32, #tpu.memory_space<vmem>>
    %dma_wait3A_299 = tpu.memref_squeeze %dma_wait3A_298 : memref<1x256x128xf32, #tpu.memory_space<vmem>> -> memref<256x128xf32, #tpu.memory_space<vmem>>
    %dma_wait3A_300 = arith.constant 0 : i32
    %dma_wait3A_301 = arith.constant 0 : i32
    %dma_wait3A_302 = tpu.memref_slice %arg2[%dma_wait3A_300, %dma_wait3A_301] : memref<808x128xf32, #tpu.memory_space<hbm>> -> memref<808x128xf32, #tpu.memory_space<hbm>>
    tpu.wait_indirect_dma semaphore(%arg8 : memref<!tpu.dma_semaphore, #tpu.memory_space<semaphore_mem>>) src(%dma_wait3A_302 : memref<808x128xf32, #tpu.memory_space<hbm>>) dst(%dma_wait3A_299 : memref<256x128xf32, #tpu.memory_space<vmem>>)
    %add3A_303 = arith.constant 0 : i32
    %add3A_304 = arith.addi %mul3A_2, %add3A_303 : i32
    %run_scoped3A_305 = arith.constant 0 : i32
    %run_scoped3A_306 = arith.constant 4 : i32
    "tpu.region"() ({
      %run_scoped3A_511 = tpu.sem_alloc : memref<!tpu.dma_semaphore, #tpu.memory_space<semaphore_mem>>
      %dma_start3A_512 = arith.constant 0 : i32
      %dma_start3A_513 = arith.constant 0 : i32
      %dma_start3A_514 = tpu.memref_slice %arg7[%run_scoped3A_305, %dma_start3A_512, %dma_start3A_513] : memref<2x256x128xf32, #tpu.memory_space<vmem>> -> memref<1x256x128xf32, #tpu.memory_space<vmem>>
      %dma_start3A_515 = tpu.memref_squeeze %dma_start3A_514 : memref<1x256x128xf32, #tpu.memory_space<vmem>> -> memref<256x128xf32, #tpu.memory_space<vmem>>
      %dma_start3A_516 = arith.constant 0 : i32
      %dma_start3A_517 = tpu.memref_slice %arg4[%run_scoped3A_306, %add3A_304, %dma_start3A_516] : memref<8x16384x128xf32, #tpu.memory_space<hbm>> -> memref<1x256x128xf32, #tpu.memory_space<hbm>>
      %dma_start3A_518 = tpu.memref_squeeze %dma_start3A_517 : memref<1x256x128xf32, #tpu.memory_space<hbm>> -> memref<256x128xf32, #tpu.memory_space<hbm>>
      %dma_start3A_519 = arith.constant 0 : i32
      %dma_start3A_520 = tpu.memref_slice %arg4[%run_scoped3A_306, %add3A_304, %dma_start3A_519] : memref<8x16384x128xf32, #tpu.memory_space<hbm>> -> memref<1x256x128xf32, #tpu.memory_space<hbm>>
      %dma_start3A_521 = tpu.memref_squeeze %dma_start3A_520 : memref<1x256x128xf32, #tpu.memory_space<hbm>> -> memref<256x128xf32, #tpu.memory_space<hbm>>
      %dma_start3A_522 = arith.constant 0 : i32
      %dma_start3A_523 = arith.constant 0 : i32
      %dma_start3A_524 = tpu.memref_slice %arg7[%run_scoped3A_305, %dma_start3A_522, %dma_start3A_523] : memref<2x256x128xf32, #tpu.memory_space<vmem>> -> memref<1x256x128xf32, #tpu.memory_space<vmem>>
      %dma_start3A_525 = tpu.memref_squeeze %dma_start3A_524 : memref<1x256x128xf32, #tpu.memory_space<vmem>> -> memref<256x128xf32, #tpu.memory_space<vmem>>
      tpu.enqueue_dma source(%dma_start3A_525 : memref<256x128xf32, #tpu.memory_space<vmem>>) target(%dma_start3A_521 : memref<256x128xf32, #tpu.memory_space<hbm>>) target_semaphore(%run_scoped3A_511 : memref<!tpu.dma_semaphore, #tpu.memory_space<semaphore_mem>>)
      %dma_wait3A_526 = arith.constant 0 : i32
      %dma_wait3A_527 = arith.constant 0 : i32
      %dma_wait3A_528 = tpu.memref_slice %arg7[%run_scoped3A_305, %dma_wait3A_526, %dma_wait3A_527] : memref<2x256x128xf32, #tpu.memory_space<vmem>> -> memref<1x256x128xf32, #tpu.memory_space<vmem>>
      %dma_wait3A_529 = tpu.memref_squeeze %dma_wait3A_528 : memref<1x256x128xf32, #tpu.memory_space<vmem>> -> memref<256x128xf32, #tpu.memory_space<vmem>>
      %dma_wait3A_530 = arith.constant 0 : i32
      %dma_wait3A_531 = tpu.memref_slice %arg4[%run_scoped3A_306, %add3A_304, %dma_wait3A_530] : memref<8x16384x128xf32, #tpu.memory_space<hbm>> -> memref<1x256x128xf32, #tpu.memory_space<hbm>>
      %dma_wait3A_532 = tpu.memref_squeeze %dma_wait3A_531 : memref<1x256x128xf32, #tpu.memory_space<hbm>> -> memref<256x128xf32, #tpu.memory_space<hbm>>
      %dma_wait3A_533 = arith.constant 0 : i32
      %dma_wait3A_534 = tpu.memref_slice %arg4[%run_scoped3A_306, %add3A_304, %dma_wait3A_533] : memref<8x16384x128xf32, #tpu.memory_space<hbm>> -> memref<1x256x128xf32, #tpu.memory_space<hbm>>
      %dma_wait3A_535 = tpu.memref_squeeze %dma_wait3A_534 : memref<1x256x128xf32, #tpu.memory_space<hbm>> -> memref<256x128xf32, #tpu.memory_space<hbm>>
      %dma_wait3A_536 = arith.constant 0 : i32
      %dma_wait3A_537 = arith.constant 0 : i32
      %dma_wait3A_538 = tpu.memref_slice %arg7[%run_scoped3A_305, %dma_wait3A_536, %dma_wait3A_537] : memref<2x256x128xf32, #tpu.memory_space<vmem>> -> memref<1x256x128xf32, #tpu.memory_space<vmem>>
      %dma_wait3A_539 = tpu.memref_squeeze %dma_wait3A_538 : memref<1x256x128xf32, #tpu.memory_space<vmem>> -> memref<256x128xf32, #tpu.memory_space<vmem>>
      tpu.wait_dma2 semaphore(%run_scoped3A_511 : memref<!tpu.dma_semaphore, #tpu.memory_space<semaphore_mem>>) src(%dma_wait3A_539 : memref<256x128xf32, #tpu.memory_space<vmem>>) dst(%dma_wait3A_535 : memref<256x128xf32, #tpu.memory_space<hbm>>)
      tpu.yield
    }) : () -> ()
    %add3A_307 = arith.constant 81920 : i32
    %add3A_308 = arith.addi %add3A_307, %mul3A_2 : i32
    %add3A_309 = arith.constant 0 : i32
    %add3A_310 = arith.addi %add3A_308, %add3A_309 : i32
    "tpu.region"() ({
      %run_scoped3A_511 = tpu.sem_alloc : memref<!tpu.dma_semaphore, #tpu.memory_space<semaphore_mem>>
      %dma_start3A_512 = tpu.memref_slice %arg3[%add3A_310] : memref<131072xi32, #tpu.memory_space<hbm>> -> memref<256xi32, #tpu.memory_space<hbm>>
      %dma_start3A_513 = tpu.memref_slice %arg3[%add3A_310] : memref<131072xi32, #tpu.memory_space<hbm>> -> memref<256xi32, #tpu.memory_space<hbm>>
      tpu.enqueue_dma source(%dma_start3A_513 : memref<256xi32, #tpu.memory_space<hbm>>) target(%arg5 : memref<256xi32, #tpu.memory_space<vmem>>) target_semaphore(%run_scoped3A_511 : memref<!tpu.dma_semaphore, #tpu.memory_space<semaphore_mem>>)
      %dma_wait3A_514 = tpu.memref_slice %arg3[%add3A_310] : memref<131072xi32, #tpu.memory_space<hbm>> -> memref<256xi32, #tpu.memory_space<hbm>>
      %dma_wait3A_515 = tpu.memref_slice %arg3[%add3A_310] : memref<131072xi32, #tpu.memory_space<hbm>> -> memref<256xi32, #tpu.memory_space<hbm>>
      tpu.wait_dma2 semaphore(%run_scoped3A_511 : memref<!tpu.dma_semaphore, #tpu.memory_space<semaphore_mem>>) src(%dma_wait3A_515 : memref<256xi32, #tpu.memory_space<hbm>>) dst(%arg5 : memref<256xi32, #tpu.memory_space<vmem>>)
      tpu.yield
    }) : () -> ()
    %scan3A_311 = arith.constant 505 : i32
    %scan3A_312 = arith.constant 0 : i32
    %scan3A_313 = arith.constant 0 : i32
    %scan3A_314 = arith.constant 16 : i32
    %scan3A_315 = arith.addi %scan3A_313, %scan3A_314 : i32
    %scan3A_316 = arith.constant 1 : i32
    %scan3A_317 = scf.for %scan3A_511 = %scan3A_313 to %scan3A_315 step %scan3A_316 iter_args(%scan3A_512 = %scan3A_312) -> (i32)  : i32 {
      %mul3A_513 = arith.constant 16 : i32
      %mul3A_514 = arith.muli %scan3A_511, %mul3A_513 : i32
      %get3A = arith.index_cast %mul3A_514 : i32 to index
      %get3A_515 = tpu.vector_load %arg5[%get3A] {strides = array<i32>} : memref<256xi32, #tpu.memory_space<vmem>>, vector<16xi32>,
      %get3A_516 = vector.shape_cast %get3A_515 : vector<16xi32> to vector<16xi32>
      %add3A_517 = vector.broadcast %scan3A_311 : i32 to vector<16xi32>
      %add3A_518 = arith.addi %get3A_516, %add3A_517 : vector<16xi32>
      %swap3A = arith.index_cast %mul3A_514 : i32 to index
      %swap3A_519 = tpu.vector_load %arg5[%swap3A] {strides = array<i32>} : memref<256xi32, #tpu.memory_space<vmem>>, vector<16xi32>,
      %swap3A_520 = vector.shape_cast %swap3A_519 : vector<16xi32> to vector<16xi32>
      %swap3A_521 = vector.shape_cast %add3A_518 : vector<16xi32> to vector<16xi32>
      tpu.vector_store %arg5[%swap3A], %swap3A_521 {strides = array<i32>} : memref<256xi32, #tpu.memory_space<vmem>>, vector<16xi32>,
      %scan3A_522 = arith.constant 0 : i32
      scf.yield %scan3A_522 : i32
    }
    %scan3A_318 = arith.constant 16 : i32
    %dma_start3A_319 = arith.constant 0 : i32
    %dma_start3A_320 = arith.constant 0 : i32
    %dma_start3A_321 = arith.constant 0 : i32
    %dma_start3A_322 = tpu.memref_slice %arg7[%dma_start3A_319, %dma_start3A_320, %dma_start3A_321] : memref<2x256x128xf32, #tpu.memory_space<vmem>> -> memref<1x256x128xf32, #tpu.memory_space<vmem>>
    %dma_start3A_323 = tpu.memref_squeeze %dma_start3A_322 : memref<1x256x128xf32, #tpu.memory_space<vmem>> -> memref<256x128xf32, #tpu.memory_space<vmem>>
    %dma_start3A_324 = arith.constant 0 : i32
    %dma_start3A_325 = arith.constant 0 : i32
    %dma_start3A_326 = tpu.memref_slice %arg2[%dma_start3A_324, %dma_start3A_325] : memref<808x128xf32, #tpu.memory_space<hbm>> -> memref<808x128xf32, #tpu.memory_space<hbm>>
    tpu.enqueue_indirect_dma source(%dma_start3A_326 : memref<808x128xf32, #tpu.memory_space<hbm>>) target(%dma_start3A_323 : memref<256x128xf32, #tpu.memory_space<vmem>>) offsets(%arg5 : memref<256xi32, #tpu.memory_space<vmem>>) semaphore(%arg8 : memref<!tpu.dma_semaphore, #tpu.memory_space<semaphore_mem>>)
    %dma_wait3A_327 = arith.constant 1 : i32
    %dma_wait3A_328 = arith.constant 0 : i32
    %dma_wait3A_329 = arith.constant 0 : i32
    %dma_wait3A_330 = tpu.memref_slice %arg7[%dma_wait3A_327, %dma_wait3A_328, %dma_wait3A_329] : memref<2x256x128xf32, #tpu.memory_space<vmem>> -> memref<1x256x128xf32, #tpu.memory_space<vmem>>
    %dma_wait3A_331 = tpu.memref_squeeze %dma_wait3A_330 : memref<1x256x128xf32, #tpu.memory_space<vmem>> -> memref<256x128xf32, #tpu.memory_space<vmem>>
    %dma_wait3A_332 = arith.constant 0 : i32
    %dma_wait3A_333 = arith.constant 0 : i32
    %dma_wait3A_334 = tpu.memref_slice %arg2[%dma_wait3A_332, %dma_wait3A_333] : memref<808x128xf32, #tpu.memory_space<hbm>> -> memref<808x128xf32, #tpu.memory_space<hbm>>
    tpu.wait_indirect_dma semaphore(%arg9 : memref<!tpu.dma_semaphore, #tpu.memory_space<semaphore_mem>>) src(%dma_wait3A_334 : memref<808x128xf32, #tpu.memory_space<hbm>>) dst(%dma_wait3A_331 : memref<256x128xf32, #tpu.memory_space<vmem>>)
    %add3A_335 = arith.constant 256 : i32
    %add3A_336 = arith.addi %mul3A_2, %add3A_335 : i32
    %run_scoped3A_337 = arith.constant 1 : i32
    %run_scoped3A_338 = arith.constant 4 : i32
    "tpu.region"() ({
      %run_scoped3A_511 = tpu.sem_alloc : memref<!tpu.dma_semaphore, #tpu.memory_space<semaphore_mem>>
      %dma_start3A_512 = arith.constant 0 : i32
      %dma_start3A_513 = arith.constant 0 : i32
      %dma_start3A_514 = tpu.memref_slice %arg7[%run_scoped3A_337, %dma_start3A_512, %dma_start3A_513] : memref<2x256x128xf32, #tpu.memory_space<vmem>> -> memref<1x256x128xf32, #tpu.memory_space<vmem>>
      %dma_start3A_515 = tpu.memref_squeeze %dma_start3A_514 : memref<1x256x128xf32, #tpu.memory_space<vmem>> -> memref<256x128xf32, #tpu.memory_space<vmem>>
      %dma_start3A_516 = arith.constant 0 : i32
      %dma_start3A_517 = tpu.memref_slice %arg4[%run_scoped3A_338, %add3A_336, %dma_start3A_516] : memref<8x16384x128xf32, #tpu.memory_space<hbm>> -> memref<1x256x128xf32, #tpu.memory_space<hbm>>
      %dma_start3A_518 = tpu.memref_squeeze %dma_start3A_517 : memref<1x256x128xf32, #tpu.memory_space<hbm>> -> memref<256x128xf32, #tpu.memory_space<hbm>>
      %dma_start3A_519 = arith.constant 0 : i32
      %dma_start3A_520 = tpu.memref_slice %arg4[%run_scoped3A_338, %add3A_336, %dma_start3A_519] : memref<8x16384x128xf32, #tpu.memory_space<hbm>> -> memref<1x256x128xf32, #tpu.memory_space<hbm>>
      %dma_start3A_521 = tpu.memref_squeeze %dma_start3A_520 : memref<1x256x128xf32, #tpu.memory_space<hbm>> -> memref<256x128xf32, #tpu.memory_space<hbm>>
      %dma_start3A_522 = arith.constant 0 : i32
      %dma_start3A_523 = arith.constant 0 : i32
      %dma_start3A_524 = tpu.memref_slice %arg7[%run_scoped3A_337, %dma_start3A_522, %dma_start3A_523] : memref<2x256x128xf32, #tpu.memory_space<vmem>> -> memref<1x256x128xf32, #tpu.memory_space<vmem>>
      %dma_start3A_525 = tpu.memref_squeeze %dma_start3A_524 : memref<1x256x128xf32, #tpu.memory_space<vmem>> -> memref<256x128xf32, #tpu.memory_space<vmem>>
      tpu.enqueue_dma source(%dma_start3A_525 : memref<256x128xf32, #tpu.memory_space<vmem>>) target(%dma_start3A_521 : memref<256x128xf32, #tpu.memory_space<hbm>>) target_semaphore(%run_scoped3A_511 : memref<!tpu.dma_semaphore, #tpu.memory_space<semaphore_mem>>)
      %dma_wait3A_526 = arith.constant 0 : i32
      %dma_wait3A_527 = arith.constant 0 : i32
      %dma_wait3A_528 = tpu.memref_slice %arg7[%run_scoped3A_337, %dma_wait3A_526, %dma_wait3A_527] : memref<2x256x128xf32, #tpu.memory_space<vmem>> -> memref<1x256x128xf32, #tpu.memory_space<vmem>>
      %dma_wait3A_529 = tpu.memref_squeeze %dma_wait3A_528 : memref<1x256x128xf32, #tpu.memory_space<vmem>> -> memref<256x128xf32, #tpu.memory_space<vmem>>
      %dma_wait3A_530 = arith.constant 0 : i32
      %dma_wait3A_531 = tpu.memref_slice %arg4[%run_scoped3A_338, %add3A_336, %dma_wait3A_530] : memref<8x16384x128xf32, #tpu.memory_space<hbm>> -> memref<1x256x128xf32, #tpu.memory_space<hbm>>
      %dma_wait3A_532 = tpu.memref_squeeze %dma_wait3A_531 : memref<1x256x128xf32, #tpu.memory_space<hbm>> -> memref<256x128xf32, #tpu.memory_space<hbm>>
      %dma_wait3A_533 = arith.constant 0 : i32
      %dma_wait3A_534 = tpu.memref_slice %arg4[%run_scoped3A_338, %add3A_336, %dma_wait3A_533] : memref<8x16384x128xf32, #tpu.memory_space<hbm>> -> memref<1x256x128xf32, #tpu.memory_space<hbm>>
      %dma_wait3A_535 = tpu.memref_squeeze %dma_wait3A_534 : memref<1x256x128xf32, #tpu.memory_space<hbm>> -> memref<256x128xf32, #tpu.memory_space<hbm>>
      %dma_wait3A_536 = arith.constant 0 : i32
      %dma_wait3A_537 = arith.constant 0 : i32
      %dma_wait3A_538 = tpu.memref_slice %arg7[%run_scoped3A_337, %dma_wait3A_536, %dma_wait3A_537] : memref<2x256x128xf32, #tpu.memory_space<vmem>> -> memref<1x256x128xf32, #tpu.memory_space<vmem>>
      %dma_wait3A_539 = tpu.memref_squeeze %dma_wait3A_538 : memref<1x256x128xf32, #tpu.memory_space<vmem>> -> memref<256x128xf32, #tpu.memory_space<vmem>>
      tpu.wait_dma2 semaphore(%run_scoped3A_511 : memref<!tpu.dma_semaphore, #tpu.memory_space<semaphore_mem>>) src(%dma_wait3A_539 : memref<256x128xf32, #tpu.memory_space<vmem>>) dst(%dma_wait3A_535 : memref<256x128xf32, #tpu.memory_space<hbm>>)
      tpu.yield
    }) : () -> ()
    %add3A_339 = arith.constant 81920 : i32
    %add3A_340 = arith.addi %add3A_339, %mul3A_2 : i32
    %add3A_341 = arith.constant 256 : i32
    %add3A_342 = arith.addi %add3A_340, %add3A_341 : i32
    "tpu.region"() ({
      %run_scoped3A_511 = tpu.sem_alloc : memref<!tpu.dma_semaphore, #tpu.memory_space<semaphore_mem>>
      %dma_start3A_512 = tpu.memref_slice %arg3[%add3A_342] : memref<131072xi32, #tpu.memory_space<hbm>> -> memref<256xi32, #tpu.memory_space<hbm>>
      %dma_start3A_513 = tpu.memref_slice %arg3[%add3A_342] : memref<131072xi32, #tpu.memory_space<hbm>> -> memref<256xi32, #tpu.memory_space<hbm>>
      tpu.enqueue_dma source(%dma_start3A_513 : memref<256xi32, #tpu.memory_space<hbm>>) target(%arg6 : memref<256xi32, #tpu.memory_space<vmem>>) target_semaphore(%run_scoped3A_511 : memref<!tpu.dma_semaphore, #tpu.memory_space<semaphore_mem>>)
      %dma_wait3A_514 = tpu.memref_slice %arg3[%add3A_342] : memref<131072xi32, #tpu.memory_space<hbm>> -> memref<256xi32, #tpu.memory_space<hbm>>
      %dma_wait3A_515 = tpu.memref_slice %arg3[%add3A_342] : memref<131072xi32, #tpu.memory_space<hbm>> -> memref<256xi32, #tpu.memory_space<hbm>>
      tpu.wait_dma2 semaphore(%run_scoped3A_511 : memref<!tpu.dma_semaphore, #tpu.memory_space<semaphore_mem>>) src(%dma_wait3A_515 : memref<256xi32, #tpu.memory_space<hbm>>) dst(%arg6 : memref<256xi32, #tpu.memory_space<vmem>>)
      tpu.yield
    }) : () -> ()
    %scan3A_343 = arith.constant 505 : i32
    %scan3A_344 = arith.constant 0 : i32
    %scan3A_345 = arith.constant 0 : i32
    %scan3A_346 = arith.constant 16 : i32
    %scan3A_347 = arith.addi %scan3A_345, %scan3A_346 : i32
    %scan3A_348 = arith.constant 1 : i32
    %scan3A_349 = scf.for %scan3A_511 = %scan3A_345 to %scan3A_347 step %scan3A_348 iter_args(%scan3A_512 = %scan3A_344) -> (i32)  : i32 {
      %mul3A_513 = arith.constant 16 : i32
      %mul3A_514 = arith.muli %scan3A_511, %mul3A_513 : i32
      %get3A = arith.index_cast %mul3A_514 : i32 to index
      %get3A_515 = tpu.vector_load %arg6[%get3A] {strides = array<i32>} : memref<256xi32, #tpu.memory_space<vmem>>, vector<16xi32>,
      %get3A_516 = vector.shape_cast %get3A_515 : vector<16xi32> to vector<16xi32>
      %add3A_517 = vector.broadcast %scan3A_343 : i32 to vector<16xi32>
      %add3A_518 = arith.addi %get3A_516, %add3A_517 : vector<16xi32>
      %swap3A = arith.index_cast %mul3A_514 : i32 to index
      %swap3A_519 = tpu.vector_load %arg6[%swap3A] {strides = array<i32>} : memref<256xi32, #tpu.memory_space<vmem>>, vector<16xi32>,
      %swap3A_520 = vector.shape_cast %swap3A_519 : vector<16xi32> to vector<16xi32>
      %swap3A_521 = vector.shape_cast %add3A_518 : vector<16xi32> to vector<16xi32>
      tpu.vector_store %arg6[%swap3A], %swap3A_521 {strides = array<i32>} : memref<256xi32, #tpu.memory_space<vmem>>, vector<16xi32>,
      %scan3A_522 = arith.constant 0 : i32
      scf.yield %scan3A_522 : i32
    }
    %scan3A_350 = arith.constant 16 : i32
    %dma_start3A_351 = arith.constant 1 : i32
    %dma_start3A_352 = arith.constant 0 : i32
    %dma_start3A_353 = arith.constant 0 : i32
    %dma_start3A_354 = tpu.memref_slice %arg7[%dma_start3A_351, %dma_start3A_352, %dma_start3A_353] : memref<2x256x128xf32, #tpu.memory_space<vmem>> -> memref<1x256x128xf32, #tpu.memory_space<vmem>>
    %dma_start3A_355 = tpu.memref_squeeze %dma_start3A_354 : memref<1x256x128xf32, #tpu.memory_space<vmem>> -> memref<256x128xf32, #tpu.memory_space<vmem>>
    %dma_start3A_356 = arith.constant 0 : i32
    %dma_start3A_357 = arith.constant 0 : i32
    %dma_start3A_358 = tpu.memref_slice %arg2[%dma_start3A_356, %dma_start3A_357] : memref<808x128xf32, #tpu.memory_space<hbm>> -> memref<808x128xf32, #tpu.memory_space<hbm>>
    tpu.enqueue_indirect_dma source(%dma_start3A_358 : memref<808x128xf32, #tpu.memory_space<hbm>>) target(%dma_start3A_355 : memref<256x128xf32, #tpu.memory_space<vmem>>) offsets(%arg6 : memref<256xi32, #tpu.memory_space<vmem>>) semaphore(%arg9 : memref<!tpu.dma_semaphore, #tpu.memory_space<semaphore_mem>>)
    %dma_wait3A_359 = arith.constant 0 : i32
    %dma_wait3A_360 = arith.constant 0 : i32
    %dma_wait3A_361 = arith.constant 0 : i32
    %dma_wait3A_362 = tpu.memref_slice %arg7[%dma_wait3A_359, %dma_wait3A_360, %dma_wait3A_361] : memref<2x256x128xf32, #tpu.memory_space<vmem>> -> memref<1x256x128xf32, #tpu.memory_space<vmem>>
    %dma_wait3A_363 = tpu.memref_squeeze %dma_wait3A_362 : memref<1x256x128xf32, #tpu.memory_space<vmem>> -> memref<256x128xf32, #tpu.memory_space<vmem>>
    %dma_wait3A_364 = arith.constant 0 : i32
    %dma_wait3A_365 = arith.constant 0 : i32
    %dma_wait3A_366 = tpu.memref_slice %arg2[%dma_wait3A_364, %dma_wait3A_365] : memref<808x128xf32, #tpu.memory_space<hbm>> -> memref<808x128xf32, #tpu.memory_space<hbm>>
    tpu.wait_indirect_dma semaphore(%arg8 : memref<!tpu.dma_semaphore, #tpu.memory_space<semaphore_mem>>) src(%dma_wait3A_366 : memref<808x128xf32, #tpu.memory_space<hbm>>) dst(%dma_wait3A_363 : memref<256x128xf32, #tpu.memory_space<vmem>>)
    %add3A_367 = arith.constant 0 : i32
    %add3A_368 = arith.addi %mul3A_2, %add3A_367 : i32
    %run_scoped3A_369 = arith.constant 0 : i32
    %run_scoped3A_370 = arith.constant 5 : i32
    "tpu.region"() ({
      %run_scoped3A_511 = tpu.sem_alloc : memref<!tpu.dma_semaphore, #tpu.memory_space<semaphore_mem>>
      %dma_start3A_512 = arith.constant 0 : i32
      %dma_start3A_513 = arith.constant 0 : i32
      %dma_start3A_514 = tpu.memref_slice %arg7[%run_scoped3A_369, %dma_start3A_512, %dma_start3A_513] : memref<2x256x128xf32, #tpu.memory_space<vmem>> -> memref<1x256x128xf32, #tpu.memory_space<vmem>>
      %dma_start3A_515 = tpu.memref_squeeze %dma_start3A_514 : memref<1x256x128xf32, #tpu.memory_space<vmem>> -> memref<256x128xf32, #tpu.memory_space<vmem>>
      %dma_start3A_516 = arith.constant 0 : i32
      %dma_start3A_517 = tpu.memref_slice %arg4[%run_scoped3A_370, %add3A_368, %dma_start3A_516] : memref<8x16384x128xf32, #tpu.memory_space<hbm>> -> memref<1x256x128xf32, #tpu.memory_space<hbm>>
      %dma_start3A_518 = tpu.memref_squeeze %dma_start3A_517 : memref<1x256x128xf32, #tpu.memory_space<hbm>> -> memref<256x128xf32, #tpu.memory_space<hbm>>
      %dma_start3A_519 = arith.constant 0 : i32
      %dma_start3A_520 = tpu.memref_slice %arg4[%run_scoped3A_370, %add3A_368, %dma_start3A_519] : memref<8x16384x128xf32, #tpu.memory_space<hbm>> -> memref<1x256x128xf32, #tpu.memory_space<hbm>>
      %dma_start3A_521 = tpu.memref_squeeze %dma_start3A_520 : memref<1x256x128xf32, #tpu.memory_space<hbm>> -> memref<256x128xf32, #tpu.memory_space<hbm>>
      %dma_start3A_522 = arith.constant 0 : i32
      %dma_start3A_523 = arith.constant 0 : i32
      %dma_start3A_524 = tpu.memref_slice %arg7[%run_scoped3A_369, %dma_start3A_522, %dma_start3A_523] : memref<2x256x128xf32, #tpu.memory_space<vmem>> -> memref<1x256x128xf32, #tpu.memory_space<vmem>>
      %dma_start3A_525 = tpu.memref_squeeze %dma_start3A_524 : memref<1x256x128xf32, #tpu.memory_space<vmem>> -> memref<256x128xf32, #tpu.memory_space<vmem>>
      tpu.enqueue_dma source(%dma_start3A_525 : memref<256x128xf32, #tpu.memory_space<vmem>>) target(%dma_start3A_521 : memref<256x128xf32, #tpu.memory_space<hbm>>) target_semaphore(%run_scoped3A_511 : memref<!tpu.dma_semaphore, #tpu.memory_space<semaphore_mem>>)
      %dma_wait3A_526 = arith.constant 0 : i32
      %dma_wait3A_527 = arith.constant 0 : i32
      %dma_wait3A_528 = tpu.memref_slice %arg7[%run_scoped3A_369, %dma_wait3A_526, %dma_wait3A_527] : memref<2x256x128xf32, #tpu.memory_space<vmem>> -> memref<1x256x128xf32, #tpu.memory_space<vmem>>
      %dma_wait3A_529 = tpu.memref_squeeze %dma_wait3A_528 : memref<1x256x128xf32, #tpu.memory_space<vmem>> -> memref<256x128xf32, #tpu.memory_space<vmem>>
      %dma_wait3A_530 = arith.constant 0 : i32
      %dma_wait3A_531 = tpu.memref_slice %arg4[%run_scoped3A_370, %add3A_368, %dma_wait3A_530] : memref<8x16384x128xf32, #tpu.memory_space<hbm>> -> memref<1x256x128xf32, #tpu.memory_space<hbm>>
      %dma_wait3A_532 = tpu.memref_squeeze %dma_wait3A_531 : memref<1x256x128xf32, #tpu.memory_space<hbm>> -> memref<256x128xf32, #tpu.memory_space<hbm>>
      %dma_wait3A_533 = arith.constant 0 : i32
      %dma_wait3A_534 = tpu.memref_slice %arg4[%run_scoped3A_370, %add3A_368, %dma_wait3A_533] : memref<8x16384x128xf32, #tpu.memory_space<hbm>> -> memref<1x256x128xf32, #tpu.memory_space<hbm>>
      %dma_wait3A_535 = tpu.memref_squeeze %dma_wait3A_534 : memref<1x256x128xf32, #tpu.memory_space<hbm>> -> memref<256x128xf32, #tpu.memory_space<hbm>>
      %dma_wait3A_536 = arith.constant 0 : i32
      %dma_wait3A_537 = arith.constant 0 : i32
      %dma_wait3A_538 = tpu.memref_slice %arg7[%run_scoped3A_369, %dma_wait3A_536, %dma_wait3A_537] : memref<2x256x128xf32, #tpu.memory_space<vmem>> -> memref<1x256x128xf32, #tpu.memory_space<vmem>>
      %dma_wait3A_539 = tpu.memref_squeeze %dma_wait3A_538 : memref<1x256x128xf32, #tpu.memory_space<vmem>> -> memref<256x128xf32, #tpu.memory_space<vmem>>
      tpu.wait_dma2 semaphore(%run_scoped3A_511 : memref<!tpu.dma_semaphore, #tpu.memory_space<semaphore_mem>>) src(%dma_wait3A_539 : memref<256x128xf32, #tpu.memory_space<vmem>>) dst(%dma_wait3A_535 : memref<256x128xf32, #tpu.memory_space<hbm>>)
      tpu.yield
    }) : () -> ()
    %add3A_371 = arith.constant 98304 : i32
    %add3A_372 = arith.addi %add3A_371, %mul3A_2 : i32
    %add3A_373 = arith.constant 0 : i32
    %add3A_374 = arith.addi %add3A_372, %add3A_373 : i32
    "tpu.region"() ({
      %run_scoped3A_511 = tpu.sem_alloc : memref<!tpu.dma_semaphore, #tpu.memory_space<semaphore_mem>>
      %dma_start3A_512 = tpu.memref_slice %arg3[%add3A_374] : memref<131072xi32, #tpu.memory_space<hbm>> -> memref<256xi32, #tpu.memory_space<hbm>>
      %dma_start3A_513 = tpu.memref_slice %arg3[%add3A_374] : memref<131072xi32, #tpu.memory_space<hbm>> -> memref<256xi32, #tpu.memory_space<hbm>>
      tpu.enqueue_dma source(%dma_start3A_513 : memref<256xi32, #tpu.memory_space<hbm>>) target(%arg5 : memref<256xi32, #tpu.memory_space<vmem>>) target_semaphore(%run_scoped3A_511 : memref<!tpu.dma_semaphore, #tpu.memory_space<semaphore_mem>>)
      %dma_wait3A_514 = tpu.memref_slice %arg3[%add3A_374] : memref<131072xi32, #tpu.memory_space<hbm>> -> memref<256xi32, #tpu.memory_space<hbm>>
      %dma_wait3A_515 = tpu.memref_slice %arg3[%add3A_374] : memref<131072xi32, #tpu.memory_space<hbm>> -> memref<256xi32, #tpu.memory_space<hbm>>
      tpu.wait_dma2 semaphore(%run_scoped3A_511 : memref<!tpu.dma_semaphore, #tpu.memory_space<semaphore_mem>>) src(%dma_wait3A_515 : memref<256xi32, #tpu.memory_space<hbm>>) dst(%arg5 : memref<256xi32, #tpu.memory_space<vmem>>)
      tpu.yield
    }) : () -> ()
    %scan3A_375 = arith.constant 606 : i32
    %scan3A_376 = arith.constant 0 : i32
    %scan3A_377 = arith.constant 0 : i32
    %scan3A_378 = arith.constant 16 : i32
    %scan3A_379 = arith.addi %scan3A_377, %scan3A_378 : i32
    %scan3A_380 = arith.constant 1 : i32
    %scan3A_381 = scf.for %scan3A_511 = %scan3A_377 to %scan3A_379 step %scan3A_380 iter_args(%scan3A_512 = %scan3A_376) -> (i32)  : i32 {
      %mul3A_513 = arith.constant 16 : i32
      %mul3A_514 = arith.muli %scan3A_511, %mul3A_513 : i32
      %get3A = arith.index_cast %mul3A_514 : i32 to index
      %get3A_515 = tpu.vector_load %arg5[%get3A] {strides = array<i32>} : memref<256xi32, #tpu.memory_space<vmem>>, vector<16xi32>,
      %get3A_516 = vector.shape_cast %get3A_515 : vector<16xi32> to vector<16xi32>
      %add3A_517 = vector.broadcast %scan3A_375 : i32 to vector<16xi32>
      %add3A_518 = arith.addi %get3A_516, %add3A_517 : vector<16xi32>
      %swap3A = arith.index_cast %mul3A_514 : i32 to index
      %swap3A_519 = tpu.vector_load %arg5[%swap3A] {strides = array<i32>} : memref<256xi32, #tpu.memory_space<vmem>>, vector<16xi32>,
      %swap3A_520 = vector.shape_cast %swap3A_519 : vector<16xi32> to vector<16xi32>
      %swap3A_521 = vector.shape_cast %add3A_518 : vector<16xi32> to vector<16xi32>
      tpu.vector_store %arg5[%swap3A], %swap3A_521 {strides = array<i32>} : memref<256xi32, #tpu.memory_space<vmem>>, vector<16xi32>,
      %scan3A_522 = arith.constant 0 : i32
      scf.yield %scan3A_522 : i32
    }
    %scan3A_382 = arith.constant 16 : i32
    %dma_start3A_383 = arith.constant 0 : i32
    %dma_start3A_384 = arith.constant 0 : i32
    %dma_start3A_385 = arith.constant 0 : i32
    %dma_start3A_386 = tpu.memref_slice %arg7[%dma_start3A_383, %dma_start3A_384, %dma_start3A_385] : memref<2x256x128xf32, #tpu.memory_space<vmem>> -> memref<1x256x128xf32, #tpu.memory_space<vmem>>
    %dma_start3A_387 = tpu.memref_squeeze %dma_start3A_386 : memref<1x256x128xf32, #tpu.memory_space<vmem>> -> memref<256x128xf32, #tpu.memory_space<vmem>>
    %dma_start3A_388 = arith.constant 0 : i32
    %dma_start3A_389 = arith.constant 0 : i32
    %dma_start3A_390 = tpu.memref_slice %arg2[%dma_start3A_388, %dma_start3A_389] : memref<808x128xf32, #tpu.memory_space<hbm>> -> memref<808x128xf32, #tpu.memory_space<hbm>>
    tpu.enqueue_indirect_dma source(%dma_start3A_390 : memref<808x128xf32, #tpu.memory_space<hbm>>) target(%dma_start3A_387 : memref<256x128xf32, #tpu.memory_space<vmem>>) offsets(%arg5 : memref<256xi32, #tpu.memory_space<vmem>>) semaphore(%arg8 : memref<!tpu.dma_semaphore, #tpu.memory_space<semaphore_mem>>)
    %dma_wait3A_391 = arith.constant 1 : i32
    %dma_wait3A_392 = arith.constant 0 : i32
    %dma_wait3A_393 = arith.constant 0 : i32
    %dma_wait3A_394 = tpu.memref_slice %arg7[%dma_wait3A_391, %dma_wait3A_392, %dma_wait3A_393] : memref<2x256x128xf32, #tpu.memory_space<vmem>> -> memref<1x256x128xf32, #tpu.memory_space<vmem>>
    %dma_wait3A_395 = tpu.memref_squeeze %dma_wait3A_394 : memref<1x256x128xf32, #tpu.memory_space<vmem>> -> memref<256x128xf32, #tpu.memory_space<vmem>>
    %dma_wait3A_396 = arith.constant 0 : i32
    %dma_wait3A_397 = arith.constant 0 : i32
    %dma_wait3A_398 = tpu.memref_slice %arg2[%dma_wait3A_396, %dma_wait3A_397] : memref<808x128xf32, #tpu.memory_space<hbm>> -> memref<808x128xf32, #tpu.memory_space<hbm>>
    tpu.wait_indirect_dma semaphore(%arg9 : memref<!tpu.dma_semaphore, #tpu.memory_space<semaphore_mem>>) src(%dma_wait3A_398 : memref<808x128xf32, #tpu.memory_space<hbm>>) dst(%dma_wait3A_395 : memref<256x128xf32, #tpu.memory_space<vmem>>)
    %add3A_399 = arith.constant 256 : i32
    %add3A_400 = arith.addi %mul3A_2, %add3A_399 : i32
    %run_scoped3A_401 = arith.constant 1 : i32
    %run_scoped3A_402 = arith.constant 5 : i32
    "tpu.region"() ({
      %run_scoped3A_511 = tpu.sem_alloc : memref<!tpu.dma_semaphore, #tpu.memory_space<semaphore_mem>>
      %dma_start3A_512 = arith.constant 0 : i32
      %dma_start3A_513 = arith.constant 0 : i32
      %dma_start3A_514 = tpu.memref_slice %arg7[%run_scoped3A_401, %dma_start3A_512, %dma_start3A_513] : memref<2x256x128xf32, #tpu.memory_space<vmem>> -> memref<1x256x128xf32, #tpu.memory_space<vmem>>
      %dma_start3A_515 = tpu.memref_squeeze %dma_start3A_514 : memref<1x256x128xf32, #tpu.memory_space<vmem>> -> memref<256x128xf32, #tpu.memory_space<vmem>>
      %dma_start3A_516 = arith.constant 0 : i32
      %dma_start3A_517 = tpu.memref_slice %arg4[%run_scoped3A_402, %add3A_400, %dma_start3A_516] : memref<8x16384x128xf32, #tpu.memory_space<hbm>> -> memref<1x256x128xf32, #tpu.memory_space<hbm>>
      %dma_start3A_518 = tpu.memref_squeeze %dma_start3A_517 : memref<1x256x128xf32, #tpu.memory_space<hbm>> -> memref<256x128xf32, #tpu.memory_space<hbm>>
      %dma_start3A_519 = arith.constant 0 : i32
      %dma_start3A_520 = tpu.memref_slice %arg4[%run_scoped3A_402, %add3A_400, %dma_start3A_519] : memref<8x16384x128xf32, #tpu.memory_space<hbm>> -> memref<1x256x128xf32, #tpu.memory_space<hbm>>
      %dma_start3A_521 = tpu.memref_squeeze %dma_start3A_520 : memref<1x256x128xf32, #tpu.memory_space<hbm>> -> memref<256x128xf32, #tpu.memory_space<hbm>>
      %dma_start3A_522 = arith.constant 0 : i32
      %dma_start3A_523 = arith.constant 0 : i32
      %dma_start3A_524 = tpu.memref_slice %arg7[%run_scoped3A_401, %dma_start3A_522, %dma_start3A_523] : memref<2x256x128xf32, #tpu.memory_space<vmem>> -> memref<1x256x128xf32, #tpu.memory_space<vmem>>
      %dma_start3A_525 = tpu.memref_squeeze %dma_start3A_524 : memref<1x256x128xf32, #tpu.memory_space<vmem>> -> memref<256x128xf32, #tpu.memory_space<vmem>>
      tpu.enqueue_dma source(%dma_start3A_525 : memref<256x128xf32, #tpu.memory_space<vmem>>) target(%dma_start3A_521 : memref<256x128xf32, #tpu.memory_space<hbm>>) target_semaphore(%run_scoped3A_511 : memref<!tpu.dma_semaphore, #tpu.memory_space<semaphore_mem>>)
      %dma_wait3A_526 = arith.constant 0 : i32
      %dma_wait3A_527 = arith.constant 0 : i32
      %dma_wait3A_528 = tpu.memref_slice %arg7[%run_scoped3A_401, %dma_wait3A_526, %dma_wait3A_527] : memref<2x256x128xf32, #tpu.memory_space<vmem>> -> memref<1x256x128xf32, #tpu.memory_space<vmem>>
      %dma_wait3A_529 = tpu.memref_squeeze %dma_wait3A_528 : memref<1x256x128xf32, #tpu.memory_space<vmem>> -> memref<256x128xf32, #tpu.memory_space<vmem>>
      %dma_wait3A_530 = arith.constant 0 : i32
      %dma_wait3A_531 = tpu.memref_slice %arg4[%run_scoped3A_402, %add3A_400, %dma_wait3A_530] : memref<8x16384x128xf32, #tpu.memory_space<hbm>> -> memref<1x256x128xf32, #tpu.memory_space<hbm>>
      %dma_wait3A_532 = tpu.memref_squeeze %dma_wait3A_531 : memref<1x256x128xf32, #tpu.memory_space<hbm>> -> memref<256x128xf32, #tpu.memory_space<hbm>>
      %dma_wait3A_533 = arith.constant 0 : i32
      %dma_wait3A_534 = tpu.memref_slice %arg4[%run_scoped3A_402, %add3A_400, %dma_wait3A_533] : memref<8x16384x128xf32, #tpu.memory_space<hbm>> -> memref<1x256x128xf32, #tpu.memory_space<hbm>>
      %dma_wait3A_535 = tpu.memref_squeeze %dma_wait3A_534 : memref<1x256x128xf32, #tpu.memory_space<hbm>> -> memref<256x128xf32, #tpu.memory_space<hbm>>
      %dma_wait3A_536 = arith.constant 0 : i32
      %dma_wait3A_537 = arith.constant 0 : i32
      %dma_wait3A_538 = tpu.memref_slice %arg7[%run_scoped3A_401, %dma_wait3A_536, %dma_wait3A_537] : memref<2x256x128xf32, #tpu.memory_space<vmem>> -> memref<1x256x128xf32, #tpu.memory_space<vmem>>
      %dma_wait3A_539 = tpu.memref_squeeze %dma_wait3A_538 : memref<1x256x128xf32, #tpu.memory_space<vmem>> -> memref<256x128xf32, #tpu.memory_space<vmem>>
      tpu.wait_dma2 semaphore(%run_scoped3A_511 : memref<!tpu.dma_semaphore, #tpu.memory_space<semaphore_mem>>) src(%dma_wait3A_539 : memref<256x128xf32, #tpu.memory_space<vmem>>) dst(%dma_wait3A_535 : memref<256x128xf32, #tpu.memory_space<hbm>>)
      tpu.yield
    }) : () -> ()
    %add3A_403 = arith.constant 98304 : i32
    %add3A_404 = arith.addi %add3A_403, %mul3A_2 : i32
    %add3A_405 = arith.constant 256 : i32
    %add3A_406 = arith.addi %add3A_404, %add3A_405 : i32
    "tpu.region"() ({
      %run_scoped3A_511 = tpu.sem_alloc : memref<!tpu.dma_semaphore, #tpu.memory_space<semaphore_mem>>
      %dma_start3A_512 = tpu.memref_slice %arg3[%add3A_406] : memref<131072xi32, #tpu.memory_space<hbm>> -> memref<256xi32, #tpu.memory_space<hbm>>
      %dma_start3A_513 = tpu.memref_slice %arg3[%add3A_406] : memref<131072xi32, #tpu.memory_space<hbm>> -> memref<256xi32, #tpu.memory_space<hbm>>
      tpu.enqueue_dma source(%dma_start3A_513 : memref<256xi32, #tpu.memory_space<hbm>>) target(%arg6 : memref<256xi32, #tpu.memory_space<vmem>>) target_semaphore(%run_scoped3A_511 : memref<!tpu.dma_semaphore, #tpu.memory_space<semaphore_mem>>)
      %dma_wait3A_514 = tpu.memref_slice %arg3[%add3A_406] : memref<131072xi32, #tpu.memory_space<hbm>> -> memref<256xi32, #tpu.memory_space<hbm>>
      %dma_wait3A_515 = tpu.memref_slice %arg3[%add3A_406] : memref<131072xi32, #tpu.memory_space<hbm>> -> memref<256xi32, #tpu.memory_space<hbm>>
      tpu.wait_dma2 semaphore(%run_scoped3A_511 : memref<!tpu.dma_semaphore, #tpu.memory_space<semaphore_mem>>) src(%dma_wait3A_515 : memref<256xi32, #tpu.memory_space<hbm>>) dst(%arg6 : memref<256xi32, #tpu.memory_space<vmem>>)
      tpu.yield
    }) : () -> ()
    %scan3A_407 = arith.constant 606 : i32
    %scan3A_408 = arith.constant 0 : i32
    %scan3A_409 = arith.constant 0 : i32
    %scan3A_410 = arith.constant 16 : i32
    %scan3A_411 = arith.addi %scan3A_409, %scan3A_410 : i32
    %scan3A_412 = arith.constant 1 : i32
    %scan3A_413 = scf.for %scan3A_511 = %scan3A_409 to %scan3A_411 step %scan3A_412 iter_args(%scan3A_512 = %scan3A_408) -> (i32)  : i32 {
      %mul3A_513 = arith.constant 16 : i32
      %mul3A_514 = arith.muli %scan3A_511, %mul3A_513 : i32
      %get3A = arith.index_cast %mul3A_514 : i32 to index
      %get3A_515 = tpu.vector_load %arg6[%get3A] {strides = array<i32>} : memref<256xi32, #tpu.memory_space<vmem>>, vector<16xi32>,
      %get3A_516 = vector.shape_cast %get3A_515 : vector<16xi32> to vector<16xi32>
      %add3A_517 = vector.broadcast %scan3A_407 : i32 to vector<16xi32>
      %add3A_518 = arith.addi %get3A_516, %add3A_517 : vector<16xi32>
      %swap3A = arith.index_cast %mul3A_514 : i32 to index
      %swap3A_519 = tpu.vector_load %arg6[%swap3A] {strides = array<i32>} : memref<256xi32, #tpu.memory_space<vmem>>, vector<16xi32>,
      %swap3A_520 = vector.shape_cast %swap3A_519 : vector<16xi32> to vector<16xi32>
      %swap3A_521 = vector.shape_cast %add3A_518 : vector<16xi32> to vector<16xi32>
      tpu.vector_store %arg6[%swap3A], %swap3A_521 {strides = array<i32>} : memref<256xi32, #tpu.memory_space<vmem>>, vector<16xi32>,
      %scan3A_522 = arith.constant 0 : i32
      scf.yield %scan3A_522 : i32
    }
    %scan3A_414 = arith.constant 16 : i32
    %dma_start3A_415 = arith.constant 1 : i32
    %dma_start3A_416 = arith.constant 0 : i32
    %dma_start3A_417 = arith.constant 0 : i32
    %dma_start3A_418 = tpu.memref_slice %arg7[%dma_start3A_415, %dma_start3A_416, %dma_start3A_417] : memref<2x256x128xf32, #tpu.memory_space<vmem>> -> memref<1x256x128xf32, #tpu.memory_space<vmem>>
    %dma_start3A_419 = tpu.memref_squeeze %dma_start3A_418 : memref<1x256x128xf32, #tpu.memory_space<vmem>> -> memref<256x128xf32, #tpu.memory_space<vmem>>
    %dma_start3A_420 = arith.constant 0 : i32
    %dma_start3A_421 = arith.constant 0 : i32
    %dma_start3A_422 = tpu.memref_slice %arg2[%dma_start3A_420, %dma_start3A_421] : memref<808x128xf32, #tpu.memory_space<hbm>> -> memref<808x128xf32, #tpu.memory_space<hbm>>
    tpu.enqueue_indirect_dma source(%dma_start3A_422 : memref<808x128xf32, #tpu.memory_space<hbm>>) target(%dma_start3A_419 : memref<256x128xf32, #tpu.memory_space<vmem>>) offsets(%arg6 : memref<256xi32, #tpu.memory_space<vmem>>) semaphore(%arg9 : memref<!tpu.dma_semaphore, #tpu.memory_space<semaphore_mem>>)
    %dma_wait3A_423 = arith.constant 0 : i32
    %dma_wait3A_424 = arith.constant 0 : i32
    %dma_wait3A_425 = arith.constant 0 : i32
    %dma_wait3A_426 = tpu.memref_slice %arg7[%dma_wait3A_423, %dma_wait3A_424, %dma_wait3A_425] : memref<2x256x128xf32, #tpu.memory_space<vmem>> -> memref<1x256x128xf32, #tpu.memory_space<vmem>>
    %dma_wait3A_427 = tpu.memref_squeeze %dma_wait3A_426 : memref<1x256x128xf32, #tpu.memory_space<vmem>> -> memref<256x128xf32, #tpu.memory_space<vmem>>
    %dma_wait3A_428 = arith.constant 0 : i32
    %dma_wait3A_429 = arith.constant 0 : i32
    %dma_wait3A_430 = tpu.memref_slice %arg2[%dma_wait3A_428, %dma_wait3A_429] : memref<808x128xf32, #tpu.memory_space<hbm>> -> memref<808x128xf32, #tpu.memory_space<hbm>>
    tpu.wait_indirect_dma semaphore(%arg8 : memref<!tpu.dma_semaphore, #tpu.memory_space<semaphore_mem>>) src(%dma_wait3A_430 : memref<808x128xf32, #tpu.memory_space<hbm>>) dst(%dma_wait3A_427 : memref<256x128xf32, #tpu.memory_space<vmem>>)
    %add3A_431 = arith.constant 0 : i32
    %add3A_432 = arith.addi %mul3A_2, %add3A_431 : i32
    %run_scoped3A_433 = arith.constant 0 : i32
    %run_scoped3A_434 = arith.constant 6 : i32
    "tpu.region"() ({
      %run_scoped3A_511 = tpu.sem_alloc : memref<!tpu.dma_semaphore, #tpu.memory_space<semaphore_mem>>
      %dma_start3A_512 = arith.constant 0 : i32
      %dma_start3A_513 = arith.constant 0 : i32
      %dma_start3A_514 = tpu.memref_slice %arg7[%run_scoped3A_433, %dma_start3A_512, %dma_start3A_513] : memref<2x256x128xf32, #tpu.memory_space<vmem>> -> memref<1x256x128xf32, #tpu.memory_space<vmem>>
      %dma_start3A_515 = tpu.memref_squeeze %dma_start3A_514 : memref<1x256x128xf32, #tpu.memory_space<vmem>> -> memref<256x128xf32, #tpu.memory_space<vmem>>
      %dma_start3A_516 = arith.constant 0 : i32
      %dma_start3A_517 = tpu.memref_slice %arg4[%run_scoped3A_434, %add3A_432, %dma_start3A_516] : memref<8x16384x128xf32, #tpu.memory_space<hbm>> -> memref<1x256x128xf32, #tpu.memory_space<hbm>>
      %dma_start3A_518 = tpu.memref_squeeze %dma_start3A_517 : memref<1x256x128xf32, #tpu.memory_space<hbm>> -> memref<256x128xf32, #tpu.memory_space<hbm>>
      %dma_start3A_519 = arith.constant 0 : i32
      %dma_start3A_520 = tpu.memref_slice %arg4[%run_scoped3A_434, %add3A_432, %dma_start3A_519] : memref<8x16384x128xf32, #tpu.memory_space<hbm>> -> memref<1x256x128xf32, #tpu.memory_space<hbm>>
      %dma_start3A_521 = tpu.memref_squeeze %dma_start3A_520 : memref<1x256x128xf32, #tpu.memory_space<hbm>> -> memref<256x128xf32, #tpu.memory_space<hbm>>
      %dma_start3A_522 = arith.constant 0 : i32
      %dma_start3A_523 = arith.constant 0 : i32
      %dma_start3A_524 = tpu.memref_slice %arg7[%run_scoped3A_433, %dma_start3A_522, %dma_start3A_523] : memref<2x256x128xf32, #tpu.memory_space<vmem>> -> memref<1x256x128xf32, #tpu.memory_space<vmem>>
      %dma_start3A_525 = tpu.memref_squeeze %dma_start3A_524 : memref<1x256x128xf32, #tpu.memory_space<vmem>> -> memref<256x128xf32, #tpu.memory_space<vmem>>
      tpu.enqueue_dma source(%dma_start3A_525 : memref<256x128xf32, #tpu.memory_space<vmem>>) target(%dma_start3A_521 : memref<256x128xf32, #tpu.memory_space<hbm>>) target_semaphore(%run_scoped3A_511 : memref<!tpu.dma_semaphore, #tpu.memory_space<semaphore_mem>>)
      %dma_wait3A_526 = arith.constant 0 : i32
      %dma_wait3A_527 = arith.constant 0 : i32
      %dma_wait3A_528 = tpu.memref_slice %arg7[%run_scoped3A_433, %dma_wait3A_526, %dma_wait3A_527] : memref<2x256x128xf32, #tpu.memory_space<vmem>> -> memref<1x256x128xf32, #tpu.memory_space<vmem>>
      %dma_wait3A_529 = tpu.memref_squeeze %dma_wait3A_528 : memref<1x256x128xf32, #tpu.memory_space<vmem>> -> memref<256x128xf32, #tpu.memory_space<vmem>>
      %dma_wait3A_530 = arith.constant 0 : i32
      %dma_wait3A_531 = tpu.memref_slice %arg4[%run_scoped3A_434, %add3A_432, %dma_wait3A_530] : memref<8x16384x128xf32, #tpu.memory_space<hbm>> -> memref<1x256x128xf32, #tpu.memory_space<hbm>>
      %dma_wait3A_532 = tpu.memref_squeeze %dma_wait3A_531 : memref<1x256x128xf32, #tpu.memory_space<hbm>> -> memref<256x128xf32, #tpu.memory_space<hbm>>
      %dma_wait3A_533 = arith.constant 0 : i32
      %dma_wait3A_534 = tpu.memref_slice %arg4[%run_scoped3A_434, %add3A_432, %dma_wait3A_533] : memref<8x16384x128xf32, #tpu.memory_space<hbm>> -> memref<1x256x128xf32, #tpu.memory_space<hbm>>
      %dma_wait3A_535 = tpu.memref_squeeze %dma_wait3A_534 : memref<1x256x128xf32, #tpu.memory_space<hbm>> -> memref<256x128xf32, #tpu.memory_space<hbm>>
      %dma_wait3A_536 = arith.constant 0 : i32
      %dma_wait3A_537 = arith.constant 0 : i32
      %dma_wait3A_538 = tpu.memref_slice %arg7[%run_scoped3A_433, %dma_wait3A_536, %dma_wait3A_537] : memref<2x256x128xf32, #tpu.memory_space<vmem>> -> memref<1x256x128xf32, #tpu.memory_space<vmem>>
      %dma_wait3A_539 = tpu.memref_squeeze %dma_wait3A_538 : memref<1x256x128xf32, #tpu.memory_space<vmem>> -> memref<256x128xf32, #tpu.memory_space<vmem>>
      tpu.wait_dma2 semaphore(%run_scoped3A_511 : memref<!tpu.dma_semaphore, #tpu.memory_space<semaphore_mem>>) src(%dma_wait3A_539 : memref<256x128xf32, #tpu.memory_space<vmem>>) dst(%dma_wait3A_535 : memref<256x128xf32, #tpu.memory_space<hbm>>)
      tpu.yield
    }) : () -> ()
    %add3A_435 = arith.constant 114688 : i32
    %add3A_436 = arith.addi %add3A_435, %mul3A_2 : i32
    %add3A_437 = arith.constant 0 : i32
    %add3A_438 = arith.addi %add3A_436, %add3A_437 : i32
    "tpu.region"() ({
      %run_scoped3A_511 = tpu.sem_alloc : memref<!tpu.dma_semaphore, #tpu.memory_space<semaphore_mem>>
      %dma_start3A_512 = tpu.memref_slice %arg3[%add3A_438] : memref<131072xi32, #tpu.memory_space<hbm>> -> memref<256xi32, #tpu.memory_space<hbm>>
      %dma_start3A_513 = tpu.memref_slice %arg3[%add3A_438] : memref<131072xi32, #tpu.memory_space<hbm>> -> memref<256xi32, #tpu.memory_space<hbm>>
      tpu.enqueue_dma source(%dma_start3A_513 : memref<256xi32, #tpu.memory_space<hbm>>) target(%arg5 : memref<256xi32, #tpu.memory_space<vmem>>) target_semaphore(%run_scoped3A_511 : memref<!tpu.dma_semaphore, #tpu.memory_space<semaphore_mem>>)
      %dma_wait3A_514 = tpu.memref_slice %arg3[%add3A_438] : memref<131072xi32, #tpu.memory_space<hbm>> -> memref<256xi32, #tpu.memory_space<hbm>>
      %dma_wait3A_515 = tpu.memref_slice %arg3[%add3A_438] : memref<131072xi32, #tpu.memory_space<hbm>> -> memref<256xi32, #tpu.memory_space<hbm>>
      tpu.wait_dma2 semaphore(%run_scoped3A_511 : memref<!tpu.dma_semaphore, #tpu.memory_space<semaphore_mem>>) src(%dma_wait3A_515 : memref<256xi32, #tpu.memory_space<hbm>>) dst(%arg5 : memref<256xi32, #tpu.memory_space<vmem>>)
      tpu.yield
    }) : () -> ()
    %scan3A_439 = arith.constant 707 : i32
    %scan3A_440 = arith.constant 0 : i32
    %scan3A_441 = arith.constant 0 : i32
    %scan3A_442 = arith.constant 16 : i32
    %scan3A_443 = arith.addi %scan3A_441, %scan3A_442 : i32
    %scan3A_444 = arith.constant 1 : i32
    %scan3A_445 = scf.for %scan3A_511 = %scan3A_441 to %scan3A_443 step %scan3A_444 iter_args(%scan3A_512 = %scan3A_440) -> (i32)  : i32 {
      %mul3A_513 = arith.constant 16 : i32
      %mul3A_514 = arith.muli %scan3A_511, %mul3A_513 : i32
      %get3A = arith.index_cast %mul3A_514 : i32 to index
      %get3A_515 = tpu.vector_load %arg5[%get3A] {strides = array<i32>} : memref<256xi32, #tpu.memory_space<vmem>>, vector<16xi32>,
      %get3A_516 = vector.shape_cast %get3A_515 : vector<16xi32> to vector<16xi32>
      %add3A_517 = vector.broadcast %scan3A_439 : i32 to vector<16xi32>
      %add3A_518 = arith.addi %get3A_516, %add3A_517 : vector<16xi32>
      %swap3A = arith.index_cast %mul3A_514 : i32 to index
      %swap3A_519 = tpu.vector_load %arg5[%swap3A] {strides = array<i32>} : memref<256xi32, #tpu.memory_space<vmem>>, vector<16xi32>,
      %swap3A_520 = vector.shape_cast %swap3A_519 : vector<16xi32> to vector<16xi32>
      %swap3A_521 = vector.shape_cast %add3A_518 : vector<16xi32> to vector<16xi32>
      tpu.vector_store %arg5[%swap3A], %swap3A_521 {strides = array<i32>} : memref<256xi32, #tpu.memory_space<vmem>>, vector<16xi32>,
      %scan3A_522 = arith.constant 0 : i32
      scf.yield %scan3A_522 : i32
    }
    %scan3A_446 = arith.constant 16 : i32
    %dma_start3A_447 = arith.constant 0 : i32
    %dma_start3A_448 = arith.constant 0 : i32
    %dma_start3A_449 = arith.constant 0 : i32
    %dma_start3A_450 = tpu.memref_slice %arg7[%dma_start3A_447, %dma_start3A_448, %dma_start3A_449] : memref<2x256x128xf32, #tpu.memory_space<vmem>> -> memref<1x256x128xf32, #tpu.memory_space<vmem>>
    %dma_start3A_451 = tpu.memref_squeeze %dma_start3A_450 : memref<1x256x128xf32, #tpu.memory_space<vmem>> -> memref<256x128xf32, #tpu.memory_space<vmem>>
    %dma_start3A_452 = arith.constant 0 : i32
    %dma_start3A_453 = arith.constant 0 : i32
    %dma_start3A_454 = tpu.memref_slice %arg2[%dma_start3A_452, %dma_start3A_453] : memref<808x128xf32, #tpu.memory_space<hbm>> -> memref<808x128xf32, #tpu.memory_space<hbm>>
    tpu.enqueue_indirect_dma source(%dma_start3A_454 : memref<808x128xf32, #tpu.memory_space<hbm>>) target(%dma_start3A_451 : memref<256x128xf32, #tpu.memory_space<vmem>>) offsets(%arg5 : memref<256xi32, #tpu.memory_space<vmem>>) semaphore(%arg8 : memref<!tpu.dma_semaphore, #tpu.memory_space<semaphore_mem>>)
    %dma_wait3A_455 = arith.constant 1 : i32
    %dma_wait3A_456 = arith.constant 0 : i32
    %dma_wait3A_457 = arith.constant 0 : i32
    %dma_wait3A_458 = tpu.memref_slice %arg7[%dma_wait3A_455, %dma_wait3A_456, %dma_wait3A_457] : memref<2x256x128xf32, #tpu.memory_space<vmem>> -> memref<1x256x128xf32, #tpu.memory_space<vmem>>
    %dma_wait3A_459 = tpu.memref_squeeze %dma_wait3A_458 : memref<1x256x128xf32, #tpu.memory_space<vmem>> -> memref<256x128xf32, #tpu.memory_space<vmem>>
    %dma_wait3A_460 = arith.constant 0 : i32
    %dma_wait3A_461 = arith.constant 0 : i32
    %dma_wait3A_462 = tpu.memref_slice %arg2[%dma_wait3A_460, %dma_wait3A_461] : memref<808x128xf32, #tpu.memory_space<hbm>> -> memref<808x128xf32, #tpu.memory_space<hbm>>
    tpu.wait_indirect_dma semaphore(%arg9 : memref<!tpu.dma_semaphore, #tpu.memory_space<semaphore_mem>>) src(%dma_wait3A_462 : memref<808x128xf32, #tpu.memory_space<hbm>>) dst(%dma_wait3A_459 : memref<256x128xf32, #tpu.memory_space<vmem>>)
    %add3A_463 = arith.constant 256 : i32
    %add3A_464 = arith.addi %mul3A_2, %add3A_463 : i32
    %run_scoped3A_465 = arith.constant 1 : i32
    %run_scoped3A_466 = arith.constant 6 : i32
    "tpu.region"() ({
      %run_scoped3A_511 = tpu.sem_alloc : memref<!tpu.dma_semaphore, #tpu.memory_space<semaphore_mem>>
      %dma_start3A_512 = arith.constant 0 : i32
      %dma_start3A_513 = arith.constant 0 : i32
      %dma_start3A_514 = tpu.memref_slice %arg7[%run_scoped3A_465, %dma_start3A_512, %dma_start3A_513] : memref<2x256x128xf32, #tpu.memory_space<vmem>> -> memref<1x256x128xf32, #tpu.memory_space<vmem>>
      %dma_start3A_515 = tpu.memref_squeeze %dma_start3A_514 : memref<1x256x128xf32, #tpu.memory_space<vmem>> -> memref<256x128xf32, #tpu.memory_space<vmem>>
      %dma_start3A_516 = arith.constant 0 : i32
      %dma_start3A_517 = tpu.memref_slice %arg4[%run_scoped3A_466, %add3A_464, %dma_start3A_516] : memref<8x16384x128xf32, #tpu.memory_space<hbm>> -> memref<1x256x128xf32, #tpu.memory_space<hbm>>
      %dma_start3A_518 = tpu.memref_squeeze %dma_start3A_517 : memref<1x256x128xf32, #tpu.memory_space<hbm>> -> memref<256x128xf32, #tpu.memory_space<hbm>>
      %dma_start3A_519 = arith.constant 0 : i32
      %dma_start3A_520 = tpu.memref_slice %arg4[%run_scoped3A_466, %add3A_464, %dma_start3A_519] : memref<8x16384x128xf32, #tpu.memory_space<hbm>> -> memref<1x256x128xf32, #tpu.memory_space<hbm>>
      %dma_start3A_521 = tpu.memref_squeeze %dma_start3A_520 : memref<1x256x128xf32, #tpu.memory_space<hbm>> -> memref<256x128xf32, #tpu.memory_space<hbm>>
      %dma_start3A_522 = arith.constant 0 : i32
      %dma_start3A_523 = arith.constant 0 : i32
      %dma_start3A_524 = tpu.memref_slice %arg7[%run_scoped3A_465, %dma_start3A_522, %dma_start3A_523] : memref<2x256x128xf32, #tpu.memory_space<vmem>> -> memref<1x256x128xf32, #tpu.memory_space<vmem>>
      %dma_start3A_525 = tpu.memref_squeeze %dma_start3A_524 : memref<1x256x128xf32, #tpu.memory_space<vmem>> -> memref<256x128xf32, #tpu.memory_space<vmem>>
      tpu.enqueue_dma source(%dma_start3A_525 : memref<256x128xf32, #tpu.memory_space<vmem>>) target(%dma_start3A_521 : memref<256x128xf32, #tpu.memory_space<hbm>>) target_semaphore(%run_scoped3A_511 : memref<!tpu.dma_semaphore, #tpu.memory_space<semaphore_mem>>)
      %dma_wait3A_526 = arith.constant 0 : i32
      %dma_wait3A_527 = arith.constant 0 : i32
      %dma_wait3A_528 = tpu.memref_slice %arg7[%run_scoped3A_465, %dma_wait3A_526, %dma_wait3A_527] : memref<2x256x128xf32, #tpu.memory_space<vmem>> -> memref<1x256x128xf32, #tpu.memory_space<vmem>>
      %dma_wait3A_529 = tpu.memref_squeeze %dma_wait3A_528 : memref<1x256x128xf32, #tpu.memory_space<vmem>> -> memref<256x128xf32, #tpu.memory_space<vmem>>
      %dma_wait3A_530 = arith.constant 0 : i32
      %dma_wait3A_531 = tpu.memref_slice %arg4[%run_scoped3A_466, %add3A_464, %dma_wait3A_530] : memref<8x16384x128xf32, #tpu.memory_space<hbm>> -> memref<1x256x128xf32, #tpu.memory_space<hbm>>
      %dma_wait3A_532 = tpu.memref_squeeze %dma_wait3A_531 : memref<1x256x128xf32, #tpu.memory_space<hbm>> -> memref<256x128xf32, #tpu.memory_space<hbm>>
      %dma_wait3A_533 = arith.constant 0 : i32
      %dma_wait3A_534 = tpu.memref_slice %arg4[%run_scoped3A_466, %add3A_464, %dma_wait3A_533] : memref<8x16384x128xf32, #tpu.memory_space<hbm>> -> memref<1x256x128xf32, #tpu.memory_space<hbm>>
      %dma_wait3A_535 = tpu.memref_squeeze %dma_wait3A_534 : memref<1x256x128xf32, #tpu.memory_space<hbm>> -> memref<256x128xf32, #tpu.memory_space<hbm>>
      %dma_wait3A_536 = arith.constant 0 : i32
      %dma_wait3A_537 = arith.constant 0 : i32
      %dma_wait3A_538 = tpu.memref_slice %arg7[%run_scoped3A_465, %dma_wait3A_536, %dma_wait3A_537] : memref<2x256x128xf32, #tpu.memory_space<vmem>> -> memref<1x256x128xf32, #tpu.memory_space<vmem>>
      %dma_wait3A_539 = tpu.memref_squeeze %dma_wait3A_538 : memref<1x256x128xf32, #tpu.memory_space<vmem>> -> memref<256x128xf32, #tpu.memory_space<vmem>>
      tpu.wait_dma2 semaphore(%run_scoped3A_511 : memref<!tpu.dma_semaphore, #tpu.memory_space<semaphore_mem>>) src(%dma_wait3A_539 : memref<256x128xf32, #tpu.memory_space<vmem>>) dst(%dma_wait3A_535 : memref<256x128xf32, #tpu.memory_space<hbm>>)
      tpu.yield
    }) : () -> ()
    %add3A_467 = arith.constant 114688 : i32
    %add3A_468 = arith.addi %add3A_467, %mul3A_2 : i32
    %add3A_469 = arith.constant 256 : i32
    %add3A_470 = arith.addi %add3A_468, %add3A_469 : i32
    "tpu.region"() ({
      %run_scoped3A_511 = tpu.sem_alloc : memref<!tpu.dma_semaphore, #tpu.memory_space<semaphore_mem>>
      %dma_start3A_512 = tpu.memref_slice %arg3[%add3A_470] : memref<131072xi32, #tpu.memory_space<hbm>> -> memref<256xi32, #tpu.memory_space<hbm>>
      %dma_start3A_513 = tpu.memref_slice %arg3[%add3A_470] : memref<131072xi32, #tpu.memory_space<hbm>> -> memref<256xi32, #tpu.memory_space<hbm>>
      tpu.enqueue_dma source(%dma_start3A_513 : memref<256xi32, #tpu.memory_space<hbm>>) target(%arg6 : memref<256xi32, #tpu.memory_space<vmem>>) target_semaphore(%run_scoped3A_511 : memref<!tpu.dma_semaphore, #tpu.memory_space<semaphore_mem>>)
      %dma_wait3A_514 = tpu.memref_slice %arg3[%add3A_470] : memref<131072xi32, #tpu.memory_space<hbm>> -> memref<256xi32, #tpu.memory_space<hbm>>
      %dma_wait3A_515 = tpu.memref_slice %arg3[%add3A_470] : memref<131072xi32, #tpu.memory_space<hbm>> -> memref<256xi32, #tpu.memory_space<hbm>>
      tpu.wait_dma2 semaphore(%run_scoped3A_511 : memref<!tpu.dma_semaphore, #tpu.memory_space<semaphore_mem>>) src(%dma_wait3A_515 : memref<256xi32, #tpu.memory_space<hbm>>) dst(%arg6 : memref<256xi32, #tpu.memory_space<vmem>>)
      tpu.yield
    }) : () -> ()
    %scan3A_471 = arith.constant 707 : i32
    %scan3A_472 = arith.constant 0 : i32
    %scan3A_473 = arith.constant 0 : i32
    %scan3A_474 = arith.constant 16 : i32
    %scan3A_475 = arith.addi %scan3A_473, %scan3A_474 : i32
    %scan3A_476 = arith.constant 1 : i32
    %scan3A_477 = scf.for %scan3A_511 = %scan3A_473 to %scan3A_475 step %scan3A_476 iter_args(%scan3A_512 = %scan3A_472) -> (i32)  : i32 {
      %mul3A_513 = arith.constant 16 : i32
      %mul3A_514 = arith.muli %scan3A_511, %mul3A_513 : i32
      %get3A = arith.index_cast %mul3A_514 : i32 to index
      %get3A_515 = tpu.vector_load %arg6[%get3A] {strides = array<i32>} : memref<256xi32, #tpu.memory_space<vmem>>, vector<16xi32>,
      %get3A_516 = vector.shape_cast %get3A_515 : vector<16xi32> to vector<16xi32>
      %add3A_517 = vector.broadcast %scan3A_471 : i32 to vector<16xi32>
      %add3A_518 = arith.addi %get3A_516, %add3A_517 : vector<16xi32>
      %swap3A = arith.index_cast %mul3A_514 : i32 to index
      %swap3A_519 = tpu.vector_load %arg6[%swap3A] {strides = array<i32>} : memref<256xi32, #tpu.memory_space<vmem>>, vector<16xi32>,
      %swap3A_520 = vector.shape_cast %swap3A_519 : vector<16xi32> to vector<16xi32>
      %swap3A_521 = vector.shape_cast %add3A_518 : vector<16xi32> to vector<16xi32>
      tpu.vector_store %arg6[%swap3A], %swap3A_521 {strides = array<i32>} : memref<256xi32, #tpu.memory_space<vmem>>, vector<16xi32>,
      %scan3A_522 = arith.constant 0 : i32
      scf.yield %scan3A_522 : i32
    }
    %scan3A_478 = arith.constant 16 : i32
    %dma_start3A_479 = arith.constant 1 : i32
    %dma_start3A_480 = arith.constant 0 : i32
    %dma_start3A_481 = arith.constant 0 : i32
    %dma_start3A_482 = tpu.memref_slice %arg7[%dma_start3A_479, %dma_start3A_480, %dma_start3A_481] : memref<2x256x128xf32, #tpu.memory_space<vmem>> -> memref<1x256x128xf32, #tpu.memory_space<vmem>>
    %dma_start3A_483 = tpu.memref_squeeze %dma_start3A_482 : memref<1x256x128xf32, #tpu.memory_space<vmem>> -> memref<256x128xf32, #tpu.memory_space<vmem>>
    %dma_start3A_484 = arith.constant 0 : i32
    %dma_start3A_485 = arith.constant 0 : i32
    %dma_start3A_486 = tpu.memref_slice %arg2[%dma_start3A_484, %dma_start3A_485] : memref<808x128xf32, #tpu.memory_space<hbm>> -> memref<808x128xf32, #tpu.memory_space<hbm>>
    tpu.enqueue_indirect_dma source(%dma_start3A_486 : memref<808x128xf32, #tpu.memory_space<hbm>>) target(%dma_start3A_483 : memref<256x128xf32, #tpu.memory_space<vmem>>) offsets(%arg6 : memref<256xi32, #tpu.memory_space<vmem>>) semaphore(%arg9 : memref<!tpu.dma_semaphore, #tpu.memory_space<semaphore_mem>>)
    %dma_wait3A_487 = arith.constant 0 : i32
    %dma_wait3A_488 = arith.constant 0 : i32
    %dma_wait3A_489 = arith.constant 0 : i32
    %dma_wait3A_490 = tpu.memref_slice %arg7[%dma_wait3A_487, %dma_wait3A_488, %dma_wait3A_489] : memref<2x256x128xf32, #tpu.memory_space<vmem>> -> memref<1x256x128xf32, #tpu.memory_space<vmem>>
    %dma_wait3A_491 = tpu.memref_squeeze %dma_wait3A_490 : memref<1x256x128xf32, #tpu.memory_space<vmem>> -> memref<256x128xf32, #tpu.memory_space<vmem>>
    %dma_wait3A_492 = arith.constant 0 : i32
    %dma_wait3A_493 = arith.constant 0 : i32
    %dma_wait3A_494 = tpu.memref_slice %arg2[%dma_wait3A_492, %dma_wait3A_493] : memref<808x128xf32, #tpu.memory_space<hbm>> -> memref<808x128xf32, #tpu.memory_space<hbm>>
    tpu.wait_indirect_dma semaphore(%arg8 : memref<!tpu.dma_semaphore, #tpu.memory_space<semaphore_mem>>) src(%dma_wait3A_494 : memref<808x128xf32, #tpu.memory_space<hbm>>) dst(%dma_wait3A_491 : memref<256x128xf32, #tpu.memory_space<vmem>>)
    %add3A_495 = arith.constant 0 : i32
    %add3A_496 = arith.addi %mul3A_2, %add3A_495 : i32
    %run_scoped3A_497 = arith.constant 0 : i32
    %run_scoped3A_498 = arith.constant 7 : i32
    "tpu.region"() ({
      %run_scoped3A_511 = tpu.sem_alloc : memref<!tpu.dma_semaphore, #tpu.memory_space<semaphore_mem>>
      %dma_start3A_512 = arith.constant 0 : i32
      %dma_start3A_513 = arith.constant 0 : i32
      %dma_start3A_514 = tpu.memref_slice %arg7[%run_scoped3A_497, %dma_start3A_512, %dma_start3A_513] : memref<2x256x128xf32, #tpu.memory_space<vmem>> -> memref<1x256x128xf32, #tpu.memory_space<vmem>>
      %dma_start3A_515 = tpu.memref_squeeze %dma_start3A_514 : memref<1x256x128xf32, #tpu.memory_space<vmem>> -> memref<256x128xf32, #tpu.memory_space<vmem>>
      %dma_start3A_516 = arith.constant 0 : i32
      %dma_start3A_517 = tpu.memref_slice %arg4[%run_scoped3A_498, %add3A_496, %dma_start3A_516] : memref<8x16384x128xf32, #tpu.memory_space<hbm>> -> memref<1x256x128xf32, #tpu.memory_space<hbm>>
      %dma_start3A_518 = tpu.memref_squeeze %dma_start3A_517 : memref<1x256x128xf32, #tpu.memory_space<hbm>> -> memref<256x128xf32, #tpu.memory_space<hbm>>
      %dma_start3A_519 = arith.constant 0 : i32
      %dma_start3A_520 = tpu.memref_slice %arg4[%run_scoped3A_498, %add3A_496, %dma_start3A_519] : memref<8x16384x128xf32, #tpu.memory_space<hbm>> -> memref<1x256x128xf32, #tpu.memory_space<hbm>>
      %dma_start3A_521 = tpu.memref_squeeze %dma_start3A_520 : memref<1x256x128xf32, #tpu.memory_space<hbm>> -> memref<256x128xf32, #tpu.memory_space<hbm>>
      %dma_start3A_522 = arith.constant 0 : i32
      %dma_start3A_523 = arith.constant 0 : i32
      %dma_start3A_524 = tpu.memref_slice %arg7[%run_scoped3A_497, %dma_start3A_522, %dma_start3A_523] : memref<2x256x128xf32, #tpu.memory_space<vmem>> -> memref<1x256x128xf32, #tpu.memory_space<vmem>>
      %dma_start3A_525 = tpu.memref_squeeze %dma_start3A_524 : memref<1x256x128xf32, #tpu.memory_space<vmem>> -> memref<256x128xf32, #tpu.memory_space<vmem>>
      tpu.enqueue_dma source(%dma_start3A_525 : memref<256x128xf32, #tpu.memory_space<vmem>>) target(%dma_start3A_521 : memref<256x128xf32, #tpu.memory_space<hbm>>) target_semaphore(%run_scoped3A_511 : memref<!tpu.dma_semaphore, #tpu.memory_space<semaphore_mem>>)
      %dma_wait3A_526 = arith.constant 0 : i32
      %dma_wait3A_527 = arith.constant 0 : i32
      %dma_wait3A_528 = tpu.memref_slice %arg7[%run_scoped3A_497, %dma_wait3A_526, %dma_wait3A_527] : memref<2x256x128xf32, #tpu.memory_space<vmem>> -> memref<1x256x128xf32, #tpu.memory_space<vmem>>
      %dma_wait3A_529 = tpu.memref_squeeze %dma_wait3A_528 : memref<1x256x128xf32, #tpu.memory_space<vmem>> -> memref<256x128xf32, #tpu.memory_space<vmem>>
      %dma_wait3A_530 = arith.constant 0 : i32
      %dma_wait3A_531 = tpu.memref_slice %arg4[%run_scoped3A_498, %add3A_496, %dma_wait3A_530] : memref<8x16384x128xf32, #tpu.memory_space<hbm>> -> memref<1x256x128xf32, #tpu.memory_space<hbm>>
      %dma_wait3A_532 = tpu.memref_squeeze %dma_wait3A_531 : memref<1x256x128xf32, #tpu.memory_space<hbm>> -> memref<256x128xf32, #tpu.memory_space<hbm>>
      %dma_wait3A_533 = arith.constant 0 : i32
      %dma_wait3A_534 = tpu.memref_slice %arg4[%run_scoped3A_498, %add3A_496, %dma_wait3A_533] : memref<8x16384x128xf32, #tpu.memory_space<hbm>> -> memref<1x256x128xf32, #tpu.memory_space<hbm>>
      %dma_wait3A_535 = tpu.memref_squeeze %dma_wait3A_534 : memref<1x256x128xf32, #tpu.memory_space<hbm>> -> memref<256x128xf32, #tpu.memory_space<hbm>>
      %dma_wait3A_536 = arith.constant 0 : i32
      %dma_wait3A_537 = arith.constant 0 : i32
      %dma_wait3A_538 = tpu.memref_slice %arg7[%run_scoped3A_497, %dma_wait3A_536, %dma_wait3A_537] : memref<2x256x128xf32, #tpu.memory_space<vmem>> -> memref<1x256x128xf32, #tpu.memory_space<vmem>>
      %dma_wait3A_539 = tpu.memref_squeeze %dma_wait3A_538 : memref<1x256x128xf32, #tpu.memory_space<vmem>> -> memref<256x128xf32, #tpu.memory_space<vmem>>
      tpu.wait_dma2 semaphore(%run_scoped3A_511 : memref<!tpu.dma_semaphore, #tpu.memory_space<semaphore_mem>>) src(%dma_wait3A_539 : memref<256x128xf32, #tpu.memory_space<vmem>>) dst(%dma_wait3A_535 : memref<256x128xf32, #tpu.memory_space<hbm>>)
      tpu.yield
    }) : () -> ()
    %dma_wait3A_499 = arith.constant 1 : i32
    %dma_wait3A_500 = arith.constant 0 : i32
    %dma_wait3A_501 = arith.constant 0 : i32
    %dma_wait3A_502 = tpu.memref_slice %arg7[%dma_wait3A_499, %dma_wait3A_500, %dma_wait3A_501] : memref<2x256x128xf32, #tpu.memory_space<vmem>> -> memref<1x256x128xf32, #tpu.memory_space<vmem>>
    %dma_wait3A_503 = tpu.memref_squeeze %dma_wait3A_502 : memref<1x256x128xf32, #tpu.memory_space<vmem>> -> memref<256x128xf32, #tpu.memory_space<vmem>>
    %dma_wait3A_504 = arith.constant 0 : i32
    %dma_wait3A_505 = arith.constant 0 : i32
    %dma_wait3A_506 = tpu.memref_slice %arg2[%dma_wait3A_504, %dma_wait3A_505] : memref<808x128xf32, #tpu.memory_space<hbm>> -> memref<808x128xf32, #tpu.memory_space<hbm>>
    tpu.wait_indirect_dma semaphore(%arg9 : memref<!tpu.dma_semaphore, #tpu.memory_space<semaphore_mem>>) src(%dma_wait3A_506 : memref<808x128xf32, #tpu.memory_space<hbm>>) dst(%dma_wait3A_503 : memref<256x128xf32, #tpu.memory_space<vmem>>)
    %add3A_507 = arith.constant 256 : i32
    %add3A_508 = arith.addi %mul3A_2, %add3A_507 : i32
    %run_scoped3A_509 = arith.constant 1 : i32
    %run_scoped3A_510 = arith.constant 7 : i32
    "tpu.region"() ({
      %run_scoped3A_511 = tpu.sem_alloc : memref<!tpu.dma_semaphore, #tpu.memory_space<semaphore_mem>>
      %dma_start3A_512 = arith.constant 0 : i32
      %dma_start3A_513 = arith.constant 0 : i32
      %dma_start3A_514 = tpu.memref_slice %arg7[%run_scoped3A_509, %dma_start3A_512, %dma_start3A_513] : memref<2x256x128xf32, #tpu.memory_space<vmem>> -> memref<1x256x128xf32, #tpu.memory_space<vmem>>
      %dma_start3A_515 = tpu.memref_squeeze %dma_start3A_514 : memref<1x256x128xf32, #tpu.memory_space<vmem>> -> memref<256x128xf32, #tpu.memory_space<vmem>>
      %dma_start3A_516 = arith.constant 0 : i32
      %dma_start3A_517 = tpu.memref_slice %arg4[%run_scoped3A_510, %add3A_508, %dma_start3A_516] : memref<8x16384x128xf32, #tpu.memory_space<hbm>> -> memref<1x256x128xf32, #tpu.memory_space<hbm>>
      %dma_start3A_518 = tpu.memref_squeeze %dma_start3A_517 : memref<1x256x128xf32, #tpu.memory_space<hbm>> -> memref<256x128xf32, #tpu.memory_space<hbm>>
      %dma_start3A_519 = arith.constant 0 : i32
      %dma_start3A_520 = tpu.memref_slice %arg4[%run_scoped3A_510, %add3A_508, %dma_start3A_519] : memref<8x16384x128xf32, #tpu.memory_space<hbm>> -> memref<1x256x128xf32, #tpu.memory_space<hbm>>
      %dma_start3A_521 = tpu.memref_squeeze %dma_start3A_520 : memref<1x256x128xf32, #tpu.memory_space<hbm>> -> memref<256x128xf32, #tpu.memory_space<hbm>>
      %dma_start3A_522 = arith.constant 0 : i32
      %dma_start3A_523 = arith.constant 0 : i32
      %dma_start3A_524 = tpu.memref_slice %arg7[%run_scoped3A_509, %dma_start3A_522, %dma_start3A_523] : memref<2x256x128xf32, #tpu.memory_space<vmem>> -> memref<1x256x128xf32, #tpu.memory_space<vmem>>
      %dma_start3A_525 = tpu.memref_squeeze %dma_start3A_524 : memref<1x256x128xf32, #tpu.memory_space<vmem>> -> memref<256x128xf32, #tpu.memory_space<vmem>>
      tpu.enqueue_dma source(%dma_start3A_525 : memref<256x128xf32, #tpu.memory_space<vmem>>) target(%dma_start3A_521 : memref<256x128xf32, #tpu.memory_space<hbm>>) target_semaphore(%run_scoped3A_511 : memref<!tpu.dma_semaphore, #tpu.memory_space<semaphore_mem>>)
      %dma_wait3A_526 = arith.constant 0 : i32
      %dma_wait3A_527 = arith.constant 0 : i32
      %dma_wait3A_528 = tpu.memref_slice %arg7[%run_scoped3A_509, %dma_wait3A_526, %dma_wait3A_527] : memref<2x256x128xf32, #tpu.memory_space<vmem>> -> memref<1x256x128xf32, #tpu.memory_space<vmem>>
      %dma_wait3A_529 = tpu.memref_squeeze %dma_wait3A_528 : memref<1x256x128xf32, #tpu.memory_space<vmem>> -> memref<256x128xf32, #tpu.memory_space<vmem>>
      %dma_wait3A_530 = arith.constant 0 : i32
      %dma_wait3A_531 = tpu.memref_slice %arg4[%run_scoped3A_510, %add3A_508, %dma_wait3A_530] : memref<8x16384x128xf32, #tpu.memory_space<hbm>> -> memref<1x256x128xf32, #tpu.memory_space<hbm>>
      %dma_wait3A_532 = tpu.memref_squeeze %dma_wait3A_531 : memref<1x256x128xf32, #tpu.memory_space<hbm>> -> memref<256x128xf32, #tpu.memory_space<hbm>>
      %dma_wait3A_533 = arith.constant 0 : i32
      %dma_wait3A_534 = tpu.memref_slice %arg4[%run_scoped3A_510, %add3A_508, %dma_wait3A_533] : memref<8x16384x128xf32, #tpu.memory_space<hbm>> -> memref<1x256x128xf32, #tpu.memory_space<hbm>>
      %dma_wait3A_535 = tpu.memref_squeeze %dma_wait3A_534 : memref<1x256x128xf32, #tpu.memory_space<hbm>> -> memref<256x128xf32, #tpu.memory_space<hbm>>
      %dma_wait3A_536 = arith.constant 0 : i32
      %dma_wait3A_537 = arith.constant 0 : i32
      %dma_wait3A_538 = tpu.memref_slice %arg7[%run_scoped3A_509, %dma_wait3A_536, %dma_wait3A_537] : memref<2x256x128xf32, #tpu.memory_space<vmem>> -> memref<1x256x128xf32, #tpu.memory_space<vmem>>
      %dma_wait3A_539 = tpu.memref_squeeze %dma_wait3A_538 : memref<1x256x128xf32, #tpu.memory_space<vmem>> -> memref<256x128xf32, #tpu.memory_space<vmem>>
      tpu.wait_dma2 semaphore(%run_scoped3A_511 : memref<!tpu.dma_semaphore, #tpu.memory_space<semaphore_mem>>) src(%dma_wait3A_539 : memref<256x128xf32, #tpu.memory_space<vmem>>) dst(%dma_wait3A_535 : memref<256x128xf32, #tpu.memory_space<hbm>>)
      tpu.yield
    }) : () -> ()
    return
  }
}

module attributes {stable_mosaic.version = 14 : i64} {
  func.func @body(%arg0: memref<2304x128xi32, #tpu.memory_space<vmem>>, %arg1: memref<2304x128xi32, #tpu.memory_space<vmem>>, %arg2: memref<2304x128xi32, #tpu.memory_space<vmem>>) attributes {dimension_semantics = [], scalar_prefetch = 0 : i64, scratch_operands = 0 : i64, tpu.core_type = #tpu.core_type<tc>} {
    %iota3A = tpu.iota {dimensions = array<i32: 0>} : vector<2304x128xi32>
    %iota3A_0 = tpu.iota {dimensions = array<i32: 1>} : vector<2304x128xi32>
    %mul3A = arith.constant 128 : i32
    %mul3A_1 = vector.broadcast %mul3A : i32 to vector<2304x128xi32>
    %mul3A_2 = arith.muli %iota3A, %mul3A_1 : vector<2304x128xi32>
    %add3A = arith.addi %mul3A_2, %iota3A_0 : vector<2304x128xi32>
    %shift_right_arithmetic3A = arith.constant 14 : i32
    %shift_right_arithmetic3A_3 = vector.broadcast %shift_right_arithmetic3A : i32 to vector<2304x128xi32>
    %shift_right_arithmetic3A_4 = arith.shrsi %add3A, %shift_right_arithmetic3A_3 : vector<2304x128xi32>
    %shift_left3A = arith.constant 14 : i32
    %shift_left3A_5 = vector.broadcast %shift_left3A : i32 to vector<2304x128xi32>
    %shift_left3A_6 = arith.shli %shift_right_arithmetic3A_4, %shift_left3A_5 : vector<2304x128xi32>
    %sub3A = arith.subi %add3A, %shift_left3A_6 : vector<2304x128xi32>
    %ge3A = arith.constant 9 : i32
    %ge3A_7 = vector.broadcast %ge3A : i32 to vector<2304x128xi32>
    %ge3A_8 = arith.cmpi sge, %shift_right_arithmetic3A_4, %ge3A_7 : vector<2304x128xi32>
    %convert_element_type3A = arith.extui %ge3A_8 : vector<2304x128xi1> to vector<2304x128xi32>
    %mul3A_9 = arith.constant 16384 : i32
    %mul3A_10 = vector.broadcast %mul3A_9 : i32 to vector<2304x128xi32>
    %mul3A_11 = arith.muli %convert_element_type3A, %mul3A_10 : vector<2304x128xi32>
    %add3A_12 = arith.addi %sub3A, %mul3A_11 : vector<2304x128xi32>
    %swap3A = arith.constant 0 : index
    %swap3A_13 = arith.constant 0 : index
    %swap3A_14 = vector.load %arg0[%swap3A, %swap3A_13] : memref<2304x128xi32, #tpu.memory_space<vmem>>, vector<2304x128xi32>
    tpu.vector_store %arg0[%swap3A, %swap3A_13], %add3A_12 {strides = array<i32>} : memref<2304x128xi32, #tpu.memory_space<vmem>>, vector<2304x128xi32>,
    %swap3A_15 = arith.constant 0 : index
    %swap3A_16 = arith.constant 0 : index
    %swap3A_17 = vector.load %arg1[%swap3A_15, %swap3A_16] : memref<2304x128xi32, #tpu.memory_space<vmem>>, vector<2304x128xi32>
    tpu.vector_store %arg1[%swap3A_15, %swap3A_16], %shift_right_arithmetic3A_4 {strides = array<i32>} : memref<2304x128xi32, #tpu.memory_space<vmem>>, vector<2304x128xi32>,
    %swap3A_18 = arith.constant 0 : index
    %swap3A_19 = arith.constant 0 : index
    %swap3A_20 = vector.load %arg2[%swap3A_18, %swap3A_19] : memref<2304x128xi32, #tpu.memory_space<vmem>>, vector<2304x128xi32>
    tpu.vector_store %arg2[%swap3A_18, %swap3A_19], %convert_element_type3A {strides = array<i32>} : memref<2304x128xi32, #tpu.memory_space<vmem>>, vector<2304x128xi32>,
    return
  }
}

module attributes {stable_mosaic.version = 14 : i64} {
  func.func @body(%arg0: i32, %arg1: memref<16384x1x1536xf32, #tpu.memory_space<any>>, %arg2: memref<16384x1x1536xf32, #tpu.memory_space<any>>, %arg3: memref<8x512x128xf32, #tpu.memory_space<vmem>>, %arg4: memref<512x4xf32, #tpu.memory_space<vmem>>, %arg5: memref<512x4xf32, #tpu.memory_space<vmem>>, %arg6: memref<8x64xf32, #tpu.memory_space<vmem>>, %arg7: memref<8x64xf32, #tpu.memory_space<vmem>>, %arg8: memref<8x64xf32, #tpu.memory_space<vmem>>, %arg9: memref<1536x64xf32, #tpu.memory_space<vmem>>, %arg10: memref<1536x64xf32, #tpu.memory_space<vmem>>, %arg11: memref<2x64xf32, #tpu.memory_space<vmem>>, %arg12: memref<18x512x64xf32, #tpu.memory_space<vmem>>, %arg13: memref<2x512x1536xf32, #tpu.memory_space<vmem>>, %arg14: memref<2x512x1536xf32, #tpu.memory_space<vmem>>, %arg15: memref<!tpu.dma_semaphore, #tpu.memory_space<semaphore_mem>>, %arg16: memref<!tpu.dma_semaphore, #tpu.memory_space<semaphore_mem>>, %arg17: memref<!tpu.dma_semaphore, #tpu.memory_space<semaphore_mem>>, %arg18: memref<!tpu.dma_semaphore, #tpu.memory_space<semaphore_mem>>) attributes {dimension_semantics = [#tpu.dimension_semantics<arbitrary>], iteration_bounds = array<i64: 32>, scalar_prefetch = 0 : i64, scratch_operands = 6 : i64, tpu.core_type = #tpu.core_type<tc>, window_params = [{}, {}, {transform_indices = @transform_2, window_bounds = array<i64: 8, 512, 128>}, {transform_indices = @transform_3, window_bounds = array<i64: 512, 4>}, {transform_indices = @transform_4, window_bounds = array<i64: 512, 4>}, {pipeline_mode = #tpu.pipeline_mode<synchronous>, transform_indices = @transform_5, window_bounds = array<i64: 8, 64>}, {pipeline_mode = #tpu.pipeline_mode<synchronous>, transform_indices = @transform_6, window_bounds = array<i64: 8, 64>}, {pipeline_mode = #tpu.pipeline_mode<synchronous>, transform_indices = @transform_7, window_bounds = array<i64: 8, 64>}, {pipeline_mode = #tpu.pipeline_mode<synchronous>, transform_indices = @transform_8, window_bounds = array<i64: 1536, 64>}, {pipeline_mode = #tpu.pipeline_mode<synchronous>, transform_indices = @transform_9, window_bounds = array<i64: 1536, 64>}, {pipeline_mode = #tpu.pipeline_mode<synchronous>, transform_indices = @transform_10, window_bounds = array<i64: 2, 64>}, {transform_indices = @transform_11, window_bounds = array<i64: 18, 512, 64>}]} {
    %eq3A = arith.constant 0 : i32
    %eq3A_0 = arith.cmpi eq, %arg0, %eq3A : i32
    %convert_element_type3A = arith.extui %eq3A_0 : i1 to i32
    %cond3A = arith.constant 0 : i32
    %cond3A_1 = arith.cmpi ne, %convert_element_type3A, %cond3A : i32
    scf.if %cond3A_1 {
      %dma_start3A = arith.constant 0 : i32
      %dma_start3A_427 = arith.constant 0 : i32
      %dma_start3A_428 = arith.constant 0 : i32
      %dma_start3A_429 = arith.constant 0 : i32
      %dma_start3A_430 = tpu.memref_slice %arg13[%dma_start3A_427, %dma_start3A_428, %dma_start3A_429] : memref<2x512x1536xf32, #tpu.memory_space<vmem>> -> memref<1x512x1536xf32, #tpu.memory_space<vmem>>
      %dma_start3A_431 = tpu.memref_squeeze %dma_start3A_430 : memref<1x512x1536xf32, #tpu.memory_space<vmem>> -> memref<512x1536xf32, #tpu.memory_space<vmem>>
      %dma_start3A_432 = arith.constant 0 : i32
      %dma_start3A_433 = arith.constant 0 : i32
      %dma_start3A_434 = tpu.memref_slice %arg1[%dma_start3A_432, %dma_start3A, %dma_start3A_433] : memref<16384x1x1536xf32, #tpu.memory_space<any>> -> memref<512x1x1536xf32, #tpu.memory_space<any>>
      %dma_start3A_435 = tpu.memref_squeeze %dma_start3A_434 : memref<512x1x1536xf32, #tpu.memory_space<any>> -> memref<512x1536xf32, #tpu.memory_space<any>>
      tpu.enqueue_dma source(%dma_start3A_435 : memref<512x1536xf32, #tpu.memory_space<any>>) target(%dma_start3A_431 : memref<512x1536xf32, #tpu.memory_space<vmem>>) target_semaphore(%arg15 : memref<!tpu.dma_semaphore, #tpu.memory_space<semaphore_mem>>)
      %dma_start3A_436 = arith.constant 0 : i32
      %dma_start3A_437 = arith.constant 0 : i32
      %dma_start3A_438 = arith.constant 0 : i32
      %dma_start3A_439 = arith.constant 0 : i32
      %dma_start3A_440 = tpu.memref_slice %arg14[%dma_start3A_437, %dma_start3A_438, %dma_start3A_439] : memref<2x512x1536xf32, #tpu.memory_space<vmem>> -> memref<1x512x1536xf32, #tpu.memory_space<vmem>>
      %dma_start3A_441 = tpu.memref_squeeze %dma_start3A_440 : memref<1x512x1536xf32, #tpu.memory_space<vmem>> -> memref<512x1536xf32, #tpu.memory_space<vmem>>
      %dma_start3A_442 = arith.constant 0 : i32
      %dma_start3A_443 = arith.constant 0 : i32
      %dma_start3A_444 = tpu.memref_slice %arg2[%dma_start3A_442, %dma_start3A_436, %dma_start3A_443] : memref<16384x1x1536xf32, #tpu.memory_space<any>> -> memref<512x1x1536xf32, #tpu.memory_space<any>>
      %dma_start3A_445 = tpu.memref_squeeze %dma_start3A_444 : memref<512x1x1536xf32, #tpu.memory_space<any>> -> memref<512x1536xf32, #tpu.memory_space<any>>
      tpu.enqueue_dma source(%dma_start3A_445 : memref<512x1536xf32, #tpu.memory_space<any>>) target(%dma_start3A_441 : memref<512x1536xf32, #tpu.memory_space<vmem>>) target_semaphore(%arg17 : memref<!tpu.dma_semaphore, #tpu.memory_space<semaphore_mem>>)
    } else {
    }
    %add3A = arith.constant 1 : i32
    %add3A_2 = arith.addi %arg0, %add3A : i32
    %lt3A = arith.constant 32 : i32
    %lt3A_3 = arith.cmpi slt, %add3A_2, %lt3A : i32
    %jit3A = arith.constant 2 : i32
    %eq3A_4 = arith.constant 0 : i32
    %eq3A_5 = arith.cmpi eq, %jit3A, %eq3A_4 : i32
    %jit3A_6 = arith.constant 1 : i32
    %select_n3A = arith.select %eq3A_5, %jit3A_6, %jit3A : i32
    %rem3A = arith.remsi %add3A_2, %select_n3A : i32
    %ne3A = arith.constant 0 : i32
    %ne3A_7 = arith.cmpi ne, %rem3A, %ne3A : i32
    %lt3A_8 = arith.constant 0 : i32
    %lt3A_9 = arith.cmpi slt, %rem3A, %lt3A_8 : i32
    %lt3A_10 = arith.constant 0 : i32
    %lt3A_11 = arith.cmpi slt, %select_n3A, %lt3A_10 : i32
    %ne3A_12 = arith.xori %lt3A_9, %lt3A_11 : i1
    %and3A = arith.andi %ne3A_12, %ne3A_7 : i1
    %add3A_13 = arith.addi %rem3A, %select_n3A : i32
    %select_n3A_14 = arith.select %and3A, %add3A_13, %rem3A : i32
    %eq3A_15 = arith.constant 0 : i32
    %eq3A_16 = arith.cmpi eq, %select_n3A_14, %eq3A_15 : i32
    %and3A_17 = arith.andi %lt3A_3, %eq3A_16 : i1
    %convert_element_type3A_18 = arith.extui %and3A_17 : i1 to i32
    %cond3A_19 = arith.constant 0 : i32
    %cond3A_20 = arith.cmpi ne, %convert_element_type3A_18, %cond3A_19 : i32
    scf.if %cond3A_20 {
      %mul3A_427 = arith.constant 512 : i32
      %mul3A_428 = arith.muli %add3A_2, %mul3A_427 : i32
      %dma_start3A = arith.constant 0 : i32
      %dma_start3A_429 = arith.constant 0 : i32
      %dma_start3A_430 = arith.constant 0 : i32
      %dma_start3A_431 = arith.constant 0 : i32
      %dma_start3A_432 = tpu.memref_slice %arg13[%dma_start3A_429, %dma_start3A_430, %dma_start3A_431] : memref<2x512x1536xf32, #tpu.memory_space<vmem>> -> memref<1x512x1536xf32, #tpu.memory_space<vmem>>
      %dma_start3A_433 = tpu.memref_squeeze %dma_start3A_432 : memref<1x512x1536xf32, #tpu.memory_space<vmem>> -> memref<512x1536xf32, #tpu.memory_space<vmem>>
      %dma_start3A_434 = arith.constant 0 : i32
      %dma_start3A_435 = tpu.memref_slice %arg1[%mul3A_428, %dma_start3A, %dma_start3A_434] : memref<16384x1x1536xf32, #tpu.memory_space<any>> -> memref<512x1x1536xf32, #tpu.memory_space<any>>
      %dma_start3A_436 = tpu.memref_squeeze %dma_start3A_435 : memref<512x1x1536xf32, #tpu.memory_space<any>> -> memref<512x1536xf32, #tpu.memory_space<any>>
      tpu.enqueue_dma source(%dma_start3A_436 : memref<512x1536xf32, #tpu.memory_space<any>>) target(%dma_start3A_433 : memref<512x1536xf32, #tpu.memory_space<vmem>>) target_semaphore(%arg15 : memref<!tpu.dma_semaphore, #tpu.memory_space<semaphore_mem>>)
      %mul3A_437 = arith.constant 512 : i32
      %mul3A_438 = arith.muli %add3A_2, %mul3A_437 : i32
      %dma_start3A_439 = arith.constant 0 : i32
      %dma_start3A_440 = arith.constant 0 : i32
      %dma_start3A_441 = arith.constant 0 : i32
      %dma_start3A_442 = arith.constant 0 : i32
      %dma_start3A_443 = tpu.memref_slice %arg14[%dma_start3A_440, %dma_start3A_441, %dma_start3A_442] : memref<2x512x1536xf32, #tpu.memory_space<vmem>> -> memref<1x512x1536xf32, #tpu.memory_space<vmem>>
      %dma_start3A_444 = tpu.memref_squeeze %dma_start3A_443 : memref<1x512x1536xf32, #tpu.memory_space<vmem>> -> memref<512x1536xf32, #tpu.memory_space<vmem>>
      %dma_start3A_445 = arith.constant 0 : i32
      %dma_start3A_446 = tpu.memref_slice %arg2[%mul3A_438, %dma_start3A_439, %dma_start3A_445] : memref<16384x1x1536xf32, #tpu.memory_space<any>> -> memref<512x1x1536xf32, #tpu.memory_space<any>>
      %dma_start3A_447 = tpu.memref_squeeze %dma_start3A_446 : memref<512x1x1536xf32, #tpu.memory_space<any>> -> memref<512x1536xf32, #tpu.memory_space<any>>
      tpu.enqueue_dma source(%dma_start3A_447 : memref<512x1536xf32, #tpu.memory_space<any>>) target(%dma_start3A_444 : memref<512x1536xf32, #tpu.memory_space<vmem>>) target_semaphore(%arg17 : memref<!tpu.dma_semaphore, #tpu.memory_space<semaphore_mem>>)
    } else {
    }
    %lt3A_21 = arith.constant 32 : i32
    %lt3A_22 = arith.cmpi slt, %add3A_2, %lt3A_21 : i32
    %jit3A_23 = arith.constant 2 : i32
    %eq3A_24 = arith.constant 0 : i32
    %eq3A_25 = arith.cmpi eq, %jit3A_23, %eq3A_24 : i32
    %jit3A_26 = arith.constant 1 : i32
    %select_n3A_27 = arith.select %eq3A_25, %jit3A_26, %jit3A_23 : i32
    %rem3A_28 = arith.remsi %add3A_2, %select_n3A_27 : i32
    %ne3A_29 = arith.constant 0 : i32
    %ne3A_30 = arith.cmpi ne, %rem3A_28, %ne3A_29 : i32
    %lt3A_31 = arith.constant 0 : i32
    %lt3A_32 = arith.cmpi slt, %rem3A_28, %lt3A_31 : i32
    %lt3A_33 = arith.constant 0 : i32
    %lt3A_34 = arith.cmpi slt, %select_n3A_27, %lt3A_33 : i32
    %ne3A_35 = arith.xori %lt3A_32, %lt3A_34 : i1
    %and3A_36 = arith.andi %ne3A_35, %ne3A_30 : i1
    %add3A_37 = arith.addi %rem3A_28, %select_n3A_27 : i32
    %select_n3A_38 = arith.select %and3A_36, %add3A_37, %rem3A_28 : i32
    %eq3A_39 = arith.constant 1 : i32
    %eq3A_40 = arith.cmpi eq, %select_n3A_38, %eq3A_39 : i32
    %and3A_41 = arith.andi %lt3A_22, %eq3A_40 : i1
    %convert_element_type3A_42 = arith.extui %and3A_41 : i1 to i32
    %cond3A_43 = arith.constant 0 : i32
    %cond3A_44 = arith.cmpi ne, %convert_element_type3A_42, %cond3A_43 : i32
    scf.if %cond3A_44 {
      %mul3A_427 = arith.constant 512 : i32
      %mul3A_428 = arith.muli %add3A_2, %mul3A_427 : i32
      %dma_start3A = arith.constant 0 : i32
      %dma_start3A_429 = arith.constant 1 : i32
      %dma_start3A_430 = arith.constant 0 : i32
      %dma_start3A_431 = arith.constant 0 : i32
      %dma_start3A_432 = tpu.memref_slice %arg13[%dma_start3A_429, %dma_start3A_430, %dma_start3A_431] : memref<2x512x1536xf32, #tpu.memory_space<vmem>> -> memref<1x512x1536xf32, #tpu.memory_space<vmem>>
      %dma_start3A_433 = tpu.memref_squeeze %dma_start3A_432 : memref<1x512x1536xf32, #tpu.memory_space<vmem>> -> memref<512x1536xf32, #tpu.memory_space<vmem>>
      %dma_start3A_434 = arith.constant 0 : i32
      %dma_start3A_435 = tpu.memref_slice %arg1[%mul3A_428, %dma_start3A, %dma_start3A_434] : memref<16384x1x1536xf32, #tpu.memory_space<any>> -> memref<512x1x1536xf32, #tpu.memory_space<any>>
      %dma_start3A_436 = tpu.memref_squeeze %dma_start3A_435 : memref<512x1x1536xf32, #tpu.memory_space<any>> -> memref<512x1536xf32, #tpu.memory_space<any>>
      tpu.enqueue_dma source(%dma_start3A_436 : memref<512x1536xf32, #tpu.memory_space<any>>) target(%dma_start3A_433 : memref<512x1536xf32, #tpu.memory_space<vmem>>) target_semaphore(%arg16 : memref<!tpu.dma_semaphore, #tpu.memory_space<semaphore_mem>>)
      %mul3A_437 = arith.constant 512 : i32
      %mul3A_438 = arith.muli %add3A_2, %mul3A_437 : i32
      %dma_start3A_439 = arith.constant 0 : i32
      %dma_start3A_440 = arith.constant 1 : i32
      %dma_start3A_441 = arith.constant 0 : i32
      %dma_start3A_442 = arith.constant 0 : i32
      %dma_start3A_443 = tpu.memref_slice %arg14[%dma_start3A_440, %dma_start3A_441, %dma_start3A_442] : memref<2x512x1536xf32, #tpu.memory_space<vmem>> -> memref<1x512x1536xf32, #tpu.memory_space<vmem>>
      %dma_start3A_444 = tpu.memref_squeeze %dma_start3A_443 : memref<1x512x1536xf32, #tpu.memory_space<vmem>> -> memref<512x1536xf32, #tpu.memory_space<vmem>>
      %dma_start3A_445 = arith.constant 0 : i32
      %dma_start3A_446 = tpu.memref_slice %arg2[%mul3A_438, %dma_start3A_439, %dma_start3A_445] : memref<16384x1x1536xf32, #tpu.memory_space<any>> -> memref<512x1x1536xf32, #tpu.memory_space<any>>
      %dma_start3A_447 = tpu.memref_squeeze %dma_start3A_446 : memref<512x1x1536xf32, #tpu.memory_space<any>> -> memref<512x1536xf32, #tpu.memory_space<any>>
      tpu.enqueue_dma source(%dma_start3A_447 : memref<512x1536xf32, #tpu.memory_space<any>>) target(%dma_start3A_444 : memref<512x1536xf32, #tpu.memory_space<vmem>>) target_semaphore(%arg18 : memref<!tpu.dma_semaphore, #tpu.memory_space<semaphore_mem>>)
    } else {
    }
    %get3A = arith.constant 0 : index
    %get3A_45 = arith.constant 0 : index
    %get3A_46 = vector.load %arg4[%get3A, %get3A_45] : memref<512x4xf32, #tpu.memory_space<vmem>>, vector<512x1xf32>
    %get3A_47 = arith.constant 0 : index
    %get3A_48 = arith.constant 0 : index
    %get3A_49 = vector.load %arg6[%get3A_47, %get3A_48] : memref<8x64xf32, #tpu.memory_space<vmem>>, vector<1x64xf32>
    %mul3A = vector.broadcast %get3A_46 : vector<512x1xf32> to vector<512x64xf32>
    %mul3A_50 = vector.broadcast %get3A_49 : vector<1x64xf32> to vector<512x64xf32>
    %mul3A_51 = arith.mulf %mul3A, %mul3A_50 : vector<512x64xf32>
    %get3A_52 = arith.constant 0 : index
    %get3A_53 = arith.constant 0 : index
    %get3A_54 = vector.load %arg7[%get3A_52, %get3A_53] : memref<8x64xf32, #tpu.memory_space<vmem>>, vector<1x64xf32>
    %add3A_55 = vector.broadcast %get3A_54 : vector<1x64xf32> to vector<512x64xf32>
    %add3A_56 = arith.addf %mul3A_51, %add3A_55 : vector<512x64xf32>
    %logistic3A = arith.negf %add3A_56 : vector<512x64xf32>
    %logistic3A_57 = math.exp %logistic3A : vector<512x64xf32>
    %logistic3A_58 = arith.constant 1.000000e+00 : f32
    %logistic3A_59 = vector.broadcast %logistic3A_58 : f32 to vector<512x64xf32>
    %logistic3A_60 = arith.addf %logistic3A_59, %logistic3A_57 : vector<512x64xf32>
    %logistic3A_61 = arith.divf %logistic3A_59, %logistic3A_60 : vector<512x64xf32>
    %mul3A_62 = arith.mulf %add3A_56, %logistic3A_61 : vector<512x64xf32>
    %get3A_63 = arith.constant 0 : index
    %get3A_64 = arith.constant 0 : index
    %get3A_65 = vector.load %arg8[%get3A_63, %get3A_64] : memref<8x64xf32, #tpu.memory_space<vmem>>, vector<1x64xf32>
    %add3A_66 = vector.broadcast %get3A_65 : vector<1x64xf32> to vector<512x64xf32>
    %add3A_67 = arith.addf %mul3A_62, %add3A_66 : vector<512x64xf32>
    %swap3A = arith.constant 0 : index
    %swap3A_68 = arith.constant 0 : index
    %swap3A_69 = arith.constant 0 : index
    %swap3A_70 = vector.load %arg12[%swap3A, %swap3A_68, %swap3A_69] : memref<18x512x64xf32, #tpu.memory_space<vmem>>, vector<1x512x64xf32>
    %swap3A_71 = vector.shape_cast %swap3A_70 : vector<1x512x64xf32> to vector<512x64xf32>
    %swap3A_72 = vector.shape_cast %add3A_67 : vector<512x64xf32> to vector<1x512x64xf32>
    tpu.vector_store %arg12[%swap3A, %swap3A_68, %swap3A_69], %swap3A_72 {strides = array<i32>} : memref<18x512x64xf32, #tpu.memory_space<vmem>>, vector<1x512x64xf32>,
    %get3A_73 = arith.constant 0 : index
    %get3A_74 = arith.constant 0 : index
    %get3A_75 = vector.load %arg5[%get3A_73, %get3A_74] : memref<512x4xf32, #tpu.memory_space<vmem>>, vector<512x1xf32>
    %get3A_76 = arith.constant 4 : index
    %get3A_77 = arith.constant 0 : index
    %get3A_78 = vector.load %arg6[%get3A_76, %get3A_77] : memref<8x64xf32, #tpu.memory_space<vmem>>, vector<1x64xf32>
    %mul3A_79 = vector.broadcast %get3A_75 : vector<512x1xf32> to vector<512x64xf32>
    %mul3A_80 = vector.broadcast %get3A_78 : vector<1x64xf32> to vector<512x64xf32>
    %mul3A_81 = arith.mulf %mul3A_79, %mul3A_80 : vector<512x64xf32>
    %get3A_82 = arith.constant 4 : index
    %get3A_83 = arith.constant 0 : index
    %get3A_84 = vector.load %arg7[%get3A_82, %get3A_83] : memref<8x64xf32, #tpu.memory_space<vmem>>, vector<1x64xf32>
    %add3A_85 = vector.broadcast %get3A_84 : vector<1x64xf32> to vector<512x64xf32>
    %add3A_86 = arith.addf %mul3A_81, %add3A_85 : vector<512x64xf32>
    %logistic3A_87 = arith.negf %add3A_86 : vector<512x64xf32>
    %logistic3A_88 = math.exp %logistic3A_87 : vector<512x64xf32>
    %logistic3A_89 = arith.constant 1.000000e+00 : f32
    %logistic3A_90 = vector.broadcast %logistic3A_89 : f32 to vector<512x64xf32>
    %logistic3A_91 = arith.addf %logistic3A_90, %logistic3A_88 : vector<512x64xf32>
    %logistic3A_92 = arith.divf %logistic3A_90, %logistic3A_91 : vector<512x64xf32>
    %mul3A_93 = arith.mulf %add3A_86, %logistic3A_92 : vector<512x64xf32>
    %get3A_94 = arith.constant 4 : index
    %get3A_95 = arith.constant 0 : index
    %get3A_96 = vector.load %arg8[%get3A_94, %get3A_95] : memref<8x64xf32, #tpu.memory_space<vmem>>, vector<1x64xf32>
    %add3A_97 = vector.broadcast %get3A_96 : vector<1x64xf32> to vector<512x64xf32>
    %add3A_98 = arith.addf %mul3A_93, %add3A_97 : vector<512x64xf32>
    %swap3A_99 = arith.constant 9 : index
    %swap3A_100 = arith.constant 0 : index
    %swap3A_101 = arith.constant 0 : index
    %swap3A_102 = vector.load %arg12[%swap3A_99, %swap3A_100, %swap3A_101] : memref<18x512x64xf32, #tpu.memory_space<vmem>>, vector<1x512x64xf32>
    %swap3A_103 = vector.shape_cast %swap3A_102 : vector<1x512x64xf32> to vector<512x64xf32>
    %swap3A_104 = vector.shape_cast %add3A_98 : vector<512x64xf32> to vector<1x512x64xf32>
    tpu.vector_store %arg12[%swap3A_99, %swap3A_100, %swap3A_101], %swap3A_104 {strides = array<i32>} : memref<18x512x64xf32, #tpu.memory_space<vmem>>, vector<1x512x64xf32>,
    %get3A_105 = arith.constant 0 : index
    %get3A_106 = arith.constant 1 : index
    %get3A_107 = vector.load %arg4[%get3A_105, %get3A_106] : memref<512x4xf32, #tpu.memory_space<vmem>>, vector<512x1xf32>
    %get3A_108 = arith.constant 1 : index
    %get3A_109 = arith.constant 0 : index
    %get3A_110 = vector.load %arg6[%get3A_108, %get3A_109] : memref<8x64xf32, #tpu.memory_space<vmem>>, vector<1x64xf32>
    %mul3A_111 = vector.broadcast %get3A_107 : vector<512x1xf32> to vector<512x64xf32>
    %mul3A_112 = vector.broadcast %get3A_110 : vector<1x64xf32> to vector<512x64xf32>
    %mul3A_113 = arith.mulf %mul3A_111, %mul3A_112 : vector<512x64xf32>
    %get3A_114 = arith.constant 1 : index
    %get3A_115 = arith.constant 0 : index
    %get3A_116 = vector.load %arg7[%get3A_114, %get3A_115] : memref<8x64xf32, #tpu.memory_space<vmem>>, vector<1x64xf32>
    %add3A_117 = vector.broadcast %get3A_116 : vector<1x64xf32> to vector<512x64xf32>
    %add3A_118 = arith.addf %mul3A_113, %add3A_117 : vector<512x64xf32>
    %logistic3A_119 = arith.negf %add3A_118 : vector<512x64xf32>
    %logistic3A_120 = math.exp %logistic3A_119 : vector<512x64xf32>
    %logistic3A_121 = arith.constant 1.000000e+00 : f32
    %logistic3A_122 = vector.broadcast %logistic3A_121 : f32 to vector<512x64xf32>
    %logistic3A_123 = arith.addf %logistic3A_122, %logistic3A_120 : vector<512x64xf32>
    %logistic3A_124 = arith.divf %logistic3A_122, %logistic3A_123 : vector<512x64xf32>
    %mul3A_125 = arith.mulf %add3A_118, %logistic3A_124 : vector<512x64xf32>
    %get3A_126 = arith.constant 1 : index
    %get3A_127 = arith.constant 0 : index
    %get3A_128 = vector.load %arg8[%get3A_126, %get3A_127] : memref<8x64xf32, #tpu.memory_space<vmem>>, vector<1x64xf32>
    %add3A_129 = vector.broadcast %get3A_128 : vector<1x64xf32> to vector<512x64xf32>
    %add3A_130 = arith.addf %mul3A_125, %add3A_129 : vector<512x64xf32>
    %swap3A_131 = arith.constant 1 : index
    %swap3A_132 = arith.constant 0 : index
    %swap3A_133 = arith.constant 0 : index
    %swap3A_134 = vector.load %arg12[%swap3A_131, %swap3A_132, %swap3A_133] : memref<18x512x64xf32, #tpu.memory_space<vmem>>, vector<1x512x64xf32>
    %swap3A_135 = vector.shape_cast %swap3A_134 : vector<1x512x64xf32> to vector<512x64xf32>
    %swap3A_136 = vector.shape_cast %add3A_130 : vector<512x64xf32> to vector<1x512x64xf32>
    tpu.vector_store %arg12[%swap3A_131, %swap3A_132, %swap3A_133], %swap3A_136 {strides = array<i32>} : memref<18x512x64xf32, #tpu.memory_space<vmem>>, vector<1x512x64xf32>,
    %get3A_137 = arith.constant 0 : index
    %get3A_138 = arith.constant 1 : index
    %get3A_139 = vector.load %arg5[%get3A_137, %get3A_138] : memref<512x4xf32, #tpu.memory_space<vmem>>, vector<512x1xf32>
    %get3A_140 = arith.constant 5 : index
    %get3A_141 = arith.constant 0 : index
    %get3A_142 = vector.load %arg6[%get3A_140, %get3A_141] : memref<8x64xf32, #tpu.memory_space<vmem>>, vector<1x64xf32>
    %mul3A_143 = vector.broadcast %get3A_139 : vector<512x1xf32> to vector<512x64xf32>
    %mul3A_144 = vector.broadcast %get3A_142 : vector<1x64xf32> to vector<512x64xf32>
    %mul3A_145 = arith.mulf %mul3A_143, %mul3A_144 : vector<512x64xf32>
    %get3A_146 = arith.constant 5 : index
    %get3A_147 = arith.constant 0 : index
    %get3A_148 = vector.load %arg7[%get3A_146, %get3A_147] : memref<8x64xf32, #tpu.memory_space<vmem>>, vector<1x64xf32>
    %add3A_149 = vector.broadcast %get3A_148 : vector<1x64xf32> to vector<512x64xf32>
    %add3A_150 = arith.addf %mul3A_145, %add3A_149 : vector<512x64xf32>
    %logistic3A_151 = arith.negf %add3A_150 : vector<512x64xf32>
    %logistic3A_152 = math.exp %logistic3A_151 : vector<512x64xf32>
    %logistic3A_153 = arith.constant 1.000000e+00 : f32
    %logistic3A_154 = vector.broadcast %logistic3A_153 : f32 to vector<512x64xf32>
    %logistic3A_155 = arith.addf %logistic3A_154, %logistic3A_152 : vector<512x64xf32>
    %logistic3A_156 = arith.divf %logistic3A_154, %logistic3A_155 : vector<512x64xf32>
    %mul3A_157 = arith.mulf %add3A_150, %logistic3A_156 : vector<512x64xf32>
    %get3A_158 = arith.constant 5 : index
    %get3A_159 = arith.constant 0 : index
    %get3A_160 = vector.load %arg8[%get3A_158, %get3A_159] : memref<8x64xf32, #tpu.memory_space<vmem>>, vector<1x64xf32>
    %add3A_161 = vector.broadcast %get3A_160 : vector<1x64xf32> to vector<512x64xf32>
    %add3A_162 = arith.addf %mul3A_157, %add3A_161 : vector<512x64xf32>
    %swap3A_163 = arith.constant 10 : index
    %swap3A_164 = arith.constant 0 : index
    %swap3A_165 = arith.constant 0 : index
    %swap3A_166 = vector.load %arg12[%swap3A_163, %swap3A_164, %swap3A_165] : memref<18x512x64xf32, #tpu.memory_space<vmem>>, vector<1x512x64xf32>
    %swap3A_167 = vector.shape_cast %swap3A_166 : vector<1x512x64xf32> to vector<512x64xf32>
    %swap3A_168 = vector.shape_cast %add3A_162 : vector<512x64xf32> to vector<1x512x64xf32>
    tpu.vector_store %arg12[%swap3A_163, %swap3A_164, %swap3A_165], %swap3A_168 {strides = array<i32>} : memref<18x512x64xf32, #tpu.memory_space<vmem>>, vector<1x512x64xf32>,
    %get3A_169 = arith.constant 0 : index
    %get3A_170 = arith.constant 2 : index
    %get3A_171 = vector.load %arg4[%get3A_169, %get3A_170] : memref<512x4xf32, #tpu.memory_space<vmem>>, vector<512x1xf32>
    %get3A_172 = arith.constant 2 : index
    %get3A_173 = arith.constant 0 : index
    %get3A_174 = vector.load %arg6[%get3A_172, %get3A_173] : memref<8x64xf32, #tpu.memory_space<vmem>>, vector<1x64xf32>
    %mul3A_175 = vector.broadcast %get3A_171 : vector<512x1xf32> to vector<512x64xf32>
    %mul3A_176 = vector.broadcast %get3A_174 : vector<1x64xf32> to vector<512x64xf32>
    %mul3A_177 = arith.mulf %mul3A_175, %mul3A_176 : vector<512x64xf32>
    %get3A_178 = arith.constant 2 : index
    %get3A_179 = arith.constant 0 : index
    %get3A_180 = vector.load %arg7[%get3A_178, %get3A_179] : memref<8x64xf32, #tpu.memory_space<vmem>>, vector<1x64xf32>
    %add3A_181 = vector.broadcast %get3A_180 : vector<1x64xf32> to vector<512x64xf32>
    %add3A_182 = arith.addf %mul3A_177, %add3A_181 : vector<512x64xf32>
    %logistic3A_183 = arith.negf %add3A_182 : vector<512x64xf32>
    %logistic3A_184 = math.exp %logistic3A_183 : vector<512x64xf32>
    %logistic3A_185 = arith.constant 1.000000e+00 : f32
    %logistic3A_186 = vector.broadcast %logistic3A_185 : f32 to vector<512x64xf32>
    %logistic3A_187 = arith.addf %logistic3A_186, %logistic3A_184 : vector<512x64xf32>
    %logistic3A_188 = arith.divf %logistic3A_186, %logistic3A_187 : vector<512x64xf32>
    %mul3A_189 = arith.mulf %add3A_182, %logistic3A_188 : vector<512x64xf32>
    %get3A_190 = arith.constant 2 : index
    %get3A_191 = arith.constant 0 : index
    %get3A_192 = vector.load %arg8[%get3A_190, %get3A_191] : memref<8x64xf32, #tpu.memory_space<vmem>>, vector<1x64xf32>
    %add3A_193 = vector.broadcast %get3A_192 : vector<1x64xf32> to vector<512x64xf32>
    %add3A_194 = arith.addf %mul3A_189, %add3A_193 : vector<512x64xf32>
    %swap3A_195 = arith.constant 2 : index
    %swap3A_196 = arith.constant 0 : index
    %swap3A_197 = arith.constant 0 : index
    %swap3A_198 = vector.load %arg12[%swap3A_195, %swap3A_196, %swap3A_197] : memref<18x512x64xf32, #tpu.memory_space<vmem>>, vector<1x512x64xf32>
    %swap3A_199 = vector.shape_cast %swap3A_198 : vector<1x512x64xf32> to vector<512x64xf32>
    %swap3A_200 = vector.shape_cast %add3A_194 : vector<512x64xf32> to vector<1x512x64xf32>
    tpu.vector_store %arg12[%swap3A_195, %swap3A_196, %swap3A_197], %swap3A_200 {strides = array<i32>} : memref<18x512x64xf32, #tpu.memory_space<vmem>>, vector<1x512x64xf32>,
    %get3A_201 = arith.constant 0 : index
    %get3A_202 = arith.constant 2 : index
    %get3A_203 = vector.load %arg5[%get3A_201, %get3A_202] : memref<512x4xf32, #tpu.memory_space<vmem>>, vector<512x1xf32>
    %get3A_204 = arith.constant 6 : index
    %get3A_205 = arith.constant 0 : index
    %get3A_206 = vector.load %arg6[%get3A_204, %get3A_205] : memref<8x64xf32, #tpu.memory_space<vmem>>, vector<1x64xf32>
    %mul3A_207 = vector.broadcast %get3A_203 : vector<512x1xf32> to vector<512x64xf32>
    %mul3A_208 = vector.broadcast %get3A_206 : vector<1x64xf32> to vector<512x64xf32>
    %mul3A_209 = arith.mulf %mul3A_207, %mul3A_208 : vector<512x64xf32>
    %get3A_210 = arith.constant 6 : index
    %get3A_211 = arith.constant 0 : index
    %get3A_212 = vector.load %arg7[%get3A_210, %get3A_211] : memref<8x64xf32, #tpu.memory_space<vmem>>, vector<1x64xf32>
    %add3A_213 = vector.broadcast %get3A_212 : vector<1x64xf32> to vector<512x64xf32>
    %add3A_214 = arith.addf %mul3A_209, %add3A_213 : vector<512x64xf32>
    %logistic3A_215 = arith.negf %add3A_214 : vector<512x64xf32>
    %logistic3A_216 = math.exp %logistic3A_215 : vector<512x64xf32>
    %logistic3A_217 = arith.constant 1.000000e+00 : f32
    %logistic3A_218 = vector.broadcast %logistic3A_217 : f32 to vector<512x64xf32>
    %logistic3A_219 = arith.addf %logistic3A_218, %logistic3A_216 : vector<512x64xf32>
    %logistic3A_220 = arith.divf %logistic3A_218, %logistic3A_219 : vector<512x64xf32>
    %mul3A_221 = arith.mulf %add3A_214, %logistic3A_220 : vector<512x64xf32>
    %get3A_222 = arith.constant 6 : index
    %get3A_223 = arith.constant 0 : index
    %get3A_224 = vector.load %arg8[%get3A_222, %get3A_223] : memref<8x64xf32, #tpu.memory_space<vmem>>, vector<1x64xf32>
    %add3A_225 = vector.broadcast %get3A_224 : vector<1x64xf32> to vector<512x64xf32>
    %add3A_226 = arith.addf %mul3A_221, %add3A_225 : vector<512x64xf32>
    %swap3A_227 = arith.constant 11 : index
    %swap3A_228 = arith.constant 0 : index
    %swap3A_229 = arith.constant 0 : index
    %swap3A_230 = vector.load %arg12[%swap3A_227, %swap3A_228, %swap3A_229] : memref<18x512x64xf32, #tpu.memory_space<vmem>>, vector<1x512x64xf32>
    %swap3A_231 = vector.shape_cast %swap3A_230 : vector<1x512x64xf32> to vector<512x64xf32>
    %swap3A_232 = vector.shape_cast %add3A_226 : vector<512x64xf32> to vector<1x512x64xf32>
    tpu.vector_store %arg12[%swap3A_227, %swap3A_228, %swap3A_229], %swap3A_232 {strides = array<i32>} : memref<18x512x64xf32, #tpu.memory_space<vmem>>, vector<1x512x64xf32>,
    %get3A_233 = arith.constant 0 : index
    %get3A_234 = arith.constant 3 : index
    %get3A_235 = vector.load %arg4[%get3A_233, %get3A_234] : memref<512x4xf32, #tpu.memory_space<vmem>>, vector<512x1xf32>
    %get3A_236 = arith.constant 3 : index
    %get3A_237 = arith.constant 0 : index
    %get3A_238 = vector.load %arg6[%get3A_236, %get3A_237] : memref<8x64xf32, #tpu.memory_space<vmem>>, vector<1x64xf32>
    %mul3A_239 = vector.broadcast %get3A_235 : vector<512x1xf32> to vector<512x64xf32>
    %mul3A_240 = vector.broadcast %get3A_238 : vector<1x64xf32> to vector<512x64xf32>
    %mul3A_241 = arith.mulf %mul3A_239, %mul3A_240 : vector<512x64xf32>
    %get3A_242 = arith.constant 3 : index
    %get3A_243 = arith.constant 0 : index
    %get3A_244 = vector.load %arg7[%get3A_242, %get3A_243] : memref<8x64xf32, #tpu.memory_space<vmem>>, vector<1x64xf32>
    %add3A_245 = vector.broadcast %get3A_244 : vector<1x64xf32> to vector<512x64xf32>
    %add3A_246 = arith.addf %mul3A_241, %add3A_245 : vector<512x64xf32>
    %logistic3A_247 = arith.negf %add3A_246 : vector<512x64xf32>
    %logistic3A_248 = math.exp %logistic3A_247 : vector<512x64xf32>
    %logistic3A_249 = arith.constant 1.000000e+00 : f32
    %logistic3A_250 = vector.broadcast %logistic3A_249 : f32 to vector<512x64xf32>
    %logistic3A_251 = arith.addf %logistic3A_250, %logistic3A_248 : vector<512x64xf32>
    %logistic3A_252 = arith.divf %logistic3A_250, %logistic3A_251 : vector<512x64xf32>
    %mul3A_253 = arith.mulf %add3A_246, %logistic3A_252 : vector<512x64xf32>
    %get3A_254 = arith.constant 3 : index
    %get3A_255 = arith.constant 0 : index
    %get3A_256 = vector.load %arg8[%get3A_254, %get3A_255] : memref<8x64xf32, #tpu.memory_space<vmem>>, vector<1x64xf32>
    %add3A_257 = vector.broadcast %get3A_256 : vector<1x64xf32> to vector<512x64xf32>
    %add3A_258 = arith.addf %mul3A_253, %add3A_257 : vector<512x64xf32>
    %swap3A_259 = arith.constant 3 : index
    %swap3A_260 = arith.constant 0 : index
    %swap3A_261 = arith.constant 0 : index
    %swap3A_262 = vector.load %arg12[%swap3A_259, %swap3A_260, %swap3A_261] : memref<18x512x64xf32, #tpu.memory_space<vmem>>, vector<1x512x64xf32>
    %swap3A_263 = vector.shape_cast %swap3A_262 : vector<1x512x64xf32> to vector<512x64xf32>
    %swap3A_264 = vector.shape_cast %add3A_258 : vector<512x64xf32> to vector<1x512x64xf32>
    tpu.vector_store %arg12[%swap3A_259, %swap3A_260, %swap3A_261], %swap3A_264 {strides = array<i32>} : memref<18x512x64xf32, #tpu.memory_space<vmem>>, vector<1x512x64xf32>,
    %get3A_265 = arith.constant 0 : index
    %get3A_266 = arith.constant 3 : index
    %get3A_267 = vector.load %arg5[%get3A_265, %get3A_266] : memref<512x4xf32, #tpu.memory_space<vmem>>, vector<512x1xf32>
    %get3A_268 = arith.constant 7 : index
    %get3A_269 = arith.constant 0 : index
    %get3A_270 = vector.load %arg6[%get3A_268, %get3A_269] : memref<8x64xf32, #tpu.memory_space<vmem>>, vector<1x64xf32>
    %mul3A_271 = vector.broadcast %get3A_267 : vector<512x1xf32> to vector<512x64xf32>
    %mul3A_272 = vector.broadcast %get3A_270 : vector<1x64xf32> to vector<512x64xf32>
    %mul3A_273 = arith.mulf %mul3A_271, %mul3A_272 : vector<512x64xf32>
    %get3A_274 = arith.constant 7 : index
    %get3A_275 = arith.constant 0 : index
    %get3A_276 = vector.load %arg7[%get3A_274, %get3A_275] : memref<8x64xf32, #tpu.memory_space<vmem>>, vector<1x64xf32>
    %add3A_277 = vector.broadcast %get3A_276 : vector<1x64xf32> to vector<512x64xf32>
    %add3A_278 = arith.addf %mul3A_273, %add3A_277 : vector<512x64xf32>
    %logistic3A_279 = arith.negf %add3A_278 : vector<512x64xf32>
    %logistic3A_280 = math.exp %logistic3A_279 : vector<512x64xf32>
    %logistic3A_281 = arith.constant 1.000000e+00 : f32
    %logistic3A_282 = vector.broadcast %logistic3A_281 : f32 to vector<512x64xf32>
    %logistic3A_283 = arith.addf %logistic3A_282, %logistic3A_280 : vector<512x64xf32>
    %logistic3A_284 = arith.divf %logistic3A_282, %logistic3A_283 : vector<512x64xf32>
    %mul3A_285 = arith.mulf %add3A_278, %logistic3A_284 : vector<512x64xf32>
    %get3A_286 = arith.constant 7 : index
    %get3A_287 = arith.constant 0 : index
    %get3A_288 = vector.load %arg8[%get3A_286, %get3A_287] : memref<8x64xf32, #tpu.memory_space<vmem>>, vector<1x64xf32>
    %add3A_289 = vector.broadcast %get3A_288 : vector<1x64xf32> to vector<512x64xf32>
    %add3A_290 = arith.addf %mul3A_285, %add3A_289 : vector<512x64xf32>
    %swap3A_291 = arith.constant 12 : index
    %swap3A_292 = arith.constant 0 : index
    %swap3A_293 = arith.constant 0 : index
    %swap3A_294 = vector.load %arg12[%swap3A_291, %swap3A_292, %swap3A_293] : memref<18x512x64xf32, #tpu.memory_space<vmem>>, vector<1x512x64xf32>
    %swap3A_295 = vector.shape_cast %swap3A_294 : vector<1x512x64xf32> to vector<512x64xf32>
    %swap3A_296 = vector.shape_cast %add3A_290 : vector<512x64xf32> to vector<1x512x64xf32>
    tpu.vector_store %arg12[%swap3A_291, %swap3A_292, %swap3A_293], %swap3A_296 {strides = array<i32>} : memref<18x512x64xf32, #tpu.memory_space<vmem>>, vector<1x512x64xf32>,
    %get3A_297 = arith.constant 0 : index
    %get3A_298 = arith.constant 0 : index
    %get3A_299 = arith.constant 0 : index
    %get3A_300 = vector.load %arg3[%get3A_297, %get3A_298, %get3A_299] : memref<8x512x128xf32, #tpu.memory_space<vmem>>, vector<1x512x64xf32>
    %get3A_301 = vector.shape_cast %get3A_300 : vector<1x512x64xf32> to vector<512x64xf32>
    %swap3A_302 = arith.constant 4 : index
    %swap3A_303 = arith.constant 0 : index
    %swap3A_304 = arith.constant 0 : index
    %swap3A_305 = vector.load %arg12[%swap3A_302, %swap3A_303, %swap3A_304] : memref<18x512x64xf32, #tpu.memory_space<vmem>>, vector<1x512x64xf32>
    %swap3A_306 = vector.shape_cast %swap3A_305 : vector<1x512x64xf32> to vector<512x64xf32>
    %swap3A_307 = vector.shape_cast %get3A_301 : vector<512x64xf32> to vector<1x512x64xf32>
    tpu.vector_store %arg12[%swap3A_302, %swap3A_303, %swap3A_304], %swap3A_307 {strides = array<i32>} : memref<18x512x64xf32, #tpu.memory_space<vmem>>, vector<1x512x64xf32>,
    %get3A_308 = arith.constant 4 : index
    %get3A_309 = arith.constant 0 : index
    %get3A_310 = arith.constant 0 : index
    %get3A_311 = vector.load %arg3[%get3A_308, %get3A_309, %get3A_310] : memref<8x512x128xf32, #tpu.memory_space<vmem>>, vector<1x512x64xf32>
    %get3A_312 = vector.shape_cast %get3A_311 : vector<1x512x64xf32> to vector<512x64xf32>
    %swap3A_313 = arith.constant 13 : index
    %swap3A_314 = arith.constant 0 : index
    %swap3A_315 = arith.constant 0 : index
    %swap3A_316 = vector.load %arg12[%swap3A_313, %swap3A_314, %swap3A_315] : memref<18x512x64xf32, #tpu.memory_space<vmem>>, vector<1x512x64xf32>
    %swap3A_317 = vector.shape_cast %swap3A_316 : vector<1x512x64xf32> to vector<512x64xf32>
    %swap3A_318 = vector.shape_cast %get3A_312 : vector<512x64xf32> to vector<1x512x64xf32>
    tpu.vector_store %arg12[%swap3A_313, %swap3A_314, %swap3A_315], %swap3A_318 {strides = array<i32>} : memref<18x512x64xf32, #tpu.memory_space<vmem>>, vector<1x512x64xf32>,
    %get3A_319 = arith.constant 1 : index
    %get3A_320 = arith.constant 0 : index
    %get3A_321 = arith.constant 0 : index
    %get3A_322 = vector.load %arg3[%get3A_319, %get3A_320, %get3A_321] : memref<8x512x128xf32, #tpu.memory_space<vmem>>, vector<1x512x64xf32>
    %get3A_323 = vector.shape_cast %get3A_322 : vector<1x512x64xf32> to vector<512x64xf32>
    %swap3A_324 = arith.constant 5 : index
    %swap3A_325 = arith.constant 0 : index
    %swap3A_326 = arith.constant 0 : index
    %swap3A_327 = vector.load %arg12[%swap3A_324, %swap3A_325, %swap3A_326] : memref<18x512x64xf32, #tpu.memory_space<vmem>>, vector<1x512x64xf32>
    %swap3A_328 = vector.shape_cast %swap3A_327 : vector<1x512x64xf32> to vector<512x64xf32>
    %swap3A_329 = vector.shape_cast %get3A_323 : vector<512x64xf32> to vector<1x512x64xf32>
    tpu.vector_store %arg12[%swap3A_324, %swap3A_325, %swap3A_326], %swap3A_329 {strides = array<i32>} : memref<18x512x64xf32, #tpu.memory_space<vmem>>, vector<1x512x64xf32>,
    %get3A_330 = arith.constant 5 : index
    %get3A_331 = arith.constant 0 : index
    %get3A_332 = arith.constant 0 : index
    %get3A_333 = vector.load %arg3[%get3A_330, %get3A_331, %get3A_332] : memref<8x512x128xf32, #tpu.memory_space<vmem>>, vector<1x512x64xf32>
    %get3A_334 = vector.shape_cast %get3A_333 : vector<1x512x64xf32> to vector<512x64xf32>
    %swap3A_335 = arith.constant 14 : index
    %swap3A_336 = arith.constant 0 : index
    %swap3A_337 = arith.constant 0 : index
    %swap3A_338 = vector.load %arg12[%swap3A_335, %swap3A_336, %swap3A_337] : memref<18x512x64xf32, #tpu.memory_space<vmem>>, vector<1x512x64xf32>
    %swap3A_339 = vector.shape_cast %swap3A_338 : vector<1x512x64xf32> to vector<512x64xf32>
    %swap3A_340 = vector.shape_cast %get3A_334 : vector<512x64xf32> to vector<1x512x64xf32>
    tpu.vector_store %arg12[%swap3A_335, %swap3A_336, %swap3A_337], %swap3A_340 {strides = array<i32>} : memref<18x512x64xf32, #tpu.memory_space<vmem>>, vector<1x512x64xf32>,
    %get3A_341 = arith.constant 2 : index
    %get3A_342 = arith.constant 0 : index
    %get3A_343 = arith.constant 0 : index
    %get3A_344 = vector.load %arg3[%get3A_341, %get3A_342, %get3A_343] : memref<8x512x128xf32, #tpu.memory_space<vmem>>, vector<1x512x64xf32>
    %get3A_345 = vector.shape_cast %get3A_344 : vector<1x512x64xf32> to vector<512x64xf32>
    %swap3A_346 = arith.constant 6 : index
    %swap3A_347 = arith.constant 0 : index
    %swap3A_348 = arith.constant 0 : index
    %swap3A_349 = vector.load %arg12[%swap3A_346, %swap3A_347, %swap3A_348] : memref<18x512x64xf32, #tpu.memory_space<vmem>>, vector<1x512x64xf32>
    %swap3A_350 = vector.shape_cast %swap3A_349 : vector<1x512x64xf32> to vector<512x64xf32>
    %swap3A_351 = vector.shape_cast %get3A_345 : vector<512x64xf32> to vector<1x512x64xf32>
    tpu.vector_store %arg12[%swap3A_346, %swap3A_347, %swap3A_348], %swap3A_351 {strides = array<i32>} : memref<18x512x64xf32, #tpu.memory_space<vmem>>, vector<1x512x64xf32>,
    %get3A_352 = arith.constant 6 : index
    %get3A_353 = arith.constant 0 : index
    %get3A_354 = arith.constant 0 : index
    %get3A_355 = vector.load %arg3[%get3A_352, %get3A_353, %get3A_354] : memref<8x512x128xf32, #tpu.memory_space<vmem>>, vector<1x512x64xf32>
    %get3A_356 = vector.shape_cast %get3A_355 : vector<1x512x64xf32> to vector<512x64xf32>
    %swap3A_357 = arith.constant 15 : index
    %swap3A_358 = arith.constant 0 : index
    %swap3A_359 = arith.constant 0 : index
    %swap3A_360 = vector.load %arg12[%swap3A_357, %swap3A_358, %swap3A_359] : memref<18x512x64xf32, #tpu.memory_space<vmem>>, vector<1x512x64xf32>
    %swap3A_361 = vector.shape_cast %swap3A_360 : vector<1x512x64xf32> to vector<512x64xf32>
    %swap3A_362 = vector.shape_cast %get3A_356 : vector<512x64xf32> to vector<1x512x64xf32>
    tpu.vector_store %arg12[%swap3A_357, %swap3A_358, %swap3A_359], %swap3A_362 {strides = array<i32>} : memref<18x512x64xf32, #tpu.memory_space<vmem>>, vector<1x512x64xf32>,
    %get3A_363 = arith.constant 3 : index
    %get3A_364 = arith.constant 0 : index
    %get3A_365 = arith.constant 0 : index
    %get3A_366 = vector.load %arg3[%get3A_363, %get3A_364, %get3A_365] : memref<8x512x128xf32, #tpu.memory_space<vmem>>, vector<1x512x64xf32>
    %get3A_367 = vector.shape_cast %get3A_366 : vector<1x512x64xf32> to vector<512x64xf32>
    %swap3A_368 = arith.constant 7 : index
    %swap3A_369 = arith.constant 0 : index
    %swap3A_370 = arith.constant 0 : index
    %swap3A_371 = vector.load %arg12[%swap3A_368, %swap3A_369, %swap3A_370] : memref<18x512x64xf32, #tpu.memory_space<vmem>>, vector<1x512x64xf32>
    %swap3A_372 = vector.shape_cast %swap3A_371 : vector<1x512x64xf32> to vector<512x64xf32>
    %swap3A_373 = vector.shape_cast %get3A_367 : vector<512x64xf32> to vector<1x512x64xf32>
    tpu.vector_store %arg12[%swap3A_368, %swap3A_369, %swap3A_370], %swap3A_373 {strides = array<i32>} : memref<18x512x64xf32, #tpu.memory_space<vmem>>, vector<1x512x64xf32>,
    %get3A_374 = arith.constant 7 : index
    %get3A_375 = arith.constant 0 : index
    %get3A_376 = arith.constant 0 : index
    %get3A_377 = vector.load %arg3[%get3A_374, %get3A_375, %get3A_376] : memref<8x512x128xf32, #tpu.memory_space<vmem>>, vector<1x512x64xf32>
    %get3A_378 = vector.shape_cast %get3A_377 : vector<1x512x64xf32> to vector<512x64xf32>
    %swap3A_379 = arith.constant 16 : index
    %swap3A_380 = arith.constant 0 : index
    %swap3A_381 = arith.constant 0 : index
    %swap3A_382 = vector.load %arg12[%swap3A_379, %swap3A_380, %swap3A_381] : memref<18x512x64xf32, #tpu.memory_space<vmem>>, vector<1x512x64xf32>
    %swap3A_383 = vector.shape_cast %swap3A_382 : vector<1x512x64xf32> to vector<512x64xf32>
    %swap3A_384 = vector.shape_cast %get3A_378 : vector<512x64xf32> to vector<1x512x64xf32>
    tpu.vector_store %arg12[%swap3A_379, %swap3A_380, %swap3A_381], %swap3A_384 {strides = array<i32>} : memref<18x512x64xf32, #tpu.memory_space<vmem>>, vector<1x512x64xf32>,
    %jit3A_385 = arith.constant 2 : i32
    %eq3A_386 = arith.constant 0 : i32
    %eq3A_387 = arith.cmpi eq, %jit3A_385, %eq3A_386 : i32
    %jit3A_388 = arith.constant 1 : i32
    %select_n3A_389 = arith.select %eq3A_387, %jit3A_388, %jit3A_385 : i32
    %rem3A_390 = arith.remsi %arg0, %select_n3A_389 : i32
    %ne3A_391 = arith.constant 0 : i32
    %ne3A_392 = arith.cmpi ne, %rem3A_390, %ne3A_391 : i32
    %lt3A_393 = arith.constant 0 : i32
    %lt3A_394 = arith.cmpi slt, %rem3A_390, %lt3A_393 : i32
    %lt3A_395 = arith.constant 0 : i32
    %lt3A_396 = arith.cmpi slt, %select_n3A_389, %lt3A_395 : i32
    %ne3A_397 = arith.xori %lt3A_394, %lt3A_396 : i1
    %and3A_398 = arith.andi %ne3A_397, %ne3A_392 : i1
    %add3A_399 = arith.addi %rem3A_390, %select_n3A_389 : i32
    %select_n3A_400 = arith.select %and3A_398, %add3A_399, %rem3A_390 : i32
    %eq3A_401 = arith.constant 0 : i32
    %eq3A_402 = arith.cmpi eq, %select_n3A_400, %eq3A_401 : i32
    %convert_element_type3A_403 = arith.extui %eq3A_402 : i1 to i32
    %cond3A_404 = arith.constant 0 : i32
    %cond3A_405 = arith.cmpi ne, %convert_element_type3A_403, %cond3A_404 : i32
    scf.if %cond3A_405 {
      %mul3A_427 = arith.constant 512 : i32
      %mul3A_428 = arith.muli %arg0, %mul3A_427 : i32
      %dma_wait3A = arith.constant 0 : i32
      %dma_wait3A_429 = arith.constant 0 : i32
      %dma_wait3A_430 = arith.constant 0 : i32
      %dma_wait3A_431 = arith.constant 0 : i32
      %dma_wait3A_432 = tpu.memref_slice %arg13[%dma_wait3A_429, %dma_wait3A_430, %dma_wait3A_431] : memref<2x512x1536xf32, #tpu.memory_space<vmem>> -> memref<1x512x1536xf32, #tpu.memory_space<vmem>>
      %dma_wait3A_433 = tpu.memref_squeeze %dma_wait3A_432 : memref<1x512x1536xf32, #tpu.memory_space<vmem>> -> memref<512x1536xf32, #tpu.memory_space<vmem>>
      %dma_wait3A_434 = arith.constant 0 : i32
      %dma_wait3A_435 = tpu.memref_slice %arg1[%mul3A_428, %dma_wait3A, %dma_wait3A_434] : memref<16384x1x1536xf32, #tpu.memory_space<any>> -> memref<512x1x1536xf32, #tpu.memory_space<any>>
      %dma_wait3A_436 = tpu.memref_squeeze %dma_wait3A_435 : memref<512x1x1536xf32, #tpu.memory_space<any>> -> memref<512x1536xf32, #tpu.memory_space<any>>
      tpu.wait_dma2 semaphore(%arg15 : memref<!tpu.dma_semaphore, #tpu.memory_space<semaphore_mem>>) src(%dma_wait3A_436 : memref<512x1536xf32, #tpu.memory_space<any>>) dst(%dma_wait3A_433 : memref<512x1536xf32, #tpu.memory_space<vmem>>)
      %mul3A_437 = arith.constant 512 : i32
      %mul3A_438 = arith.muli %arg0, %mul3A_437 : i32
      %dma_wait3A_439 = arith.constant 0 : i32
      %dma_wait3A_440 = arith.constant 0 : i32
      %dma_wait3A_441 = arith.constant 0 : i32
      %dma_wait3A_442 = arith.constant 0 : i32
      %dma_wait3A_443 = tpu.memref_slice %arg14[%dma_wait3A_440, %dma_wait3A_441, %dma_wait3A_442] : memref<2x512x1536xf32, #tpu.memory_space<vmem>> -> memref<1x512x1536xf32, #tpu.memory_space<vmem>>
      %dma_wait3A_444 = tpu.memref_squeeze %dma_wait3A_443 : memref<1x512x1536xf32, #tpu.memory_space<vmem>> -> memref<512x1536xf32, #tpu.memory_space<vmem>>
      %dma_wait3A_445 = arith.constant 0 : i32
      %dma_wait3A_446 = tpu.memref_slice %arg2[%mul3A_438, %dma_wait3A_439, %dma_wait3A_445] : memref<16384x1x1536xf32, #tpu.memory_space<any>> -> memref<512x1x1536xf32, #tpu.memory_space<any>>
      %dma_wait3A_447 = tpu.memref_squeeze %dma_wait3A_446 : memref<512x1x1536xf32, #tpu.memory_space<any>> -> memref<512x1536xf32, #tpu.memory_space<any>>
      tpu.wait_dma2 semaphore(%arg17 : memref<!tpu.dma_semaphore, #tpu.memory_space<semaphore_mem>>) src(%dma_wait3A_447 : memref<512x1536xf32, #tpu.memory_space<any>>) dst(%dma_wait3A_444 : memref<512x1536xf32, #tpu.memory_space<vmem>>)
      %get3A_448 = arith.constant 0 : index
      %get3A_449 = arith.constant 0 : index
      %get3A_450 = arith.constant 0 : index
      %get3A_451 = vector.load %arg13[%get3A_448, %get3A_449, %get3A_450] : memref<2x512x1536xf32, #tpu.memory_space<vmem>>, vector<1x512x1536xf32>
      %get3A_452 = vector.shape_cast %get3A_451 : vector<1x512x1536xf32> to vector<512x1536xf32>
      %get3A_453 = arith.constant 0 : index
      %get3A_454 = arith.constant 0 : index
      %get3A_455 = vector.load %arg9[%get3A_453, %get3A_454] : memref<1536x64xf32, #tpu.memory_space<vmem>>, vector<1536x64xf32>
      %dot_general3A = arith.constant dense<0.000000e+00> : vector<512x64xf32>
      %dot_general3A_456 = tpu.matmul %get3A_452, %get3A_455, %dot_general3A {dimension_numbers = #tpu.dot_dimension_numbers<[1], [0], [0], [1], [0, 0, 1, 1], [], []>, transpose_lhs_hint = false} : vector<512x1536xf32>, vector<1536x64xf32>, vector<512x64xf32> -> vector<512x64xf32>
      %get3A_457 = arith.constant 0 : index
      %get3A_458 = arith.constant 0 : index
      %get3A_459 = vector.load %arg11[%get3A_457, %get3A_458] : memref<2x64xf32, #tpu.memory_space<vmem>>, vector<1x64xf32>
      %add3A_460 = vector.broadcast %get3A_459 : vector<1x64xf32> to vector<512x64xf32>
      %add3A_461 = arith.addf %dot_general3A_456, %add3A_460 : vector<512x64xf32>
      %swap3A_462 = arith.constant 8 : index
      %swap3A_463 = arith.constant 0 : index
      %swap3A_464 = arith.constant 0 : index
      %swap3A_465 = vector.load %arg12[%swap3A_462, %swap3A_463, %swap3A_464] : memref<18x512x64xf32, #tpu.memory_space<vmem>>, vector<1x512x64xf32>
      %swap3A_466 = vector.shape_cast %swap3A_465 : vector<1x512x64xf32> to vector<512x64xf32>
      %swap3A_467 = vector.shape_cast %add3A_461 : vector<512x64xf32> to vector<1x512x64xf32>
      tpu.vector_store %arg12[%swap3A_462, %swap3A_463, %swap3A_464], %swap3A_467 {strides = array<i32>} : memref<18x512x64xf32, #tpu.memory_space<vmem>>, vector<1x512x64xf32>,
      %get3A_468 = arith.constant 0 : index
      %get3A_469 = arith.constant 0 : index
      %get3A_470 = arith.constant 0 : index
      %get3A_471 = vector.load %arg14[%get3A_468, %get3A_469, %get3A_470] : memref<2x512x1536xf32, #tpu.memory_space<vmem>>, vector<1x512x1536xf32>
      %get3A_472 = vector.shape_cast %get3A_471 : vector<1x512x1536xf32> to vector<512x1536xf32>
      %get3A_473 = arith.constant 0 : index
      %get3A_474 = arith.constant 0 : index
      %get3A_475 = vector.load %arg10[%get3A_473, %get3A_474] : memref<1536x64xf32, #tpu.memory_space<vmem>>, vector<1536x64xf32>
      %dot_general3A_476 = arith.constant dense<0.000000e+00> : vector<512x64xf32>
      %dot_general3A_477 = tpu.matmul %get3A_472, %get3A_475, %dot_general3A_476 {dimension_numbers = #tpu.dot_dimension_numbers<[1], [0], [0], [1], [0, 0, 1, 1], [], []>, transpose_lhs_hint = false} : vector<512x1536xf32>, vector<1536x64xf32>, vector<512x64xf32> -> vector<512x64xf32>
      %get3A_478 = arith.constant 1 : index
      %get3A_479 = arith.constant 0 : index
      %get3A_480 = vector.load %arg11[%get3A_478, %get3A_479] : memref<2x64xf32, #tpu.memory_space<vmem>>, vector<1x64xf32>
      %add3A_481 = vector.broadcast %get3A_480 : vector<1x64xf32> to vector<512x64xf32>
      %add3A_482 = arith.addf %dot_general3A_477, %add3A_481 : vector<512x64xf32>
      %swap3A_483 = arith.constant 17 : index
      %swap3A_484 = arith.constant 0 : index
      %swap3A_485 = arith.constant 0 : index
      %swap3A_486 = vector.load %arg12[%swap3A_483, %swap3A_484, %swap3A_485] : memref<18x512x64xf32, #tpu.memory_space<vmem>>, vector<1x512x64xf32>
      %swap3A_487 = vector.shape_cast %swap3A_486 : vector<1x512x64xf32> to vector<512x64xf32>
      %swap3A_488 = vector.shape_cast %add3A_482 : vector<512x64xf32> to vector<1x512x64xf32>
      tpu.vector_store %arg12[%swap3A_483, %swap3A_484, %swap3A_485], %swap3A_488 {strides = array<i32>} : memref<18x512x64xf32, #tpu.memory_space<vmem>>, vector<1x512x64xf32>,
    } else {
    }
    %jit3A_406 = arith.constant 2 : i32
    %eq3A_407 = arith.constant 0 : i32
    %eq3A_408 = arith.cmpi eq, %jit3A_406, %eq3A_407 : i32
    %jit3A_409 = arith.constant 1 : i32
    %select_n3A_410 = arith.select %eq3A_408, %jit3A_409, %jit3A_406 : i32
    %rem3A_411 = arith.remsi %arg0, %select_n3A_410 : i32
    %ne3A_412 = arith.constant 0 : i32
    %ne3A_413 = arith.cmpi ne, %rem3A_411, %ne3A_412 : i32
    %lt3A_414 = arith.constant 0 : i32
    %lt3A_415 = arith.cmpi slt, %rem3A_411, %lt3A_414 : i32
    %lt3A_416 = arith.constant 0 : i32
    %lt3A_417 = arith.cmpi slt, %select_n3A_410, %lt3A_416 : i32
    %ne3A_418 = arith.xori %lt3A_415, %lt3A_417 : i1
    %and3A_419 = arith.andi %ne3A_418, %ne3A_413 : i1
    %add3A_420 = arith.addi %rem3A_411, %select_n3A_410 : i32
    %select_n3A_421 = arith.select %and3A_419, %add3A_420, %rem3A_411 : i32
    %eq3A_422 = arith.constant 1 : i32
    %eq3A_423 = arith.cmpi eq, %select_n3A_421, %eq3A_422 : i32
    %convert_element_type3A_424 = arith.extui %eq3A_423 : i1 to i32
    %cond3A_425 = arith.constant 0 : i32
    %cond3A_426 = arith.cmpi ne, %convert_element_type3A_424, %cond3A_425 : i32
    scf.if %cond3A_426 {
      %mul3A_427 = arith.constant 512 : i32
      %mul3A_428 = arith.muli %arg0, %mul3A_427 : i32
      %dma_wait3A = arith.constant 0 : i32
      %dma_wait3A_429 = arith.constant 1 : i32
      %dma_wait3A_430 = arith.constant 0 : i32
      %dma_wait3A_431 = arith.constant 0 : i32
      %dma_wait3A_432 = tpu.memref_slice %arg13[%dma_wait3A_429, %dma_wait3A_430, %dma_wait3A_431] : memref<2x512x1536xf32, #tpu.memory_space<vmem>> -> memref<1x512x1536xf32, #tpu.memory_space<vmem>>
      %dma_wait3A_433 = tpu.memref_squeeze %dma_wait3A_432 : memref<1x512x1536xf32, #tpu.memory_space<vmem>> -> memref<512x1536xf32, #tpu.memory_space<vmem>>
      %dma_wait3A_434 = arith.constant 0 : i32
      %dma_wait3A_435 = tpu.memref_slice %arg1[%mul3A_428, %dma_wait3A, %dma_wait3A_434] : memref<16384x1x1536xf32, #tpu.memory_space<any>> -> memref<512x1x1536xf32, #tpu.memory_space<any>>
      %dma_wait3A_436 = tpu.memref_squeeze %dma_wait3A_435 : memref<512x1x1536xf32, #tpu.memory_space<any>> -> memref<512x1536xf32, #tpu.memory_space<any>>
      tpu.wait_dma2 semaphore(%arg16 : memref<!tpu.dma_semaphore, #tpu.memory_space<semaphore_mem>>) src(%dma_wait3A_436 : memref<512x1536xf32, #tpu.memory_space<any>>) dst(%dma_wait3A_433 : memref<512x1536xf32, #tpu.memory_space<vmem>>)
      %mul3A_437 = arith.constant 512 : i32
      %mul3A_438 = arith.muli %arg0, %mul3A_437 : i32
      %dma_wait3A_439 = arith.constant 0 : i32
      %dma_wait3A_440 = arith.constant 1 : i32
      %dma_wait3A_441 = arith.constant 0 : i32
      %dma_wait3A_442 = arith.constant 0 : i32
      %dma_wait3A_443 = tpu.memref_slice %arg14[%dma_wait3A_440, %dma_wait3A_441, %dma_wait3A_442] : memref<2x512x1536xf32, #tpu.memory_space<vmem>> -> memref<1x512x1536xf32, #tpu.memory_space<vmem>>
      %dma_wait3A_444 = tpu.memref_squeeze %dma_wait3A_443 : memref<1x512x1536xf32, #tpu.memory_space<vmem>> -> memref<512x1536xf32, #tpu.memory_space<vmem>>
      %dma_wait3A_445 = arith.constant 0 : i32
      %dma_wait3A_446 = tpu.memref_slice %arg2[%mul3A_438, %dma_wait3A_439, %dma_wait3A_445] : memref<16384x1x1536xf32, #tpu.memory_space<any>> -> memref<512x1x1536xf32, #tpu.memory_space<any>>
      %dma_wait3A_447 = tpu.memref_squeeze %dma_wait3A_446 : memref<512x1x1536xf32, #tpu.memory_space<any>> -> memref<512x1536xf32, #tpu.memory_space<any>>
      tpu.wait_dma2 semaphore(%arg18 : memref<!tpu.dma_semaphore, #tpu.memory_space<semaphore_mem>>) src(%dma_wait3A_447 : memref<512x1536xf32, #tpu.memory_space<any>>) dst(%dma_wait3A_444 : memref<512x1536xf32, #tpu.memory_space<vmem>>)
      %get3A_448 = arith.constant 1 : index
      %get3A_449 = arith.constant 0 : index
      %get3A_450 = arith.constant 0 : index
      %get3A_451 = vector.load %arg13[%get3A_448, %get3A_449, %get3A_450] : memref<2x512x1536xf32, #tpu.memory_space<vmem>>, vector<1x512x1536xf32>
      %get3A_452 = vector.shape_cast %get3A_451 : vector<1x512x1536xf32> to vector<512x1536xf32>
      %get3A_453 = arith.constant 0 : index
      %get3A_454 = arith.constant 0 : index
      %get3A_455 = vector.load %arg9[%get3A_453, %get3A_454] : memref<1536x64xf32, #tpu.memory_space<vmem>>, vector<1536x64xf32>
      %dot_general3A = arith.constant dense<0.000000e+00> : vector<512x64xf32>
      %dot_general3A_456 = tpu.matmul %get3A_452, %get3A_455, %dot_general3A {dimension_numbers = #tpu.dot_dimension_numbers<[1], [0], [0], [1], [0, 0, 1, 1], [], []>, transpose_lhs_hint = false} : vector<512x1536xf32>, vector<1536x64xf32>, vector<512x64xf32> -> vector<512x64xf32>
      %get3A_457 = arith.constant 0 : index
      %get3A_458 = arith.constant 0 : index
      %get3A_459 = vector.load %arg11[%get3A_457, %get3A_458] : memref<2x64xf32, #tpu.memory_space<vmem>>, vector<1x64xf32>
      %add3A_460 = vector.broadcast %get3A_459 : vector<1x64xf32> to vector<512x64xf32>
      %add3A_461 = arith.addf %dot_general3A_456, %add3A_460 : vector<512x64xf32>
      %swap3A_462 = arith.constant 8 : index
      %swap3A_463 = arith.constant 0 : index
      %swap3A_464 = arith.constant 0 : index
      %swap3A_465 = vector.load %arg12[%swap3A_462, %swap3A_463, %swap3A_464] : memref<18x512x64xf32, #tpu.memory_space<vmem>>, vector<1x512x64xf32>
      %swap3A_466 = vector.shape_cast %swap3A_465 : vector<1x512x64xf32> to vector<512x64xf32>
      %swap3A_467 = vector.shape_cast %add3A_461 : vector<512x64xf32> to vector<1x512x64xf32>
      tpu.vector_store %arg12[%swap3A_462, %swap3A_463, %swap3A_464], %swap3A_467 {strides = array<i32>} : memref<18x512x64xf32, #tpu.memory_space<vmem>>, vector<1x512x64xf32>,
      %get3A_468 = arith.constant 1 : index
      %get3A_469 = arith.constant 0 : index
      %get3A_470 = arith.constant 0 : index
      %get3A_471 = vector.load %arg14[%get3A_468, %get3A_469, %get3A_470] : memref<2x512x1536xf32, #tpu.memory_space<vmem>>, vector<1x512x1536xf32>
      %get3A_472 = vector.shape_cast %get3A_471 : vector<1x512x1536xf32> to vector<512x1536xf32>
      %get3A_473 = arith.constant 0 : index
      %get3A_474 = arith.constant 0 : index
      %get3A_475 = vector.load %arg10[%get3A_473, %get3A_474] : memref<1536x64xf32, #tpu.memory_space<vmem>>, vector<1536x64xf32>
      %dot_general3A_476 = arith.constant dense<0.000000e+00> : vector<512x64xf32>
      %dot_general3A_477 = tpu.matmul %get3A_472, %get3A_475, %dot_general3A_476 {dimension_numbers = #tpu.dot_dimension_numbers<[1], [0], [0], [1], [0, 0, 1, 1], [], []>, transpose_lhs_hint = false} : vector<512x1536xf32>, vector<1536x64xf32>, vector<512x64xf32> -> vector<512x64xf32>
      %get3A_478 = arith.constant 1 : index
      %get3A_479 = arith.constant 0 : index
      %get3A_480 = vector.load %arg11[%get3A_478, %get3A_479] : memref<2x64xf32, #tpu.memory_space<vmem>>, vector<1x64xf32>
      %add3A_481 = vector.broadcast %get3A_480 : vector<1x64xf32> to vector<512x64xf32>
      %add3A_482 = arith.addf %dot_general3A_477, %add3A_481 : vector<512x64xf32>
      %swap3A_483 = arith.constant 17 : index
      %swap3A_484 = arith.constant 0 : index
      %swap3A_485 = arith.constant 0 : index
      %swap3A_486 = vector.load %arg12[%swap3A_483, %swap3A_484, %swap3A_485] : memref<18x512x64xf32, #tpu.memory_space<vmem>>, vector<1x512x64xf32>
      %swap3A_487 = vector.shape_cast %swap3A_486 : vector<1x512x64xf32> to vector<512x64xf32>
      %swap3A_488 = vector.shape_cast %add3A_482 : vector<512x64xf32> to vector<1x512x64xf32>
      tpu.vector_store %arg12[%swap3A_483, %swap3A_484, %swap3A_485], %swap3A_488 {strides = array<i32>} : memref<18x512x64xf32, #tpu.memory_space<vmem>>, vector<1x512x64xf32>,
    } else {
    }
    return
  }
  func.func @transform_2(%arg0: i32) -> (i32, i32, i32) {
    %c0_i32 = arith.constant 0 : i32
    %c0_i32_0 = arith.constant 0 : i32
    %c0_i32_1 = arith.constant 0 : i32
    return %c0_i32, %arg0, %c0_i32_0 : i32, i32, i32
  }
  func.func @transform_3(%arg0: i32) -> (i32, i32) {
    %c0_i32 = arith.constant 0 : i32
    %c0_i32_0 = arith.constant 0 : i32
    return %arg0, %c0_i32 : i32, i32
  }
  func.func @transform_4(%arg0: i32) -> (i32, i32) {
    %c0_i32 = arith.constant 0 : i32
    %c0_i32_0 = arith.constant 0 : i32
    return %arg0, %c0_i32 : i32, i32
  }
  func.func @transform_5(%arg0: i32) -> (i32, i32) {
    %c0_i32 = arith.constant 0 : i32
    %c0_i32_0 = arith.constant 0 : i32
    %c0_i32_1 = arith.constant 0 : i32
    return %c0_i32, %c0_i32_0 : i32, i32
  }
  func.func @transform_6(%arg0: i32) -> (i32, i32) {
    %c0_i32 = arith.constant 0 : i32
    %c0_i32_0 = arith.constant 0 : i32
    %c0_i32_1 = arith.constant 0 : i32
    return %c0_i32, %c0_i32_0 : i32, i32
  }
  func.func @transform_7(%arg0: i32) -> (i32, i32) {
    %c0_i32 = arith.constant 0 : i32
    %c0_i32_0 = arith.constant 0 : i32
    %c0_i32_1 = arith.constant 0 : i32
    return %c0_i32, %c0_i32_0 : i32, i32
  }
  func.func @transform_8(%arg0: i32) -> (i32, i32) {
    %c0_i32 = arith.constant 0 : i32
    %c0_i32_0 = arith.constant 0 : i32
    %c0_i32_1 = arith.constant 0 : i32
    return %c0_i32, %c0_i32_0 : i32, i32
  }
  func.func @transform_9(%arg0: i32) -> (i32, i32) {
    %c0_i32 = arith.constant 0 : i32
    %c0_i32_0 = arith.constant 0 : i32
    %c0_i32_1 = arith.constant 0 : i32
    return %c0_i32, %c0_i32_0 : i32, i32
  }
  func.func @transform_10(%arg0: i32) -> (i32, i32) {
    %c0_i32 = arith.constant 0 : i32
    %c0_i32_0 = arith.constant 0 : i32
    %c0_i32_1 = arith.constant 0 : i32
    return %c0_i32, %c0_i32_0 : i32, i32
  }
  func.func @transform_11(%arg0: i32) -> (i32, i32, i32) {
    %c0_i32 = arith.constant 0 : i32
    %c0_i32_0 = arith.constant 0 : i32
    %c0_i32_1 = arith.constant 0 : i32
    return %c0_i32, %arg0, %c0_i32_0 : i32, i32, i32
  }
}

</mosaic_0001>

<sc_bundles>
// kernel: kernel.5.cloned.1.call-start
scs
__scs_entry_jumppad:
0x0: {  	(pc) =	sbr.rel $0x88, $3  }
0x1: {  	(tag) =	ssettag $0x0;
	lr =	simm.s32 $0x1  }
0x2: {  	[smem:$0x3F6C] =	sst lr;
	_ =	strace $0xD0000000  }
0x3: {  	_ = 	snop  }
0x4: {  	_ = 	snop  }
0x5: {  	_ = 	snop  }
0x6: {  	_ = 	snop  }
0x7: {  	_ = 	snop  }
__scs_overlays_trampoline_lowered:
0x8: {  	[smem:$0x3F7B] =	sst s0  }
0x9: {  	[smem:$0x3F7C] =	sst s1  }
0xa: {  	[smem:$0x3F7D] =	sst s2  }
0xb: {  	[smem:$0x3F7E] =	sst s3  }
0xc: {  	[smem:$0x3F7F] =	sst s4  }
0xd: {  	[smem:$0x3F80] =	sst s5  }
0xe: {  	[smem:$0x3F81] =	sst s6  }
0xf: {  	[smem:$0x3F82] =	sst s7  }
0x10: {  	[smem:$0x3F83] =	sst s8  }
0x11: {  	[smem:$0x3F84] =	sst s9;
	s0 =	simm.s32 @!p0 $0x0  }
0x12: {  	s1 =	sld [smem:$0x3F6A];
	s0 =	simm.s32 @p0 $0x1  }
0x13: {  	[smem:$0x3F85] =	sst s0;
	s0 =	simm.s32 @!p1 $0x0  }
0x14: {  	s2 =	sld [smem:$0x3F69];
	s0 =	simm.s32 @p1 $0x1  }
0x15: {  	[smem:$0x3F86] =	sst s0;
	s0 =	simm.s32 @!p2 $0x0  }
0x16: {  	s3 =	sld [smem:$0x3FDB];
	s0 =	simm.s32 @p2 $0x1  }
0x17: {  	s4 =	simm.s32 $0x1BF5;
	[smem:$0x3F88] =	sst s0  }
0x18: {  	s0 =	sld [smem:$0x3F6B];
	_ =	swait.ge [sflag:s4], $0x0  }
0x19: {  	s7 =	sld [smem:$0x3F6C]  }
0x1a: {  	s8 =	sadd.s32 $0xFFFFE003, lr  }
0x1b: {  	s9 =	sadd.s32 $0xFFFFFEF7, lr;
	s5 =	simm.s32 $0xFFFFFFFF;
	p2 =	slt.u32 s8, $0xFFFFF086  }
0x1c: {  	p1 =	slt.u32 s9, $0xF7A;
	s5 =	simm.s32 @!p2 $0x0  }
0x1d: {  	s5 =	simm.s32 @p1 $0x1;
	p0 =	seq.s32 s7, s2  }
0x1e: {  	s7 =	smul.u32 @!p0 $0xF7A, s2;
	p2 =	seq.s32 @!p0 s5, $0x0  }
0x1f: {  	s9 =	smul.u32 $0xF7A, s1;
	s8 =	simm.s32 @!p0 $0x1BF5;
	p2 =	por !p2, p0  }
0x20: {  	[sflag:s8] =	ssyncset.s32 @!p0 $0xFFFFF086;
	s6 =	sadd.s32 @!p0 s3, s7;
	s7 =	simm.s32 @!p0 $0x108  }
0x21: {  	s3 =	sadd.s32 s3, s9;
	s6 =	sadd.s32 @!p0 $0x88, s6;
	s7 =	simm.s32 @p2 $0x1082  }
0x22: {  	[simem:s7], [sflag:s8] =	dma.local @!p0 [hbm:s6], $0xF7A  }
0x23: {  	s9 =	sor.u32 $0xD0000000, s2;
	s6 =	simm.s32 $0x108;
	_ =	swait.ge @!p0 [sflag:s8], $0x0  }
0x24: {  	s3 =	sadd.s32 $0x88, s3;
	s6 =	simm.s32 @!p1 $0x1082;
	[sflag:s4] =	ssyncset.s32 $0xFFFFF086  }
0x25: {  	[simem:s6], [sflag:s4] =	dma.local [hbm:s3], $0xF7A  }
0x26: {  	[smem:$0x3F6C] =	sst s1;
	(tag) =	ssettag s2;
	_ =	strace s9  }
0x27: {  	s1 =	sld [smem:$0x3F7C]  }
0x28: {  	s2 =	sld [smem:$0x3F7D]  }
0x29: {  	s4 =	sld [smem:$0x3F7F]  }
0x2a: {  	p0 =	seq.s32 s5, $0x0;
	s5 =	sld [smem:$0x3F80]  }
0x2b: {  	s6 =	sld [smem:$0x3F81]  }
0x2c: {  	s7 =	sld [smem:$0x3F82]  }
0x2d: {  	s3 =	simm.s32 $0x108;
	s8 =	sld [smem:$0x3F83]  }
0x2e: {  	s3 =	simm.s32 @!p0 $0x1082;
	s9 =	sld [smem:$0x3F84]  }
0x2f: {  	lr =	sadd.s32 s0, s3;
	s0 =	sld [smem:$0x3F7B]  }
0x30: {  	s3 =	sld [smem:$0x3F7E]  }
0x31: {  	[smem:$0x3F87] =	sst s10  }
0x32: {  	s10 =	sld [smem:$0x3F85];
	_ =	sdelay $0x3  }
0x33: {  	p0 =	seq.s32 s10, $0x1;
	s10 =	sld [smem:$0x3F87];
	_ =	sdelay $0x3  }
0x34: {  	[smem:$0x3F87] =	sst s10  }
0x35: {  	s10 =	sld [smem:$0x3F86];
	_ =	sdelay $0x3  }
0x36: {  	p1 =	seq.s32 s10, $0x1;
	s10 =	sld [smem:$0x3F87];
	_ =	sdelay $0x3  }
0x37: {  	[smem:$0x3F87] =	sst s10  }
0x38: {  	s10 =	sld [smem:$0x3F88]  }
0x39: {  	_ = 	snop;
	(pc) =	sbr.ind lr, $3  }
0x3a: {  	_ = 	snop  }
0x3b: {  	_ = 	snop  }
0x3c: {  	p2 =	seq.s32 s10, $0x1;
	s10 =	sld [smem:$0x3F87]  }
0x3d: {  	_ =	shalt  }
0x3e: {  	_ =	shalt  }
0x3f: {  	_ =	shalt  }
0x40: {  	_ =	shalt  }
0x41: {  	_ =	shalt  }
0x42: {  	_ =	shalt  }
0x43: {  	_ =	shalt  }
0x44: {  	_ =	shalt  }
0x45: {  	_ =	shalt  }
0x46: {  	_ =	shalt  }
0x47: {  	_ =	shalt  }
0x48: {  	_ =	shalt  }
0x49: {  	_ =	shalt  }
0x4a: {  	_ =	shalt  }
0x4b: {  	_ =	shalt  }
0x4c: {  	_ =	shalt  }
0x4d: {  	_ =	shalt  }
0x4e: {  	_ =	shalt  }
0x4f: {  	_ =	shalt  }
0x50: {  	_ =	shalt  }
0x51: {  	_ =	shalt  }
0x52: {  	_ =	shalt  }
0x53: {  	_ =	shalt  }
0x54: {  	_ =	shalt  }
0x55: {  	_ =	shalt  }
0x56: {  	_ =	shalt  }
0x57: {  	_ =	shalt  }
0x58: {  	_ =	shalt  }
0x59: {  	_ =	shalt  }
0x5a: {  	_ =	shalt  }
0x5b: {  	_ =	shalt  }
0x5c: {  	_ =	shalt  }
0x5d: {  	_ =	shalt  }
0x5e: {  	_ =	shalt  }
0x5f: {  	_ =	shalt  }
0x60: {  	_ =	shalt  }
0x61: {  	_ =	shalt  }
0x62: {  	_ =	shalt  }
0x63: {  	_ =	shalt  }
0x64: {  	_ =	shalt  }
0x65: {  	_ =	shalt  }
0x66: {  	_ =	shalt  }
0x67: {  	_ =	shalt  }
0x68: {  	_ =	shalt  }
0x69: {  	_ =	shalt  }
0x6a: {  	_ =	shalt  }
0x6b: {  	_ =	shalt  }
0x6c: {  	_ =	shalt  }
0x6d: {  	_ =	shalt  }
0x6e: {  	_ =	shalt  }
0x6f: {  	_ =	shalt  }
0x70: {  	_ =	shalt  }
0x71: {  	_ =	shalt  }
0x72: {  	_ =	shalt  }
0x73: {  	_ =	shalt  }
0x74: {  	_ =	shalt  }
0x75: {  	_ =	shalt  }
0x76: {  	_ =	shalt  }
0x77: {  	_ =	shalt  }
0x78: {  	_ =	shalt  }
0x79: {  	_ =	shalt  }
0x7a: {  	_ =	shalt  }
0x7b: {  	_ =	shalt  }
0x7c: {  	_ =	shalt  }
0x7d: {  	_ =	shalt  }
0x7e: {  	_ =	shalt  }
0x7f: {  	_ =	shalt  }
0x80: {  	_ =	shalt  }
0x81: {  	_ =	shalt  }
0x82: {  	_ =	shalt  }
0x83: {  	_ =	shalt  }
0x84: {  	_ =	shalt  }
0x85: {  	_ =	shalt  }
0x86: {  	_ =	shalt  }
0x87: {  	_ =	shalt  }
.Lfunc_end0:
.L_simem_size_0:
called_computation.1_lowered:
.L_overlay_start_0:
0x88: {  	s2 =	sld [smem:$0x3FD9]  }
0x89: {  	s3 =	sld [smem:$0x3FFE];
	_ =	sdelay $0x1  }
0x8a: {  	s1 =	srdreg.scid  }
0x8b: {  	s0 =	sand.u32 $0x1, s1  }
0x8c: {  	s15 =	sshll.u32 s0, $0xA;
	s2 =	sadd.s32 s3, s2  }
0x8d: {  	s2 =	sadd.s32 s2, s15  }
0x8e: {  	[smem:$0x3F93] =	sst s2  }
0x8f: {  	_ = 	snop  }
0x90: {  	s2 =	sld [smem:$0x3FD0];
	_ =	sdelay $0x2  }
0x91: {  	s16 =	simm.s32 $0xA;
	s4 =	simm.s32 $0x10  }
0x92: {  	[smem:s4], [sflag:s16] =	dma.local [hbm:s2], $0x1  }
0x93: {  	_ =	swait.eq [sflag:s16], $0x1  }
0x94: {  	s17 =	sld [smem:$0x10];
	[sflag:s16] =	ssyncset.done $0x0  }
0x95: {  	s18 =	sld [smem:$0x12];
	[sflag:s16] =	ssyncadd.s32 $0xFFFFFFFF  }
0x96: {  	s19 =	sld [smem:$0x13];
	(tm) =	ssettm $0x1  }
0x97: {  	s5 =	sld [smem:$0x3FFB];
	_ =	sdelay $0x3  }
0x98: {  	_ =	strace s5  }
0x99: {  	s5 =	sld [smem:$0x3FFC];
	_ =	sdelay $0x3  }
0x9a: {  	_ =	strace s5  }
0x9b: {  	s5 =	sld [smem:$0x3FFD];
	_ =	sdelay $0x3  }
0x9c: {  	_ =	strace s5  }
0x9d: {  	_ =	strace $0x8FFFFFFF  }
0x9e: {  	s20 =	sld [smem:$0x3FDB];
	_ =	sdelay $0x1  }
0x9f: {  	s6 =	simm.s32 $_scs_section_size  }
0xa0: {  	s7 =	simm.s32 $_size__tile_overlayer_lowered;
	s8 =	simm.s32 $_tile_overlayer_lowered  }
0xa1: {  	s23 =	simm.s32 $0x1BFF;
	s22 =	sshll.u32 s8, $0x1;
	s5 =	sadd.s32 s6, s20  }
0xa2: {  	s9 =	simm.s32 $0x0;
	s21 =	sshll.u32 s7, $0x1;
	s7 =	sadd.s32 s22, s5  }
0xa3: {  	[timem:s9], [sflag:s23] =	dma.local [hbm:s7], s21  }
0xa4: {  	_ =	swait.ge [sflag:s23], s21  }
0xa5: {  	s6 =	ssub.s32 $0x0, s21;
	[sflag:s23] =	ssyncset.done $0x0  }
0xa6: {  	[sflag:s23] =	ssyncadd.s32 s6;
	_ =	sdelay $0x1  }
0xa7: {  	s24 =	simm.s32 $0x1B8B  }
0xa8: {  	_ =	swait.ge [sflag:s24], $0x1  }
0xa9: {  	[sflag:s24] =	ssyncset.done $0x0  }
0xaa: {  	s25 =	simm.s32 $0x1B8E;
	[sflag:s24] =	ssyncadd.s32 $0xFFFFFFFF  }
0xab: {  	s26 =	simm.s32 $execute0_lowered;
	[smem:$0x3FD2] =	sst s25  }
0xac: {  	s6 =	sshll.u32 s26, $0x1;
	_ =	strace $0x80000046;
	[dreg:$0x1] =	wrdreg $0xFFFFFFFF  }
0xad: {  	s28 =	simm.s32 $_size_execute0_lowered;
	s5 =	sadd.s32 s5, s6;
	[dreg:$0x0] =	wrdreg $0x0  }
0xae: {  	s6 =	sshll.u32 s28, $0x1;
	[dreg:$0x2] =	wrdreg s5  }
0xaf: {  	[dreg:$0x3] =	wrdreg s6  }
0xb0: {  	[dreg:$0x4] =	wrdreg $0xC0  }
0xb1: {  	_ =	task [dreg:s9], $0x5FFFF  }
0xb2: {  	[dreg:$0x1] =	wrdreg $0xFFFFFFFF  }
0xb3: {  	[dreg:$0x0] =	wrdreg $0x60  }
0xb4: {  	[dreg:$0x2] =	wrdreg s18  }
0xb5: {  	[dreg:$0x3] =	wrdreg s19  }
0xb6: {  	[dreg:$0x4] =	wrdreg s17  }
0xb7: {  	[dreg:$0x5] =	wrdreg $0x9  }
0xb8: {  	_ =	task.clear_ibuf [dreg:s9], $0x6FFFF;
	_ =	strace $0x90000046  }
0xb9: {  	s29 =	simm.s32 $0x9;
	_ =	strace $0x80000048  }
0xba: {  	_ =	swait.ge [sflag:s29], $0x1  }
0xbb: {  	[sflag:s29] =	ssyncadd.s32 $0xFFFFFFFF  }
0xbc: {  	_ =	strace $0x90000048  }
0xbd: {  	_ =	sfence  }
0xbe: {  	s30 =	sld [smem:$0x0];
	_ =	sdelay $0x2  }
0xbf: {  	s31 =	sshll.u32 s1, $0xD;
	s1 =	sshrl.u32 s1, $0x2  }
0xc0: {  	s3 =	sand.u32 $0x4000, s31;
	s1 =	sadd.s32 s1, s30  }
0xc1: {  	s0 =	sor.u32 s3, s0;
	s1 =	sshll.u32 s1, $0x11  }
0xc2: {  	s0 =	sor.u32 s1, s0  }
0xc3: {  	s0 =	sadd.s32 $0x8F2B, s0  }
0xc4: {  	[sflag:s0] =	ssyncadd.remote.s32 $0x1  }
0xc5: {  	_ =	sfence.sel $0xFFFF  }
0xc6: {  	[dreg:$0x0] =	wrdreg $0xFFFFFFFF;
	(pc) =	sbr.abs _section_cstart, $3  }
0xc7: {  	[dreg:$0x1] =	wrdreg $0xFFFFFFFF  }
0xc8: {  	_ =	task.clear_ibuf [dreg:s9], $0x2FFFF;
	_ =	strace $0x9FFFFFFF  }
0xc9: {  	(tm) =	ssettm $0x7FFFFFFF  }
tec
execute0_lowered:
.L_overlay_start_1:
0x0: {  	(tag) =	ssettag $0x1  }
0x1: {  	s1 =	rddreg [dreg:$0x0]  }
0x2: {  	s2 =	srdreg.scid;
	s4 =	rddreg [dreg:$0x1]  }
0x3: {  	s0 =	stileid.u32;
	s20 =	rddreg [dreg:$0x2]  }
0x4: {  	s3 =	simm.s32 $0x0;
	s28 =	simm.s32 $0x100;
	s29 =	simm.s32 $0x200  }
0x5: {  	s30 =	simm.s32 $0x8200;
	s31 =	simm.s32 $0x1;
	s2 =	sand.u32 $0x1, s2  }
0x6: {  	s5 =	sshll.u32 s0, $0xA;
	[smem:$0x7FF] =	sst s3;
	s15 =	sadd.s32 $0x40000, s20  }
0x7: {  	s21 =	sadd.s32 $0x80000, s20;
	s9 =	sadd.s32 $0xC0000, s20;
	s6 =	sshll.u32 s2, $0x9  }
0x8: {  	_ =	strace $0x80000047;
	s2 =	ssub.s32 $0x2, s2;
	s5 =	sor.u32 s6, s5  }
0x9: {  	s24 =	sshrl.u32 s2, $0x1;
	s6 =	sor.u32 $0x100, s5;
	s8 =	sshrl.u32 s5, $0x3  }
0xa: {  	s22 =	sshll.u32 s5, $0x4;
	s2 =	ssub.s32 s2, s24;
	s24 =	sadd.s32 $0x1C0000, s20  }
0xb: {  	s7 =	sshrl.u32 s6, $0x3;
	s5 =	sadd.s32 s20, s22;
	s23 =	sshll.u32 s6, $0x4  }
0xc: {  	s16 =	sadd.s32 s22, s15;
	s25 =	sadd.s32 s22, s21;
	[dreg:$0x5] =	wrdreg s5  }
0xd: {  	s7 =	sadd.s32 s4, s7;
	s4 =	sadd.s32 s4, s8;
	[dreg:$0x9] =	wrdreg s16  }
0xe: {  	s13 =	sadd.s32 s20, s23;
	s18 =	sadd.s32 s23, s15;
	[dreg:$0xd] =	wrdreg s25  }
0xf: {  	s5 =	sadd.s32 s23, s21;
	s21 =	sadd.s32 $0x180000, s20;
	s25 =	smax.u32 s2, $0x1  }
0x10: {  	s2 =	simm.s32 $0x2;
	[dreg:$0x4] =	wrdreg s7;
	s12 =	sadd.s32 $0x800, s4  }
0x11: {  	[dreg:$0x7] =	wrdreg s13;
	s14 =	sadd.s32 $0x820, s4;
	s17 =	sadd.s32 $0x1000, s4  }
0x12: {  	[dreg:$0xb] =	wrdreg s18;
	s19 =	sadd.s32 $0x1020, s4;
	s26 =	sadd.s32 $0x1800, s4  }
0x13: {  	s6 =	sadd.s32 $0x1820, s4;
	s7 =	sadd.s32 s22, s9;
	[dreg:$0x6] =	wrdreg s12  }
0x14: {  	s8 =	sadd.s32 $0x2000, s4;
	s9 =	sadd.s32 s23, s9;
	[dreg:$0x8] =	wrdreg s14  }
0x15: {  	s10 =	sadd.s32 $0x2020, s4;
	s13 =	sadd.s32 $0x100000, s20;
	[dreg:$0xa] =	wrdreg s17  }
0x16: {  	s16 =	sadd.s32 $0x3000, s4;
	s18 =	sadd.s32 $0x3020, s4;
	[dreg:$0xc] =	wrdreg s19  }
0x17: {  	[dreg:$0xe] =	wrdreg s26;
	s11 =	sadd.s32 s22, s13;
	s12 =	sadd.s32 $0x2800, s4  }
0x18: {  	s17 =	sadd.s32 $0x140000, s20;
	s13 =	sadd.s32 s23, s13;
	s14 =	sadd.s32 $0x2820, s4  }
0x19: {  	s19 =	sadd.s32 s22, s21;
	s20 =	sadd.s32 $0x3800, s4;
	s21 =	sadd.s32 s23, s21  }
0x1a: {  	s26 =	simm.s32 $0x3;
	s15 =	sadd.s32 s22, s17;
	s17 =	sadd.s32 s23, s17  }
0x1b: {  	s22 =	sadd.s32 s22, s24;
	s23 =	sadd.s32 s23, s24;
	s24 =	sadd.s32 $0x3820, s4  }
.LBB2_1:
0x1c: {  	[tilespmem:s3], [sflag:$0x3] =	stream.linear.gather [hbm4b:s4+s3], $0x100, $0x38;
	[tilespmem:$0x10200] =	vst v63  }
0x1d: {  	_ =	swait.ge [sflag:s26], $0x100  }
0x1e: {  	[sflag:s26] =	ssyncset.done $0x0  }
0x1f: {  	[sflag:s26] =	ssyncadd.s32 $0xFFFFFF00  }
0x20: {  	[tilespmem:s29], [sflag:$0x1] =	stream.indirect.gather [hbm4b:s1+s28], $0x80, s3, s28, $0xb8;
	[tilespmem:$0x10200] =	vst v63  }
0x21: {  	s0 =	rddreg [dreg:$0x4]  }
0x22: {  	[tilespmem:s28], [sflag:$0x3] =	stream.linear.gather [hbm4b:s0+s3], $0x100, $0x38;
	[tilespmem:$0x10200] =	vst v63  }
0x23: {  	_ =	swait.ge [sflag:s26], $0x100  }
0x24: {  	[sflag:s26] =	ssyncset.done $0x0  }
0x25: {  	[sflag:s26] =	ssyncadd.s32 $0xFFFFFF00  }
0x26: {  	[tilespmem:s30], [sflag:$0x2] =	stream.indirect.gather [hbm4b:s1+s28], $0x80, s28, s28, $0xb8;
	[tilespmem:$0x10200] =	vst v63  }
0x27: {  	_ =	swait.ge [sflag:s31], $0x8000  }
0x28: {  	[sflag:s31] =	ssyncset.done $0x0  }
0x29: {  	s0 =	rddreg [dreg:$0x5];
	[sflag:s31] =	ssyncadd.s32 $0xFFFF8000  }
0x2a: {  	[hbm4b:s0+s3] =	stream.linear.scatter [tilespmem:s29], [sflag:$0x3], $0x8000, $0x38;
	[tilespmem:$0x10200] =	vst v63  }
0x2b: {  	_ =	swait.ge [sflag:s26], $0x8000  }
0x2c: {  	[sflag:s26] =	ssyncset.done $0x0  }
0x2d: {  	s0 =	rddreg [dreg:$0x6];
	[sflag:s26] =	ssyncadd.s32 $0xFFFF8000  }
0x2e: {  	[tilespmem:s3], [sflag:$0x3] =	stream.linear.gather [hbm4b:s0+s3], $0x100, $0x38;
	[tilespmem:$0x10200] =	vst v63  }
0x2f: {  	_ =	swait.ge [sflag:s26], $0x100  }
0x30: {  	[sflag:s26] =	ssyncset.done $0x0  }
0x31: {  	[sflag:s26] =	ssyncadd.s32 $0xFFFFFF00  }
0x32: {  	v0 =	vld [tilespmem:$0x0]  }
0x33: {  	v1 =	vld [tilespmem:$0x10]  }
0x34: {  	v2 =	vld [tilespmem:$0x20]  }
0x35: {  	v3 =	vld [tilespmem:$0x30]  }
0x36: {  	v4 =	vld [tilespmem:$0x40]  }
0x37: {  	v5 =	vld [tilespmem:$0x50];
	v0 =	vadd.s32 $0x65, v0  }
0x38: {  	v32 =	vld [tilespmem:$0x60];
	v31 =	vadd.s32 $0x65, v1;
	[tilespmem:$0x0] =	vst v0  }
0x39: {  	v34 =	vld [tilespmem:$0x70];
	v33 =	vadd.s32 $0x65, v2;
	[tilespmem:$0x10] =	vst v31  }
0x3a: {  	v36 =	vld [tilespmem:$0x80];
	v35 =	vadd.s32 $0x65, v3;
	[tilespmem:$0x20] =	vst v33  }
0x3b: {  	v38 =	vld [tilespmem:$0x90];
	v37 =	vadd.s32 $0x65, v4;
	[tilespmem:$0x30] =	vst v35  }
0x3c: {  	v40 =	vld [tilespmem:$0xA0];
	v39 =	vadd.s32 $0x65, v5;
	[tilespmem:$0x40] =	vst v37  }
0x3d: {  	v42 =	vld [tilespmem:$0xB0];
	v41 =	vadd.s32 $0x65, v32;
	[tilespmem:$0x50] =	vst v39  }
0x3e: {  	v44 =	vld [tilespmem:$0xC0];
	v43 =	vadd.s32 $0x65, v34;
	[tilespmem:$0x60] =	vst v41  }
0x3f: {  	v46 =	vld [tilespmem:$0xD0];
	v45 =	vadd.s32 $0x65, v36;
	[tilespmem:$0x70] =	vst v43  }
0x40: {  	v48 =	vld [tilespmem:$0xE0];
	v47 =	vadd.s32 $0x65, v38;
	[tilespmem:$0x80] =	vst v45  }
0x41: {  	v50 =	vld [tilespmem:$0xF0];
	v49 =	vadd.s32 $0x65, v40;
	[tilespmem:$0x90] =	vst v47  }
0x42: {  	v51 =	vadd.s32 $0x65, v42;
	[tilespmem:$0xA0] =	vst v49  }
0x43: {  	v52 =	vadd.s32 $0x65, v44;
	[tilespmem:$0xB0] =	vst v51  }
0x44: {  	v53 =	vadd.s32 $0x65, v46;
	[tilespmem:$0xC0] =	vst v52  }
0x45: {  	v54 =	vadd.s32 $0x65, v48;
	[tilespmem:$0xD0] =	vst v53  }
0x46: {  	v55 =	vadd.s32 $0x65, v50;
	[tilespmem:$0xE0] =	vst v54  }
0x47: {  	[tilespmem:$0xF0] =	vst v55  }
0x48: {  	[tilespmem:s29], [sflag:$0x1] =	stream.indirect.gather [hbm4b:s1+s28], $0x80, s3, s28, $0xb8;
	[tilespmem:$0x10200] =	vst v63  }
0x49: {  	_ =	swait.ge [sflag:s2], $0x8000  }
0x4a: {  	[sflag:s2] =	ssyncset.done $0x0  }
0x4b: {  	s0 =	rddreg [dreg:$0x7];
	[sflag:s2] =	ssyncadd.s32 $0xFFFF8000  }
0x4c: {  	[hbm4b:s0+s3] =	stream.linear.scatter [tilespmem:s30], [sflag:$0x3], $0x8000, $0x38;
	[tilespmem:$0x10200] =	vst v63  }
0x4d: {  	_ =	swait.ge [sflag:s26], $0x8000  }
0x4e: {  	[sflag:s26] =	ssyncset.done $0x0  }
0x4f: {  	s0 =	rddreg [dreg:$0x8];
	[sflag:s26] =	ssyncadd.s32 $0xFFFF8000  }
0x50: {  	[tilespmem:s28], [sflag:$0x3] =	stream.linear.gather [hbm4b:s0+s3], $0x100, $0x38;
	[tilespmem:$0x10200] =	vst v63  }
0x51: {  	_ =	swait.ge [sflag:s26], $0x100  }
0x52: {  	[sflag:s26] =	ssyncset.done $0x0  }
0x53: {  	[sflag:s26] =	ssyncadd.s32 $0xFFFFFF00  }
0x54: {  	v56 =	vld [tilespmem:$0x100]  }
0x55: {  	v57 =	vld [tilespmem:$0x110]  }
0x56: {  	v58 =	vld [tilespmem:$0x120]  }
0x57: {  	v59 =	vld [tilespmem:$0x130]  }
0x58: {  	v60 =	vld [tilespmem:$0x140]  }
0x59: {  	v61 =	vld [tilespmem:$0x150];
	v0 =	vadd.s32 $0x65, v56  }
0x5a: {  	v63 =	vld [tilespmem:$0x160];
	v62 =	vadd.s32 $0x65, v57;
	[tilespmem:$0x100] =	vst v0  }
0x5b: {  	v8 =	vld [tilespmem:$0x170];
	v7 =	vadd.s32 $0x65, v58;
	[tilespmem:$0x110] =	vst v62  }
0x5c: {  	v10 =	vld [tilespmem:$0x180];
	v9 =	vadd.s32 $0x65, v59;
	[tilespmem:$0x120] =	vst v7  }
0x5d: {  	v12 =	vld [tilespmem:$0x190];
	v11 =	vadd.s32 $0x65, v60;
	[tilespmem:$0x130] =	vst v9  }
0x5e: {  	v14 =	vld [tilespmem:$0x1A0];
	v13 =	vadd.s32 $0x65, v61;
	[tilespmem:$0x140] =	vst v11  }
0x5f: {  	v16 =	vld [tilespmem:$0x1B0];
	v15 =	vadd.s32 $0x65, v63;
	[tilespmem:$0x150] =	vst v13  }
0x60: {  	v18 =	vld [tilespmem:$0x1C0];
	v17 =	vadd.s32 $0x65, v8;
	[tilespmem:$0x160] =	vst v15  }
0x61: {  	v20 =	vld [tilespmem:$0x1D0];
	v19 =	vadd.s32 $0x65, v10;
	[tilespmem:$0x170] =	vst v17  }
0x62: {  	v22 =	vld [tilespmem:$0x1E0];
	v21 =	vadd.s32 $0x65, v12;
	[tilespmem:$0x180] =	vst v19  }
0x63: {  	v24 =	vld [tilespmem:$0x1F0];
	v23 =	vadd.s32 $0x65, v14;
	[tilespmem:$0x190] =	vst v21  }
0x64: {  	v25 =	vadd.s32 $0x65, v16;
	[tilespmem:$0x1A0] =	vst v23  }
0x65: {  	v26 =	vadd.s32 $0x65, v18;
	[tilespmem:$0x1B0] =	vst v25  }
0x66: {  	v27 =	vadd.s32 $0x65, v20;
	[tilespmem:$0x1C0] =	vst v26  }
0x67: {  	v28 =	vadd.s32 $0x65, v22;
	[tilespmem:$0x1D0] =	vst v27  }
0x68: {  	v29 =	vadd.s32 $0x65, v24;
	[tilespmem:$0x1E0] =	vst v28  }
0x69: {  	[tilespmem:$0x1F0] =	vst v29  }
0x6a: {  	[tilespmem:s30], [sflag:$0x2] =	stream.indirect.gather [hbm4b:s1+s28], $0x80, s28, s28, $0xb8;
	[tilespmem:$0x10200] =	vst v63  }
0x6b: {  	_ =	swait.ge [sflag:s31], $0x8000  }
0x6c: {  	[sflag:s31] =	ssyncset.done $0x0  }
0x6d: {  	s0 =	rddreg [dreg:$0x9];
	[sflag:s31] =	ssyncadd.s32 $0xFFFF8000  }
0x6e: {  	[hbm4b:s0+s3] =	stream.linear.scatter [tilespmem:s29], [sflag:$0x3], $0x8000, $0x38;
	[tilespmem:$0x10200] =	vst v63  }
0x6f: {  	_ =	swait.ge [sflag:s26], $0x8000  }
0x70: {  	[sflag:s26] =	ssyncset.done $0x0  }
0x71: {  	s0 =	rddreg [dreg:$0xa];
	[sflag:s26] =	ssyncadd.s32 $0xFFFF8000  }
0x72: {  	[tilespmem:s3], [sflag:$0x3] =	stream.linear.gather [hbm4b:s0+s3], $0x100, $0x38;
	[tilespmem:$0x10200] =	vst v63  }
0x73: {  	_ =	swait.ge [sflag:s26], $0x100  }
0x74: {  	[sflag:s26] =	ssyncset.done $0x0  }
0x75: {  	[sflag:s26] =	ssyncadd.s32 $0xFFFFFF00  }
0x76: {  	v30 =	vld [tilespmem:$0x0]  }
0x77: {  	v31 =	vld [tilespmem:$0x10]  }
0x78: {  	v32 =	vld [tilespmem:$0x20]  }
0x79: {  	v33 =	vld [tilespmem:$0x30]  }
0x7a: {  	v34 =	vld [tilespmem:$0x40]  }
0x7b: {  	v35 =	vld [tilespmem:$0x50];
	v0 =	vadd.s32 $0xCA, v30  }
0x7c: {  	v37 =	vld [tilespmem:$0x60];
	v36 =	vadd.s32 $0xCA, v31;
	[tilespmem:$0x0] =	vst v0  }
0x7d: {  	v39 =	vld [tilespmem:$0x70];
	v38 =	vadd.s32 $0xCA, v32;
	[tilespmem:$0x10] =	vst v36  }
0x7e: {  	v41 =	vld [tilespmem:$0x80];
	v40 =	vadd.s32 $0xCA, v33;
	[tilespmem:$0x20] =	vst v38  }
0x7f: {  	v43 =	vld [tilespmem:$0x90];
	v42 =	vadd.s32 $0xCA, v34;
	[tilespmem:$0x30] =	vst v40  }
0x80: {  	v45 =	vld [tilespmem:$0xA0];
	v44 =	vadd.s32 $0xCA, v35;
	[tilespmem:$0x40] =	vst v42  }
0x81: {  	v47 =	vld [tilespmem:$0xB0];
	v46 =	vadd.s32 $0xCA, v37;
	[tilespmem:$0x50] =	vst v44  }
0x82: {  	v49 =	vld [tilespmem:$0xC0];
	v48 =	vadd.s32 $0xCA, v39;
	[tilespmem:$0x60] =	vst v46  }
0x83: {  	v51 =	vld [tilespmem:$0xD0];
	v50 =	vadd.s32 $0xCA, v41;
	[tilespmem:$0x70] =	vst v48  }
0x84: {  	v53 =	vld [tilespmem:$0xE0];
	v52 =	vadd.s32 $0xCA, v43;
	[tilespmem:$0x80] =	vst v50  }
0x85: {  	v55 =	vld [tilespmem:$0xF0];
	v54 =	vadd.s32 $0xCA, v45;
	[tilespmem:$0x90] =	vst v52  }
0x86: {  	v56 =	vadd.s32 $0xCA, v47;
	[tilespmem:$0xA0] =	vst v54  }
0x87: {  	v57 =	vadd.s32 $0xCA, v49;
	[tilespmem:$0xB0] =	vst v56  }
0x88: {  	v58 =	vadd.s32 $0xCA, v51;
	[tilespmem:$0xC0] =	vst v57  }
0x89: {  	v59 =	vadd.s32 $0xCA, v53;
	[tilespmem:$0xD0] =	vst v58  }
0x8a: {  	v60 =	vadd.s32 $0xCA, v55;
	[tilespmem:$0xE0] =	vst v59  }
0x8b: {  	[tilespmem:$0xF0] =	vst v60  }
0x8c: {  	[tilespmem:s29], [sflag:$0x1] =	stream.indirect.gather [hbm4b:s1+s28], $0x80, s3, s28, $0xb8;
	[tilespmem:$0x10200] =	vst v63  }
0x8d: {  	_ =	swait.ge [sflag:s2], $0x8000  }
0x8e: {  	[sflag:s2] =	ssyncset.done $0x0  }
0x8f: {  	s0 =	rddreg [dreg:$0xb];
	[sflag:s2] =	ssyncadd.s32 $0xFFFF8000  }
0x90: {  	[hbm4b:s0+s3] =	stream.linear.scatter [tilespmem:s30], [sflag:$0x3], $0x8000, $0x38;
	[tilespmem:$0x10200] =	vst v63  }
0x91: {  	_ =	swait.ge [sflag:s26], $0x8000  }
0x92: {  	[sflag:s26] =	ssyncset.done $0x0  }
0x93: {  	s0 =	rddreg [dreg:$0xc];
	[sflag:s26] =	ssyncadd.s32 $0xFFFF8000  }
0x94: {  	[tilespmem:s28], [sflag:$0x3] =	stream.linear.gather [hbm4b:s0+s3], $0x100, $0x38;
	[tilespmem:$0x10200] =	vst v63  }
0x95: {  	_ =	swait.ge [sflag:s26], $0x100  }
0x96: {  	[sflag:s26] =	ssyncset.done $0x0  }
0x97: {  	[sflag:s26] =	ssyncadd.s32 $0xFFFFFF00  }
0x98: {  	v61 =	vld [tilespmem:$0x100]  }
0x99: {  	v62 =	vld [tilespmem:$0x110]  }
0x9a: {  	v63 =	vld [tilespmem:$0x120]  }
0x9b: {  	v8 =	vld [tilespmem:$0x130]  }
0x9c: {  	v9 =	vld [tilespmem:$0x140]  }
0x9d: {  	v10 =	vld [tilespmem:$0x150];
	v0 =	vadd.s32 $0xCA, v61  }
0x9e: {  	v12 =	vld [tilespmem:$0x160];
	v11 =	vadd.s32 $0xCA, v62;
	[tilespmem:$0x100] =	vst v0  }
0x9f: {  	v14 =	vld [tilespmem:$0x170];
	v13 =	vadd.s32 $0xCA, v63;
	[tilespmem:$0x110] =	vst v11  }
0xa0: {  	v16 =	vld [tilespmem:$0x180];
	v15 =	vadd.s32 $0xCA, v8;
	[tilespmem:$0x120] =	vst v13  }
0xa1: {  	v18 =	vld [tilespmem:$0x190];
	v17 =	vadd.s32 $0xCA, v9;
	[tilespmem:$0x130] =	vst v15  }
0xa2: {  	v20 =	vld [tilespmem:$0x1A0];
	v19 =	vadd.s32 $0xCA, v10;
	[tilespmem:$0x140] =	vst v17  }
0xa3: {  	v22 =	vld [tilespmem:$0x1B0];
	v21 =	vadd.s32 $0xCA, v12;
	[tilespmem:$0x150] =	vst v19  }
0xa4: {  	v24 =	vld [tilespmem:$0x1C0];
	v23 =	vadd.s32 $0xCA, v14;
	[tilespmem:$0x160] =	vst v21  }
0xa5: {  	v26 =	vld [tilespmem:$0x1D0];
	v25 =	vadd.s32 $0xCA, v16;
	[tilespmem:$0x170] =	vst v23  }
0xa6: {  	v28 =	vld [tilespmem:$0x1E0];
	v27 =	vadd.s32 $0xCA, v18;
	[tilespmem:$0x180] =	vst v25  }
0xa7: {  	v30 =	vld [tilespmem:$0x1F0];
	v29 =	vadd.s32 $0xCA, v20;
	[tilespmem:$0x190] =	vst v27  }
0xa8: {  	v31 =	vadd.s32 $0xCA, v22;
	[tilespmem:$0x1A0] =	vst v29  }
0xa9: {  	v32 =	vadd.s32 $0xCA, v24;
	[tilespmem:$0x1B0] =	vst v31  }
0xaa: {  	v33 =	vadd.s32 $0xCA, v26;
	[tilespmem:$0x1C0] =	vst v32  }
0xab: {  	v34 =	vadd.s32 $0xCA, v28;
	[tilespmem:$0x1D0] =	vst v33  }
0xac: {  	v35 =	vadd.s32 $0xCA, v30;
	[tilespmem:$0x1E0] =	vst v34  }
0xad: {  	[tilespmem:$0x1F0] =	vst v35  }
0xae: {  	[tilespmem:s30], [sflag:$0x2] =	stream.indirect.gather [hbm4b:s1+s28], $0x80, s28, s28, $0xb8;
	[tilespmem:$0x10200] =	vst v63  }
0xaf: {  	_ =	swait.ge [sflag:s31], $0x8000  }
0xb0: {  	[sflag:s31] =	ssyncset.done $0x0  }
0xb1: {  	s0 =	rddreg [dreg:$0xd];
	[sflag:s31] =	ssyncadd.s32 $0xFFFF8000  }
0xb2: {  	[hbm4b:s0+s3] =	stream.linear.scatter [tilespmem:s29], [sflag:$0x3], $0x8000, $0x38;
	[tilespmem:$0x10200] =	vst v63  }
0xb3: {  	_ =	swait.ge [sflag:s26], $0x8000  }
0xb4: {  	[sflag:s26] =	ssyncset.done $0x0  }
0xb5: {  	s0 =	rddreg [dreg:$0xe];
	[sflag:s26] =	ssyncadd.s32 $0xFFFF8000  }
0xb6: {  	[tilespmem:s3], [sflag:$0x3] =	stream.linear.gather [hbm4b:s0+s3], $0x100, $0x38;
	[tilespmem:$0x10200] =	vst v63  }
0xb7: {  	_ =	swait.ge [sflag:s26], $0x100  }
0xb8: {  	[sflag:s26] =	ssyncset.done $0x0  }
0xb9: {  	[sflag:s26] =	ssyncadd.s32 $0xFFFFFF00  }
0xba: {  	v36 =	vld [tilespmem:$0x0]  }
0xbb: {  	v37 =	vld [tilespmem:$0x10]  }
0xbc: {  	v38 =	vld [tilespmem:$0x20]  }
0xbd: {  	v39 =	vld [tilespmem:$0x30]  }
0xbe: {  	v40 =	vld [tilespmem:$0x40]  }
0xbf: {  	v41 =	vld [tilespmem:$0x50];
	v0 =	vadd.s32 $0x12F, v36  }
0xc0: {  	v43 =	vld [tilespmem:$0x60];
	v42 =	vadd.s32 $0x12F, v37;
	[tilespmem:$0x0] =	vst v0  }
0xc1: {  	v45 =	vld [tilespmem:$0x70];
	v44 =	vadd.s32 $0x12F, v38;
	[tilespmem:$0x10] =	vst v42  }
0xc2: {  	v47 =	vld [tilespmem:$0x80];
	v46 =	vadd.s32 $0x12F, v39;
	[tilespmem:$0x20] =	vst v44  }
0xc3: {  	v49 =	vld [tilespmem:$0x90];
	v48 =	vadd.s32 $0x12F, v40;
	[tilespmem:$0x30] =	vst v46  }
0xc4: {  	v51 =	vld [tilespmem:$0xA0];
	v50 =	vadd.s32 $0x12F, v41;
	[tilespmem:$0x40] =	vst v48  }
0xc5: {  	v53 =	vld [tilespmem:$0xB0];
	v52 =	vadd.s32 $0x12F, v43;
	[tilespmem:$0x50] =	vst v50  }
0xc6: {  	v55 =	vld [tilespmem:$0xC0];
	v54 =	vadd.s32 $0x12F, v45;
	[tilespmem:$0x60] =	vst v52  }
0xc7: {  	v57 =	vld [tilespmem:$0xD0];
	v56 =	vadd.s32 $0x12F, v47;
	[tilespmem:$0x70] =	vst v54  }
0xc8: {  	v59 =	vld [tilespmem:$0xE0];
	v58 =	vadd.s32 $0x12F, v49;
	[tilespmem:$0x80] =	vst v56  }
0xc9: {  	v61 =	vld [tilespmem:$0xF0];
	v60 =	vadd.s32 $0x12F, v51;
	[tilespmem:$0x90] =	vst v58  }
0xca: {  	v62 =	vadd.s32 $0x12F, v53;
	[tilespmem:$0xA0] =	vst v60  }
0xcb: {  	v63 =	vadd.s32 $0x12F, v55;
	[tilespmem:$0xB0] =	vst v62  }
0xcc: {  	v6 =	vadd.s32 $0x12F, v57;
	[tilespmem:$0xC0] =	vst v63  }
0xcd: {  	v7 =	vadd.s32 $0x12F, v59;
	[tilespmem:$0xD0] =	vst v6  }
0xce: {  	v8 =	vadd.s32 $0x12F, v61;
	[tilespmem:$0xE0] =	vst v7  }
0xcf: {  	[tilespmem:$0xF0] =	vst v8  }
0xd0: {  	[tilespmem:s29], [sflag:$0x1] =	stream.indirect.gather [hbm4b:s1+s28], $0x80, s3, s28, $0xb8;
	[tilespmem:$0x10200] =	vst v63  }
0xd1: {  	_ =	swait.ge [sflag:s2], $0x8000  }
0xd2: {  	[sflag:s2] =	ssyncset.done $0x0  }
0xd3: {  	[sflag:s2] =	ssyncadd.s32 $0xFFFF8000  }
0xd4: {  	[hbm4b:s5+s3] =	stream.linear.scatter [tilespmem:s30], [sflag:$0x3], $0x8000, $0x38;
	[tilespmem:$0x10200] =	vst v63  }
0xd5: {  	_ =	swait.ge [sflag:s26], $0x8000  }
0xd6: {  	[sflag:s26] =	ssyncset.done $0x0  }
0xd7: {  	[sflag:s26] =	ssyncadd.s32 $0xFFFF8000  }
0xd8: {  	[tilespmem:s28], [sflag:$0x3] =	stream.linear.gather [hbm4b:s6+s3], $0x100, $0x38;
	[tilespmem:$0x10200] =	vst v63  }
0xd9: {  	_ =	swait.ge [sflag:s26], $0x100  }
0xda: {  	[sflag:s26] =	ssyncset.done $0x0  }
0xdb: {  	[sflag:s26] =	ssyncadd.s32 $0xFFFFFF00  }
0xdc: {  	v9 =	vld [tilespmem:$0x100]  }
0xdd: {  	v10 =	vld [tilespmem:$0x110]  }
0xde: {  	v11 =	vld [tilespmem:$0x120]  }
0xdf: {  	v12 =	vld [tilespmem:$0x130]  }
0xe0: {  	v13 =	vld [tilespmem:$0x140]  }
0xe1: {  	v14 =	vld [tilespmem:$0x150];
	v0 =	vadd.s32 $0x12F, v9  }
0xe2: {  	v16 =	vld [tilespmem:$0x160];
	v15 =	vadd.s32 $0x12F, v10;
	[tilespmem:$0x100] =	vst v0  }
0xe3: {  	v18 =	vld [tilespmem:$0x170];
	v17 =	vadd.s32 $0x12F, v11;
	[tilespmem:$0x110] =	vst v15  }
0xe4: {  	v20 =	vld [tilespmem:$0x180];
	v19 =	vadd.s32 $0x12F, v12;
	[tilespmem:$0x120] =	vst v17  }
0xe5: {  	v22 =	vld [tilespmem:$0x190];
	v21 =	vadd.s32 $0x12F, v13;
	[tilespmem:$0x130] =	vst v19  }
0xe6: {  	v24 =	vld [tilespmem:$0x1A0];
	v23 =	vadd.s32 $0x12F, v14;
	[tilespmem:$0x140] =	vst v21  }
0xe7: {  	v26 =	vld [tilespmem:$0x1B0];
	v25 =	vadd.s32 $0x12F, v16;
	[tilespmem:$0x150] =	vst v23  }
0xe8: {  	v28 =	vld [tilespmem:$0x1C0];
	v27 =	vadd.s32 $0x12F, v18;
	[tilespmem:$0x160] =	vst v25  }
0xe9: {  	v30 =	vld [tilespmem:$0x1D0];
	v29 =	vadd.s32 $0x12F, v20;
	[tilespmem:$0x170] =	vst v27  }
0xea: {  	v32 =	vld [tilespmem:$0x1E0];
	v31 =	vadd.s32 $0x12F, v22;
	[tilespmem:$0x180] =	vst v29  }
0xeb: {  	v34 =	vld [tilespmem:$0x1F0];
	v33 =	vadd.s32 $0x12F, v24;
	[tilespmem:$0x190] =	vst v31  }
0xec: {  	v35 =	vadd.s32 $0x12F, v26;
	[tilespmem:$0x1A0] =	vst v33  }
0xed: {  	v36 =	vadd.s32 $0x12F, v28;
	[tilespmem:$0x1B0] =	vst v35  }
0xee: {  	v37 =	vadd.s32 $0x12F, v30;
	[tilespmem:$0x1C0] =	vst v36  }
0xef: {  	v38 =	vadd.s32 $0x12F, v32;
	[tilespmem:$0x1D0] =	vst v37  }
0xf0: {  	v39 =	vadd.s32 $0x12F, v34;
	[tilespmem:$0x1E0] =	vst v38  }
0xf1: {  	[tilespmem:$0x1F0] =	vst v39  }
0xf2: {  	[tilespmem:s30], [sflag:$0x2] =	stream.indirect.gather [hbm4b:s1+s28], $0x80, s28, s28, $0xb8;
	[tilespmem:$0x10200] =	vst v63  }
0xf3: {  	_ =	swait.ge [sflag:s31], $0x8000  }
0xf4: {  	[sflag:s31] =	ssyncset.done $0x0  }
0xf5: {  	[sflag:s31] =	ssyncadd.s32 $0xFFFF8000  }
0xf6: {  	[hbm4b:s7+s3] =	stream.linear.scatter [tilespmem:s29], [sflag:$0x3], $0x8000, $0x38;
	[tilespmem:$0x10200] =	vst v63  }
0xf7: {  	_ =	swait.ge [sflag:s26], $0x8000  }
0xf8: {  	[sflag:s26] =	ssyncset.done $0x0  }
0xf9: {  	[sflag:s26] =	ssyncadd.s32 $0xFFFF8000  }
0xfa: {  	[tilespmem:s3], [sflag:$0x3] =	stream.linear.gather [hbm4b:s8+s3], $0x100, $0x38;
	[tilespmem:$0x10200] =	vst v63  }
0xfb: {  	_ =	swait.ge [sflag:s26], $0x100  }
0xfc: {  	[sflag:s26] =	ssyncset.done $0x0  }
0xfd: {  	[sflag:s26] =	ssyncadd.s32 $0xFFFFFF00  }
0xfe: {  	v40 =	vld [tilespmem:$0x0]  }
0xff: {  	v41 =	vld [tilespmem:$0x10]  }
0x100: {  	v42 =	vld [tilespmem:$0x20]  }
0x101: {  	v43 =	vld [tilespmem:$0x30]  }
0x102: {  	v44 =	vld [tilespmem:$0x40]  }
0x103: {  	v45 =	vld [tilespmem:$0x50];
	v0 =	vadd.s32 $0x194, v40  }
0x104: {  	v47 =	vld [tilespmem:$0x60];
	v46 =	vadd.s32 $0x194, v41;
	[tilespmem:$0x0] =	vst v0  }
0x105: {  	v49 =	vld [tilespmem:$0x70];
	v48 =	vadd.s32 $0x194, v42;
	[tilespmem:$0x10] =	vst v46  }
0x106: {  	v51 =	vld [tilespmem:$0x80];
	v50 =	vadd.s32 $0x194, v43;
	[tilespmem:$0x20] =	vst v48  }
0x107: {  	v53 =	vld [tilespmem:$0x90];
	v52 =	vadd.s32 $0x194, v44;
	[tilespmem:$0x30] =	vst v50  }
0x108: {  	v55 =	vld [tilespmem:$0xA0];
	v54 =	vadd.s32 $0x194, v45;
	[tilespmem:$0x40] =	vst v52  }
0x109: {  	v57 =	vld [tilespmem:$0xB0];
	v56 =	vadd.s32 $0x194, v47;
	[tilespmem:$0x50] =	vst v54  }
0x10a: {  	v59 =	vld [tilespmem:$0xC0];
	v58 =	vadd.s32 $0x194, v49;
	[tilespmem:$0x60] =	vst v56  }
0x10b: {  	v61 =	vld [tilespmem:$0xD0];
	v60 =	vadd.s32 $0x194, v51;
	[tilespmem:$0x70] =	vst v58  }
0x10c: {  	v63 =	vld [tilespmem:$0xE0];
	v62 =	vadd.s32 $0x194, v53;
	[tilespmem:$0x80] =	vst v60  }
0x10d: {  	v9 =	vld [tilespmem:$0xF0];
	v8 =	vadd.s32 $0x194, v55;
	[tilespmem:$0x90] =	vst v62  }
0x10e: {  	v10 =	vadd.s32 $0x194, v57;
	[tilespmem:$0xA0] =	vst v8  }
0x10f: {  	v11 =	vadd.s32 $0x194, v59;
	[tilespmem:$0xB0] =	vst v10  }
0x110: {  	v12 =	vadd.s32 $0x194, v61;
	[tilespmem:$0xC0] =	vst v11  }
0x111: {  	v13 =	vadd.s32 $0x194, v63;
	[tilespmem:$0xD0] =	vst v12  }
0x112: {  	v14 =	vadd.s32 $0x194, v9;
	[tilespmem:$0xE0] =	vst v13  }
0x113: {  	[tilespmem:$0xF0] =	vst v14  }
0x114: {  	[tilespmem:s29], [sflag:$0x1] =	stream.indirect.gather [hbm4b:s1+s28], $0x80, s3, s28, $0xb8;
	[tilespmem:$0x10200] =	vst v63  }
0x115: {  	_ =	swait.ge [sflag:s2], $0x8000  }
0x116: {  	[sflag:s2] =	ssyncset.done $0x0  }
0x117: {  	[sflag:s2] =	ssyncadd.s32 $0xFFFF8000  }
0x118: {  	[hbm4b:s9+s3] =	stream.linear.scatter [tilespmem:s30], [sflag:$0x3], $0x8000, $0x38;
	[tilespmem:$0x10200] =	vst v63  }
0x119: {  	_ =	swait.ge [sflag:s26], $0x8000  }
0x11a: {  	[sflag:s26] =	ssyncset.done $0x0  }
0x11b: {  	[sflag:s26] =	ssyncadd.s32 $0xFFFF8000  }
0x11c: {  	[tilespmem:s28], [sflag:$0x3] =	stream.linear.gather [hbm4b:s10+s3], $0x100, $0x38;
	[tilespmem:$0x10200] =	vst v63  }
0x11d: {  	_ =	swait.ge [sflag:s26], $0x100  }
0x11e: {  	[sflag:s26] =	ssyncset.done $0x0  }
0x11f: {  	[sflag:s26] =	ssyncadd.s32 $0xFFFFFF00  }
0x120: {  	v15 =	vld [tilespmem:$0x100]  }
0x121: {  	v16 =	vld [tilespmem:$0x110]  }
0x122: {  	v17 =	vld [tilespmem:$0x120]  }
0x123: {  	v18 =	vld [tilespmem:$0x130]  }
0x124: {  	v19 =	vld [tilespmem:$0x140]  }
0x125: {  	v20 =	vld [tilespmem:$0x150];
	v0 =	vadd.s32 $0x194, v15  }
0x126: {  	v22 =	vld [tilespmem:$0x160];
	v21 =	vadd.s32 $0x194, v16;
	[tilespmem:$0x100] =	vst v0  }
0x127: {  	v24 =	vld [tilespmem:$0x170];
	v23 =	vadd.s32 $0x194, v17;
	[tilespmem:$0x110] =	vst v21  }
0x128: {  	v26 =	vld [tilespmem:$0x180];
	v25 =	vadd.s32 $0x194, v18;
	[tilespmem:$0x120] =	vst v23  }
0x129: {  	v28 =	vld [tilespmem:$0x190];
	v27 =	vadd.s32 $0x194, v19;
	[tilespmem:$0x130] =	vst v25  }
0x12a: {  	v30 =	vld [tilespmem:$0x1A0];
	v29 =	vadd.s32 $0x194, v20;
	[tilespmem:$0x140] =	vst v27  }
0x12b: {  	v32 =	vld [tilespmem:$0x1B0];
	v31 =	vadd.s32 $0x194, v22;
	[tilespmem:$0x150] =	vst v29  }
0x12c: {  	v34 =	vld [tilespmem:$0x1C0];
	v33 =	vadd.s32 $0x194, v24;
	[tilespmem:$0x160] =	vst v31  }
0x12d: {  	v36 =	vld [tilespmem:$0x1D0];
	v35 =	vadd.s32 $0x194, v26;
	[tilespmem:$0x170] =	vst v33  }
0x12e: {  	v38 =	vld [tilespmem:$0x1E0];
	v37 =	vadd.s32 $0x194, v28;
	[tilespmem:$0x180] =	vst v35  }
0x12f: {  	v40 =	vld [tilespmem:$0x1F0];
	v39 =	vadd.s32 $0x194, v30;
	[tilespmem:$0x190] =	vst v37  }
0x130: {  	v41 =	vadd.s32 $0x194, v32;
	[tilespmem:$0x1A0] =	vst v39  }
0x131: {  	v42 =	vadd.s32 $0x194, v34;
	[tilespmem:$0x1B0] =	vst v41  }
0x132: {  	v43 =	vadd.s32 $0x194, v36;
	[tilespmem:$0x1C0] =	vst v42  }
0x133: {  	v44 =	vadd.s32 $0x194, v38;
	[tilespmem:$0x1D0] =	vst v43  }
0x134: {  	v45 =	vadd.s32 $0x194, v40;
	[tilespmem:$0x1E0] =	vst v44  }
0x135: {  	[tilespmem:$0x1F0] =	vst v45  }
0x136: {  	[tilespmem:s30], [sflag:$0x2] =	stream.indirect.gather [hbm4b:s1+s28], $0x80, s28, s28, $0xb8;
	[tilespmem:$0x10200] =	vst v63  }
0x137: {  	_ =	swait.ge [sflag:s31], $0x8000  }
0x138: {  	[sflag:s31] =	ssyncset.done $0x0  }
0x139: {  	[sflag:s31] =	ssyncadd.s32 $0xFFFF8000  }
0x13a: {  	[hbm4b:s11+s3] =	stream.linear.scatter [tilespmem:s29], [sflag:$0x3], $0x8000, $0x38;
	[tilespmem:$0x10200] =	vst v63  }
0x13b: {  	_ =	swait.ge [sflag:s26], $0x8000  }
0x13c: {  	[sflag:s26] =	ssyncset.done $0x0  }
0x13d: {  	[sflag:s26] =	ssyncadd.s32 $0xFFFF8000  }
0x13e: {  	[tilespmem:s3], [sflag:$0x3] =	stream.linear.gather [hbm4b:s12+s3], $0x100, $0x38;
	[tilespmem:$0x10200] =	vst v63  }
0x13f: {  	_ =	swait.ge [sflag:s26], $0x100  }
0x140: {  	[sflag:s26] =	ssyncset.done $0x0  }
0x141: {  	[sflag:s26] =	ssyncadd.s32 $0xFFFFFF00  }
0x142: {  	v46 =	vld [tilespmem:$0x0]  }
0x143: {  	v47 =	vld [tilespmem:$0x10]  }
0x144: {  	v48 =	vld [tilespmem:$0x20]  }
0x145: {  	v49 =	vld [tilespmem:$0x30]  }
0x146: {  	v50 =	vld [tilespmem:$0x40]  }
0x147: {  	v51 =	vld [tilespmem:$0x50];
	v0 =	vadd.s32 $0x1F9, v46  }
0x148: {  	v53 =	vld [tilespmem:$0x60];
	v52 =	vadd.s32 $0x1F9, v47;
	[tilespmem:$0x0] =	vst v0  }
0x149: {  	v55 =	vld [tilespmem:$0x70];
	v54 =	vadd.s32 $0x1F9, v48;
	[tilespmem:$0x10] =	vst v52  }
0x14a: {  	v57 =	vld [tilespmem:$0x80];
	v56 =	vadd.s32 $0x1F9, v49;
	[tilespmem:$0x20] =	vst v54  }
0x14b: {  	v59 =	vld [tilespmem:$0x90];
	v58 =	vadd.s32 $0x1F9, v50;
	[tilespmem:$0x30] =	vst v56  }
0x14c: {  	v61 =	vld [tilespmem:$0xA0];
	v60 =	vadd.s32 $0x1F9, v51;
	[tilespmem:$0x40] =	vst v58  }
0x14d: {  	v63 =	vld [tilespmem:$0xB0];
	v62 =	vadd.s32 $0x1F9, v53;
	[tilespmem:$0x50] =	vst v60  }
0x14e: {  	v9 =	vld [tilespmem:$0xC0];
	v8 =	vadd.s32 $0x1F9, v55;
	[tilespmem:$0x60] =	vst v62  }
0x14f: {  	v11 =	vld [tilespmem:$0xD0];
	v10 =	vadd.s32 $0x1F9, v57;
	[tilespmem:$0x70] =	vst v8  }
0x150: {  	v13 =	vld [tilespmem:$0xE0];
	v12 =	vadd.s32 $0x1F9, v59;
	[tilespmem:$0x80] =	vst v10  }
0x151: {  	v15 =	vld [tilespmem:$0xF0];
	v14 =	vadd.s32 $0x1F9, v61;
	[tilespmem:$0x90] =	vst v12  }
0x152: {  	v16 =	vadd.s32 $0x1F9, v63;
	[tilespmem:$0xA0] =	vst v14  }
0x153: {  	v17 =	vadd.s32 $0x1F9, v9;
	[tilespmem:$0xB0] =	vst v16  }
0x154: {  	v18 =	vadd.s32 $0x1F9, v11;
	[tilespmem:$0xC0] =	vst v17  }
0x155: {  	v19 =	vadd.s32 $0x1F9, v13;
	[tilespmem:$0xD0] =	vst v18  }
0x156: {  	v20 =	vadd.s32 $0x1F9, v15;
	[tilespmem:$0xE0] =	vst v19  }
0x157: {  	[tilespmem:$0xF0] =	vst v20  }
0x158: {  	[tilespmem:s29], [sflag:$0x1] =	stream.indirect.gather [hbm4b:s1+s28], $0x80, s3, s28, $0xb8;
	[tilespmem:$0x10200] =	vst v63  }
0x159: {  	_ =	swait.ge [sflag:s2], $0x8000  }
0x15a: {  	[sflag:s2] =	ssyncset.done $0x0  }
0x15b: {  	[sflag:s2] =	ssyncadd.s32 $0xFFFF8000  }
0x15c: {  	[hbm4b:s13+s3] =	stream.linear.scatter [tilespmem:s30], [sflag:$0x3], $0x8000, $0x38;
	[tilespmem:$0x10200] =	vst v63  }
0x15d: {  	_ =	swait.ge [sflag:s26], $0x8000  }
0x15e: {  	[sflag:s26] =	ssyncset.done $0x0  }
0x15f: {  	[sflag:s26] =	ssyncadd.s32 $0xFFFF8000  }
0x160: {  	[tilespmem:s28], [sflag:$0x3] =	stream.linear.gather [hbm4b:s14+s3], $0x100, $0x38;
	[tilespmem:$0x10200] =	vst v63  }
0x161: {  	_ =	swait.ge [sflag:s26], $0x100  }
0x162: {  	[sflag:s26] =	ssyncset.done $0x0  }
0x163: {  	[sflag:s26] =	ssyncadd.s32 $0xFFFFFF00  }
0x164: {  	v21 =	vld [tilespmem:$0x100]  }
0x165: {  	v22 =	vld [tilespmem:$0x110]  }
0x166: {  	v23 =	vld [tilespmem:$0x120]  }
0x167: {  	v24 =	vld [tilespmem:$0x130]  }
0x168: {  	v25 =	vld [tilespmem:$0x140]  }
0x169: {  	v26 =	vld [tilespmem:$0x150];
	v0 =	vadd.s32 $0x1F9, v21  }
0x16a: {  	v28 =	vld [tilespmem:$0x160];
	v27 =	vadd.s32 $0x1F9, v22;
	[tilespmem:$0x100] =	vst v0  }
0x16b: {  	v30 =	vld [tilespmem:$0x170];
	v29 =	vadd.s32 $0x1F9, v23;
	[tilespmem:$0x110] =	vst v27  }
0x16c: {  	v32 =	vld [tilespmem:$0x180];
	v31 =	vadd.s32 $0x1F9, v24;
	[tilespmem:$0x120] =	vst v29  }
0x16d: {  	v34 =	vld [tilespmem:$0x190];
	v33 =	vadd.s32 $0x1F9, v25;
	[tilespmem:$0x130] =	vst v31  }
0x16e: {  	v36 =	vld [tilespmem:$0x1A0];
	v35 =	vadd.s32 $0x1F9, v26;
	[tilespmem:$0x140] =	vst v33  }
0x16f: {  	v38 =	vld [tilespmem:$0x1B0];
	v37 =	vadd.s32 $0x1F9, v28;
	[tilespmem:$0x150] =	vst v35  }
0x170: {  	v40 =	vld [tilespmem:$0x1C0];
	v39 =	vadd.s32 $0x1F9, v30;
	[tilespmem:$0x160] =	vst v37  }
0x171: {  	v42 =	vld [tilespmem:$0x1D0];
	v41 =	vadd.s32 $0x1F9, v32;
	[tilespmem:$0x170] =	vst v39  }
0x172: {  	v44 =	vld [tilespmem:$0x1E0];
	v43 =	vadd.s32 $0x1F9, v34;
	[tilespmem:$0x180] =	vst v41  }
0x173: {  	v46 =	vld [tilespmem:$0x1F0];
	v45 =	vadd.s32 $0x1F9, v36;
	[tilespmem:$0x190] =	vst v43  }
0x174: {  	v47 =	vadd.s32 $0x1F9, v38;
	[tilespmem:$0x1A0] =	vst v45  }
0x175: {  	v48 =	vadd.s32 $0x1F9, v40;
	[tilespmem:$0x1B0] =	vst v47  }
0x176: {  	v49 =	vadd.s32 $0x1F9, v42;
	[tilespmem:$0x1C0] =	vst v48  }
0x177: {  	v50 =	vadd.s32 $0x1F9, v44;
	[tilespmem:$0x1D0] =	vst v49  }
0x178: {  	v51 =	vadd.s32 $0x1F9, v46;
	[tilespmem:$0x1E0] =	vst v50  }
0x179: {  	[tilespmem:$0x1F0] =	vst v51  }
0x17a: {  	[tilespmem:s30], [sflag:$0x2] =	stream.indirect.gather [hbm4b:s1+s28], $0x80, s28, s28, $0xb8;
	[tilespmem:$0x10200] =	vst v63  }
0x17b: {  	_ =	swait.ge [sflag:s31], $0x8000  }
0x17c: {  	[sflag:s31] =	ssyncset.done $0x0  }
0x17d: {  	[sflag:s31] =	ssyncadd.s32 $0xFFFF8000  }
0x17e: {  	[hbm4b:s15+s3] =	stream.linear.scatter [tilespmem:s29], [sflag:$0x3], $0x8000, $0x38;
	[tilespmem:$0x10200] =	vst v63  }
0x17f: {  	_ =	swait.ge [sflag:s26], $0x8000  }
0x180: {  	[sflag:s26] =	ssyncset.done $0x0  }
0x181: {  	[sflag:s26] =	ssyncadd.s32 $0xFFFF8000  }
0x182: {  	[tilespmem:s3], [sflag:$0x3] =	stream.linear.gather [hbm4b:s16+s3], $0x100, $0x38;
	[tilespmem:$0x10200] =	vst v63  }
0x183: {  	_ =	swait.ge [sflag:s26], $0x100  }
0x184: {  	[sflag:s26] =	ssyncset.done $0x0  }
0x185: {  	[sflag:s26] =	ssyncadd.s32 $0xFFFFFF00  }
0x186: {  	v52 =	vld [tilespmem:$0x0]  }
0x187: {  	v53 =	vld [tilespmem:$0x10]  }
0x188: {  	v54 =	vld [tilespmem:$0x20]  }
0x189: {  	v55 =	vld [tilespmem:$0x30]  }
0x18a: {  	v56 =	vld [tilespmem:$0x40]  }
0x18b: {  	v57 =	vld [tilespmem:$0x50];
	v0 =	vadd.s32 $0x25E, v52  }
0x18c: {  	v59 =	vld [tilespmem:$0x60];
	v58 =	vadd.s32 $0x25E, v53;
	[tilespmem:$0x0] =	vst v0  }
0x18d: {  	v61 =	vld [tilespmem:$0x70];
	v60 =	vadd.s32 $0x25E, v54;
	[tilespmem:$0x10] =	vst v58  }
0x18e: {  	v63 =	vld [tilespmem:$0x80];
	v62 =	vadd.s32 $0x25E, v55;
	[tilespmem:$0x20] =	vst v60  }
0x18f: {  	v9 =	vld [tilespmem:$0x90];
	v8 =	vadd.s32 $0x25E, v56;
	[tilespmem:$0x30] =	vst v62  }
0x190: {  	v11 =	vld [tilespmem:$0xA0];
	v10 =	vadd.s32 $0x25E, v57;
	[tilespmem:$0x40] =	vst v8  }
0x191: {  	v13 =	vld [tilespmem:$0xB0];
	v12 =	vadd.s32 $0x25E, v59;
	[tilespmem:$0x50] =	vst v10  }
0x192: {  	v15 =	vld [tilespmem:$0xC0];
	v14 =	vadd.s32 $0x25E, v61;
	[tilespmem:$0x60] =	vst v12  }
0x193: {  	v17 =	vld [tilespmem:$0xD0];
	v16 =	vadd.s32 $0x25E, v63;
	[tilespmem:$0x70] =	vst v14  }
0x194: {  	v19 =	vld [tilespmem:$0xE0];
	v18 =	vadd.s32 $0x25E, v9;
	[tilespmem:$0x80] =	vst v16  }
0x195: {  	v21 =	vld [tilespmem:$0xF0];
	v20 =	vadd.s32 $0x25E, v11;
	[tilespmem:$0x90] =	vst v18  }
0x196: {  	v22 =	vadd.s32 $0x25E, v13;
	[tilespmem:$0xA0] =	vst v20  }
0x197: {  	v23 =	vadd.s32 $0x25E, v15;
	[tilespmem:$0xB0] =	vst v22  }
0x198: {  	v24 =	vadd.s32 $0x25E, v17;
	[tilespmem:$0xC0] =	vst v23  }
0x199: {  	v25 =	vadd.s32 $0x25E, v19;
	[tilespmem:$0xD0] =	vst v24  }
0x19a: {  	v26 =	vadd.s32 $0x25E, v21;
	[tilespmem:$0xE0] =	vst v25  }
0x19b: {  	[tilespmem:$0xF0] =	vst v26  }
0x19c: {  	[tilespmem:s29], [sflag:$0x1] =	stream.indirect.gather [hbm4b:s1+s28], $0x80, s3, s28, $0xb8;
	[tilespmem:$0x10200] =	vst v63  }
0x19d: {  	_ =	swait.ge [sflag:s2], $0x8000  }
0x19e: {  	[sflag:s2] =	ssyncset.done $0x0  }
0x19f: {  	[sflag:s2] =	ssyncadd.s32 $0xFFFF8000  }
0x1a0: {  	[hbm4b:s17+s3] =	stream.linear.scatter [tilespmem:s30], [sflag:$0x3], $0x8000, $0x38;
	[tilespmem:$0x10200] =	vst v63  }
0x1a1: {  	_ =	swait.ge [sflag:s26], $0x8000  }
0x1a2: {  	[sflag:s26] =	ssyncset.done $0x0  }
0x1a3: {  	[sflag:s26] =	ssyncadd.s32 $0xFFFF8000  }
0x1a4: {  	[tilespmem:s28], [sflag:$0x3] =	stream.linear.gather [hbm4b:s18+s3], $0x100, $0x38;
	[tilespmem:$0x10200] =	vst v63  }
0x1a5: {  	_ =	swait.ge [sflag:s26], $0x100  }
0x1a6: {  	[sflag:s26] =	ssyncset.done $0x0  }
0x1a7: {  	[sflag:s26] =	ssyncadd.s32 $0xFFFFFF00  }
0x1a8: {  	v27 =	vld [tilespmem:$0x100]  }
0x1a9: {  	v28 =	vld [tilespmem:$0x110]  }
0x1aa: {  	v29 =	vld [tilespmem:$0x120]  }
0x1ab: {  	v30 =	vld [tilespmem:$0x130]  }
0x1ac: {  	v31 =	vld [tilespmem:$0x140]  }
0x1ad: {  	v32 =	vld [tilespmem:$0x150];
	v0 =	vadd.s32 $0x25E, v27  }
0x1ae: {  	v34 =	vld [tilespmem:$0x160];
	v33 =	vadd.s32 $0x25E, v28;
	[tilespmem:$0x100] =	vst v0  }
0x1af: {  	v36 =	vld [tilespmem:$0x170];
	v35 =	vadd.s32 $0x25E, v29;
	[tilespmem:$0x110] =	vst v33  }
0x1b0: {  	v38 =	vld [tilespmem:$0x180];
	v37 =	vadd.s32 $0x25E, v30;
	[tilespmem:$0x120] =	vst v35  }
0x1b1: {  	v40 =	vld [tilespmem:$0x190];
	v39 =	vadd.s32 $0x25E, v31;
	[tilespmem:$0x130] =	vst v37  }
0x1b2: {  	v42 =	vld [tilespmem:$0x1A0];
	v41 =	vadd.s32 $0x25E, v32;
	[tilespmem:$0x140] =	vst v39  }
0x1b3: {  	v44 =	vld [tilespmem:$0x1B0];
	v43 =	vadd.s32 $0x25E, v34;
	[tilespmem:$0x150] =	vst v41  }
0x1b4: {  	v46 =	vld [tilespmem:$0x1C0];
	v45 =	vadd.s32 $0x25E, v36;
	[tilespmem:$0x160] =	vst v43  }
0x1b5: {  	v48 =	vld [tilespmem:$0x1D0];
	v47 =	vadd.s32 $0x25E, v38;
	[tilespmem:$0x170] =	vst v45  }
0x1b6: {  	v50 =	vld [tilespmem:$0x1E0];
	v49 =	vadd.s32 $0x25E, v40;
	[tilespmem:$0x180] =	vst v47  }
0x1b7: {  	v52 =	vld [tilespmem:$0x1F0];
	v51 =	vadd.s32 $0x25E, v42;
	[tilespmem:$0x190] =	vst v49  }
0x1b8: {  	v53 =	vadd.s32 $0x25E, v44;
	[tilespmem:$0x1A0] =	vst v51  }
0x1b9: {  	v54 =	vadd.s32 $0x25E, v46;
	[tilespmem:$0x1B0] =	vst v53  }
0x1ba: {  	v55 =	vadd.s32 $0x25E, v48;
	[tilespmem:$0x1C0] =	vst v54  }
0x1bb: {  	v56 =	vadd.s32 $0x25E, v50;
	[tilespmem:$0x1D0] =	vst v55  }
0x1bc: {  	v57 =	vadd.s32 $0x25E, v52;
	[tilespmem:$0x1E0] =	vst v56  }
0x1bd: {  	[tilespmem:$0x1F0] =	vst v57  }
0x1be: {  	[tilespmem:s30], [sflag:$0x2] =	stream.indirect.gather [hbm4b:s1+s28], $0x80, s28, s28, $0xb8;
	[tilespmem:$0x10200] =	vst v63  }
0x1bf: {  	_ =	swait.ge [sflag:s31], $0x8000  }
0x1c0: {  	[sflag:s31] =	ssyncset.done $0x0  }
0x1c1: {  	[sflag:s31] =	ssyncadd.s32 $0xFFFF8000  }
0x1c2: {  	[hbm4b:s19+s3] =	stream.linear.scatter [tilespmem:s29], [sflag:$0x3], $0x8000, $0x38;
	[tilespmem:$0x10200] =	vst v63  }
0x1c3: {  	_ =	swait.ge [sflag:s26], $0x8000  }
0x1c4: {  	[sflag:s26] =	ssyncset.done $0x0  }
0x1c5: {  	[sflag:s26] =	ssyncadd.s32 $0xFFFF8000  }
0x1c6: {  	[tilespmem:s3], [sflag:$0x3] =	stream.linear.gather [hbm4b:s20+s3], $0x100, $0x38;
	[tilespmem:$0x10200] =	vst v63  }
0x1c7: {  	_ =	swait.ge [sflag:s26], $0x100  }
0x1c8: {  	[sflag:s26] =	ssyncset.done $0x0  }
0x1c9: {  	[sflag:s26] =	ssyncadd.s32 $0xFFFFFF00  }
0x1ca: {  	v58 =	vld [tilespmem:$0x0]  }
0x1cb: {  	v59 =	vld [tilespmem:$0x10]  }
0x1cc: {  	v60 =	vld [tilespmem:$0x20]  }
0x1cd: {  	v61 =	vld [tilespmem:$0x30]  }
0x1ce: {  	v62 =	vld [tilespmem:$0x40]  }
0x1cf: {  	v63 =	vld [tilespmem:$0x50];
	v0 =	vadd.s32 $0x2C3, v58  }
0x1d0: {  	v9 =	vld [tilespmem:$0x60];
	v8 =	vadd.s32 $0x2C3, v59;
	[tilespmem:$0x0] =	vst v0  }
0x1d1: {  	v11 =	vld [tilespmem:$0x70];
	v10 =	vadd.s32 $0x2C3, v60;
	[tilespmem:$0x10] =	vst v8  }
0x1d2: {  	v13 =	vld [tilespmem:$0x80];
	v12 =	vadd.s32 $0x2C3, v61;
	[tilespmem:$0x20] =	vst v10  }
0x1d3: {  	v15 =	vld [tilespmem:$0x90];
	v14 =	vadd.s32 $0x2C3, v62;
	[tilespmem:$0x30] =	vst v12  }
0x1d4: {  	v17 =	vld [tilespmem:$0xA0];
	v16 =	vadd.s32 $0x2C3, v63;
	[tilespmem:$0x40] =	vst v14  }
0x1d5: {  	v19 =	vld [tilespmem:$0xB0];
	v18 =	vadd.s32 $0x2C3, v9;
	[tilespmem:$0x50] =	vst v16  }
0x1d6: {  	v21 =	vld [tilespmem:$0xC0];
	v20 =	vadd.s32 $0x2C3, v11;
	[tilespmem:$0x60] =	vst v18  }
0x1d7: {  	v23 =	vld [tilespmem:$0xD0];
	v22 =	vadd.s32 $0x2C3, v13;
	[tilespmem:$0x70] =	vst v20  }
0x1d8: {  	v25 =	vld [tilespmem:$0xE0];
	v24 =	vadd.s32 $0x2C3, v15;
	[tilespmem:$0x80] =	vst v22  }
0x1d9: {  	v27 =	vld [tilespmem:$0xF0];
	v26 =	vadd.s32 $0x2C3, v17;
	[tilespmem:$0x90] =	vst v24  }
0x1da: {  	v28 =	vadd.s32 $0x2C3, v19;
	[tilespmem:$0xA0] =	vst v26  }
0x1db: {  	v29 =	vadd.s32 $0x2C3, v21;
	[tilespmem:$0xB0] =	vst v28  }
0x1dc: {  	v30 =	vadd.s32 $0x2C3, v23;
	[tilespmem:$0xC0] =	vst v29  }
0x1dd: {  	v31 =	vadd.s32 $0x2C3, v25;
	[tilespmem:$0xD0] =	vst v30  }
0x1de: {  	v32 =	vadd.s32 $0x2C3, v27;
	[tilespmem:$0xE0] =	vst v31  }
0x1df: {  	[tilespmem:$0xF0] =	vst v32  }
0x1e0: {  	[tilespmem:s29], [sflag:$0x1] =	stream.indirect.gather [hbm4b:s1+s28], $0x80, s3, s28, $0xb8;
	[tilespmem:$0x10200] =	vst v63  }
0x1e1: {  	_ =	swait.ge [sflag:s2], $0x8000  }
0x1e2: {  	[sflag:s2] =	ssyncset.done $0x0  }
0x1e3: {  	[sflag:s2] =	ssyncadd.s32 $0xFFFF8000  }
0x1e4: {  	[hbm4b:s21+s3] =	stream.linear.scatter [tilespmem:s30], [sflag:$0x3], $0x8000, $0x38;
	[tilespmem:$0x10200] =	vst v63  }
0x1e5: {  	_ =	swait.ge [sflag:s26], $0x8000  }
0x1e6: {  	[sflag:s26] =	ssyncset.done $0x0  }
0x1e7: {  	[sflag:s26] =	ssyncadd.s32 $0xFFFF8000  }
0x1e8: {  	[tilespmem:s28], [sflag:$0x3] =	stream.linear.gather [hbm4b:s24+s3], $0x100, $0x38;
	[tilespmem:$0x10200] =	vst v63  }
0x1e9: {  	_ =	swait.ge [sflag:s26], $0x100  }
0x1ea: {  	[sflag:s26] =	ssyncset.done $0x0  }
0x1eb: {  	[sflag:s26] =	ssyncadd.s32 $0xFFFFFF00  }
0x1ec: {  	v33 =	vld [tilespmem:$0x100]  }
0x1ed: {  	v34 =	vld [tilespmem:$0x110]  }
0x1ee: {  	v35 =	vld [tilespmem:$0x120]  }
0x1ef: {  	v36 =	vld [tilespmem:$0x130]  }
0x1f0: {  	v37 =	vld [tilespmem:$0x140]  }
0x1f1: {  	v38 =	vld [tilespmem:$0x150];
	v0 =	vadd.s32 $0x2C3, v33  }
0x1f2: {  	v40 =	vld [tilespmem:$0x160];
	v39 =	vadd.s32 $0x2C3, v34;
	[tilespmem:$0x100] =	vst v0  }
0x1f3: {  	v42 =	vld [tilespmem:$0x170];
	v41 =	vadd.s32 $0x2C3, v35;
	[tilespmem:$0x110] =	vst v39  }
0x1f4: {  	v44 =	vld [tilespmem:$0x180];
	v43 =	vadd.s32 $0x2C3, v36;
	[tilespmem:$0x120] =	vst v41  }
0x1f5: {  	v46 =	vld [tilespmem:$0x190];
	v45 =	vadd.s32 $0x2C3, v37;
	[tilespmem:$0x130] =	vst v43  }
0x1f6: {  	v48 =	vld [tilespmem:$0x1A0];
	v47 =	vadd.s32 $0x2C3, v38;
	[tilespmem:$0x140] =	vst v45  }
0x1f7: {  	v50 =	vld [tilespmem:$0x1B0];
	v49 =	vadd.s32 $0x2C3, v40;
	[tilespmem:$0x150] =	vst v47  }
0x1f8: {  	v52 =	vld [tilespmem:$0x1C0];
	v51 =	vadd.s32 $0x2C3, v42;
	[tilespmem:$0x160] =	vst v49  }
0x1f9: {  	v54 =	vld [tilespmem:$0x1D0];
	v53 =	vadd.s32 $0x2C3, v44;
	[tilespmem:$0x170] =	vst v51  }
0x1fa: {  	v56 =	vld [tilespmem:$0x1E0];
	v55 =	vadd.s32 $0x2C3, v46;
	[tilespmem:$0x180] =	vst v53  }
0x1fb: {  	v58 =	vld [tilespmem:$0x1F0];
	v57 =	vadd.s32 $0x2C3, v48;
	[tilespmem:$0x190] =	vst v55  }
0x1fc: {  	v59 =	vadd.s32 $0x2C3, v50;
	[tilespmem:$0x1A0] =	vst v57  }
0x1fd: {  	v60 =	vadd.s32 $0x2C3, v52;
	[tilespmem:$0x1B0] =	vst v59  }
0x1fe: {  	v61 =	vadd.s32 $0x2C3, v54;
	[tilespmem:$0x1C0] =	vst v60  }
0x1ff: {  	v62 =	vadd.s32 $0x2C3, v56;
	[tilespmem:$0x1D0] =	vst v61  }
0x200: {  	v63 =	vadd.s32 $0x2C3, v58;
	[tilespmem:$0x1E0] =	vst v62  }
0x201: {  	[tilespmem:$0x1F0] =	vst v63  }
0x202: {  	[tilespmem:s30], [sflag:$0x2] =	stream.indirect.gather [hbm4b:s1+s28], $0x80, s28, s28, $0xb8;
	[tilespmem:$0x10200] =	vst v63  }
0x203: {  	_ =	swait.ge [sflag:s31], $0x8000  }
0x204: {  	[sflag:s31] =	ssyncset.done $0x0  }
0x205: {  	[sflag:s31] =	ssyncadd.s32 $0xFFFF8000  }
0x206: {  	[hbm4b:s22+s3] =	stream.linear.scatter [tilespmem:s29], [sflag:$0x3], $0x8000, $0x38;
	[tilespmem:$0x10200] =	vst v63  }
0x207: {  	_ =	swait.ge [sflag:s26], $0x8000  }
0x208: {  	[sflag:s26] =	ssyncset.done $0x0  }
0x209: {  	[sflag:s26] =	ssyncadd.s32 $0xFFFF8000  }
0x20a: {  	_ =	swait.ge [sflag:s2], $0x8000  }
0x20b: {  	p0 =	sne.s32 s25, $0x1;
	[sflag:s2] =	ssyncset.done $0x0  }
.Ltmp0:
0x20c: {  	[sflag:s2] =	ssyncadd.s32 $0xFFFF8000;
	(pc) =	sbr.rel @p0 .LBB2_1-.Ltmp0, $4  }
0x20d: {  	[hbm4b:s23+s3] =	stream.linear.scatter [tilespmem:s30], [sflag:$0x3], $0x8000, $0x38;
	[tilespmem:$0x10200] =	vst v63  }
0x20e: {  	_ =	swait.ge [sflag:s26], $0x8000  }
0x20f: {  	[sflag:s26] =	ssyncset.done $0x0  }
0x210: {  	s25 =	sadd.s32 $0xFFFFFFFF, s25;
	[sflag:s26] =	ssyncadd.s32 $0xFFFF8000  }
0x211: {  	_ =	sfence.sel $0x180000  }
0x212: {  	[bflag:$0x0] =	sbarrier.arrive $0xFFFF  }
0x213: {  	_ =	strace $0x90000047  }
0x214: {  	s0 =	stileid.u32;
	[bflag:$0x2] =	sbarrier.arrive $0xFFFF  }
0x215: {  	p0 =	sne.s32 s0, $0x0;
	s0 =	rddreg [dreg:$0x3]  }
0x216: {  	s0 =	sadd.s32 @!p0 $0x100000, s0  }
0x217: {  	[sflag:s0] =	ssyncadd.tile.s32 @!p0 $0x1;
	_ =	shalt  }
.Lfunc_end2:
_tile_overlayer_lowered:
.L_overlay_start_2:
0x218: {  	(tag) =	ssettag $0x2  }
0x219: {  	s0 =	rddreg [dreg:$0x0];
	s2 =	stileid.u32  }
0x21a: {  	s1 =	rddreg [dreg:$0x1];
	p0 =	sne.s32 s2, $0x0  }
0x21b: {  	s3 =	rddreg [dreg:$0x2];
	[bflag:$0x3] =	sbarrier.arrive $0xFFFF;
	s2 =	simm.s32 @!p0 $0x1C03  }
0x21c: {  	[timem:s3], [sflag:s2] =	dma.local @!p0 [hbm:s0], s1  }
0x21d: {  	s0 =	simm.s32 @!p0 $0x3  }
0x21e: {  	_ =	swait.ge @!p0 [sflag:s0], s1  }
0x21f: {  	s1 =	ssub.s32 @!p0 $0x0, s1;
	[sflag:s0] =	ssyncset.done @!p0 $0x0  }
0x220: {  	[sflag:s0] =	ssyncadd.s32 @!p0 s1  }
0x221: {  	[bflag:$0x3] =	sbarrier.arrive $0xFFFF  }
0x222: {  	_ =	shalt  }

// kernel: sparse-core-data-format-call.cloned.1.call-start
scs
called_computation_lowered:
.L_overlay_start_0:
0x0: {  	s2 =	sld [smem:$0x3FD9]  }
0x1: {  	s3 =	sld [smem:$0x3FFE];
	_ =	sdelay $0x1  }
0x2: {  	s1 =	srdreg.scid  }
0x3: {  	s0 =	sand.u32 $0x1, s1  }
0x4: {  	s15 =	sshll.u32 s0, $0xA;
	s2 =	sadd.s32 s3, s2  }
0x5: {  	s2 =	sadd.s32 s2, s15  }
0x6: {  	[smem:$0x3F93] =	sst s2  }
0x7: {  	_ = 	snop  }
0x8: {  	s2 =	sld [smem:$0x3FD0];
	_ =	sdelay $0x2  }
0x9: {  	s16 =	simm.s32 $0xA;
	s4 =	simm.s32 $0x10  }
0xa: {  	[smem:s4], [sflag:s16] =	dma.local [hbm:s2], $0x1  }
0xb: {  	_ =	swait.eq [sflag:s16], $0x1  }
0xc: {  	[sflag:s16] =	ssyncset.done $0x0  }
0xd: {  	[sflag:s16] =	ssyncadd.s32 $0xFFFFFFFF  }
0xe: {  	s17 =	sld [smem:$0x10];
	(tm) =	ssettm $0x1  }
0xf: {  	s18 =	sld [smem:$0x3FFB];
	_ =	sdelay $0x3  }
0x10: {  	_ =	strace s18  }
0x11: {  	s3 =	sld [smem:$0x3FFC];
	_ =	sdelay $0x3  }
0x12: {  	_ =	strace s3  }
0x13: {  	s3 =	sld [smem:$0x3FFD];
	_ =	sdelay $0x3  }
0x14: {  	_ =	strace s3  }
0x15: {  	_ =	strace $0x8FFFFFFF  }
0x16: {  	s19 =	sld [smem:$0x3FDB];
	_ =	sdelay $0x1  }
0x17: {  	s20 =	simm.s32 $_scs_section_size  }
0x18: {  	s5 =	simm.s32 $_size__tile_overlayer_lowered;
	s6 =	simm.s32 $_tile_overlayer_lowered  }
0x19: {  	s23 =	simm.s32 $0x1BFF;
	s22 =	sshll.u32 s6, $0x1;
	s3 =	sadd.s32 s20, s19  }
0x1a: {  	s7 =	simm.s32 $0x0;
	s21 =	sshll.u32 s5, $0x1;
	s5 =	sadd.s32 s22, s3  }
0x1b: {  	[timem:s7], [sflag:s23] =	dma.local [hbm:s5], s21  }
0x1c: {  	_ =	swait.ge [sflag:s23], s21  }
0x1d: {  	s4 =	ssub.s32 $0x0, s21;
	[sflag:s23] =	ssyncset.done $0x0  }
0x1e: {  	[sflag:s23] =	ssyncadd.s32 s4;
	_ =	sdelay $0x1  }
0x1f: {  	s24 =	simm.s32 $0x1B8B  }
0x20: {  	_ =	swait.ge [sflag:s24], $0x1  }
0x21: {  	[sflag:s24] =	ssyncset.done $0x0  }
0x22: {  	s26 =	simm.s32 $0x1B8E;
	s25 =	sld [smem:$0x3FFE];
	[sflag:s24] =	ssyncadd.s32 $0xFFFFFFFF  }
0x23: {  	s27 =	simm.s32 $execute0_lowered;
	[smem:$0x3FD2] =	sst s26  }
0x24: {  	s5 =	sshll.u32 s27, $0x1;
	_ =	strace $0x80000049;
	[dreg:$0x1] =	wrdreg $0xFFFFFFFF  }
0x25: {  	s28 =	simm.s32 $_size_execute0_lowered;
	s3 =	sadd.s32 s3, s5;
	[dreg:$0x0] =	wrdreg $0x0  }
0x26: {  	s5 =	sshll.u32 s28, $0x1;
	[dreg:$0x2] =	wrdreg s3  }
0x27: {  	[dreg:$0x3] =	wrdreg s5  }
0x28: {  	[dreg:$0x4] =	wrdreg $0xC0  }
0x29: {  	_ =	task [dreg:s7], $0x5FFFF  }
0x2a: {  	[dreg:$0x1] =	wrdreg $0xFFFFFFFF  }
0x2b: {  	[dreg:$0x0] =	wrdreg $0x60  }
0x2c: {  	[dreg:$0x2] =	wrdreg s25  }
0x2d: {  	[dreg:$0x3] =	wrdreg s17  }
0x2e: {  	[dreg:$0x4] =	wrdreg $0x9  }
0x2f: {  	_ =	task.clear_ibuf [dreg:s7], $0x5FFFF;
	_ =	strace $0x90000049  }
0x30: {  	s29 =	simm.s32 $0x9;
	_ =	strace $0x8000004B  }
0x31: {  	_ =	swait.ge [sflag:s29], $0x1  }
0x32: {  	[sflag:s29] =	ssyncadd.s32 $0xFFFFFFFF  }
0x33: {  	_ =	strace $0x9000004B  }
0x34: {  	_ =	sfence  }
0x35: {  	s30 =	sld [smem:$0x0];
	_ =	sdelay $0x2  }
0x36: {  	s31 =	sshll.u32 s1, $0xD;
	s1 =	sshrl.u32 s1, $0x2  }
0x37: {  	s3 =	sand.u32 $0x4000, s31;
	s1 =	sadd.s32 s1, s30  }
0x38: {  	s0 =	sor.u32 s3, s0;
	s1 =	sshll.u32 s1, $0x11  }
0x39: {  	s0 =	sor.u32 s1, s0  }
0x3a: {  	s0 =	sadd.s32 $0x8F2B, s0  }
0x3b: {  	[sflag:s0] =	ssyncadd.remote.s32 $0x1  }
0x3c: {  	_ =	sfence.sel $0xFFFF  }
0x3d: {  	[dreg:$0x0] =	wrdreg $0xFFFFFFFF;
	(pc) =	sbr.abs _section_cstart, $3  }
0x3e: {  	[dreg:$0x1] =	wrdreg $0xFFFFFFFF  }
0x3f: {  	_ =	task.clear_ibuf [dreg:s7], $0x2FFFF;
	_ =	strace $0x9FFFFFFF  }
0x40: {  	(tm) =	ssettm $0x7FFFFFFF  }
0x41: {  	_ =	shalt  }
tec
execute0_lowered:
.L_overlay_start_1:
0x0: {  	(tag) =	ssettag $0x1  }
0x1: {  	s0 =	srdreg.scid  }
0x2: {  	s1 =	sshll.u32 s0, $0x4  }
0x3: {  	s4 =	rddreg [dreg:$0x0];
	s0 =	stileid.u32;
	s1 =	sand.u32 $0x10, s1  }
0x4: {  	s2 =	rddreg [dreg:$0x1];
	s7 =	simm.s32 $0x1;
	s1 =	sor.u32 s0, s1  }
0x5: {  	s8 =	simm.s32 $0x2;
	s11 =	simm.s32 $0x0;
	s3 =	sshll.u32 s1, $0x7  }
0x6: {  	s10 =	simm.s32 $0x0;
	s4 =	sadd.s32 $0x5400, s4;
	s6 =	ssub.s32 $0x48000, s3  }
.Ltmp0:
0x7: {  	s1 =	rddreg [dreg:$0x2];
	s5 =	sand.u32 $0xF80, s6;
	(pc) =	sbr.rel .LBB1_1-.Ltmp0, $4  }
0x8: {  	_ =	strace $0x8000004A;
	s9 =	smov.u32 s3;
	p0 =	sne.s32 s5, $0x0  }
0x9: {  	s6 =	sshrl.u32 s6, $0xC;
	s5 =	simm.s32 $0x1;
	s7 =	simm.s32 @!p0 $0x0  }
0xa: {  	[sflag:s5] =	ssyncpa.u1 $0x0;
	p0 =	por $0x0, $0x0;
	s6 =	sadd.s32 s7, s6  }
0xb: {  	[sflag:s8] =	ssyncpa.u1 $0x0;
	s8 =	simm.s32 $0x240000;
	s7 =	sadd.s32 $0x1, s6  }
.LBB1_4:
0xc: {  	s14 =	sshll.u32 s11, $0x3  }
0xd: {  	s30 =	sand.u32 $0x7F, s11;
	s15 =	sand.u32 $0xFFFFFC00, s14  }
0xe: {  	s11 =	sor.u32 s30, s15  }
0xf: {  	s15 =	smulhi.u32 $0x38E38E39, s11  }
0x10: {  	s14 =	smulhi.u32 $0x38E38E39, s14  }
0x11: {  	s15 =	sshrl.u32 s15, $0x10  }
0x12: {  	s14 =	sshrl.u32 s14, $0x10;
	s15 =	smul.u32 $0x48000, s15  }
0x13: {  	s14 =	sand.u32 $0x3F, s14  }
0x14: {  	s14 =	smul.u32 $0x9000, s14;
	s11 =	ssub.s32 s11, s15  }
0x15: {  	[tilespmem:s13+$0x810 ss:$0x81] =	vst.msk $0xffff, v2;
	s15 =	sand.u32 $0x7, s11  }
0x16: {  	[tilespmem:s13+$0x1020 ss:$0x81] =	vst.msk $0xffff, v0;
	s14 =	sadd.s32 s2, s14;
	s11 =	sshrl.u32 s11, $0x3;
	s15 =	sshll.u32 s15, $0x12  }
0x17: {  	[tilespmem:s13+$0x0 ss:$0x81] =	vst.msk $0xffff, v1;
	s11 =	sadd.s32 s11, s14;
	s31 =	sor.u32 $0x400, s15  }
0x18: {  	[hbm4b:s11+s31] =	stream.strided.scatter [tilespmem:s12], [sflag:$0x2], $0x2000, s8, s31, $0x20;
	[tilespmem:$0x8080] =	vst v63  }
.LBB1_5:
0x19: {  	s13 =	sadd.s32 $0x1000, s9  }
0x1a: {  	p2 =	sgt.s32 s13, $0x47FFF  }
0x1b: {  	s13 =	smov.u32 @p2 s3;
	p2 =	sne.s32 s10, s7  }
.Ltmp1:
0x1c: {  	p1 =	slt.u32 s10, $0x2;
	(pc) =	sbr.rel @!p2 .LBB1_6-.Ltmp1, $4  }
0x1d: {  	s12 =	simm.s32 @!p1 $0x2  }
0x1e: {  	s14 =	sadd.s32 $0x1, s10;
	_ =	swait.ge @!p1 [sflag:s12], $0x2000  }
0x1f: {  	s11 =	smov.u32 s9;
	p0 =	por !p0, !p0;
	[sflag:s12] =	ssyncset.done @!p1 $0x0  }
0x20: {  	s10 =	smov.u32 s14;
	s9 =	smov.u32 s13;
	[sflag:s12] =	ssyncadd.s32 @!p1 $0xFFFFE000  }
.LBB1_1:
0x21: {  	p1 =	sge.u32 s10, s6  }
0x22: {  	s12 =	sand.u32 @!p1 $0x1FFFFFF, s9  }
0x23: {  	s13 =	smulhi.u32 @!p1 $0xE38E39, s12;
	_ =	sdelay $0x1  }
0x24: {  	s13 =	sshrl.u32 @!p1 s13, $0xA  }
0x25: {  	s13 =	smul.u32 @!p1 $0x48000, s13;
	_ =	sdelay $0x1  }
0x26: {  	s31 =	sadd.s32 $0xFFFFFFFF, s10;
	s14 =	sxor.u32 @!p1 $0xFFFFFFFF, s10;
	s12 =	ssub.s32 @!p1 s12, s13  }
0x27: {  	s15 =	simm.s32 @!p1 $0x80;
	s14 =	sshll.u32 @!p1 s14, $0xD;
	s12 =	sshll.u32 @!p1 s12, $0x4  }
0x28: {  	s13 =	sand.u32 @!p1 $0x2000, s14;
	s14 =	simm.s32 @!p1 $0x40;
	s12 =	sadd.s32 @!p1 s4, s12  }
0x29: {  	[tilespmem:s13], [sflag:$0x1] =	stream.strided.gather @!p1 [hbm4b:s12+s14], $0x2000, s15, s14, $0x38;
	[tilespmem:$0x8080] =	vst v63  }
0x2a: {  	p1 =	sge.u32 s31, s6  }
.Ltmp2:
0x2b: {  	_ = 	snop;
	(pc) =	sbr.rel @p1 .LBB1_5-.Ltmp2, $1  }
0x2c: {  	_ =	sdelay $0x3  }
0x2d: {  	s12 =	simm.s32 $0x1  }
0x2e: {  	_ =	swait.ge [sflag:s5], $0x2000;
	s12 =	simm.s32 @!p0 $0x0  }
0x2f: {  	[sflag:s5] =	ssyncset.done $0x0;
	s13 =	sshll.u32 s12, $0xD  }
0x30: {  	[sflag:s5] =	ssyncadd.s32 $0xFFFFE000;
	s16 =	sor.u32 $0x20, s13  }
0x31: {  	s12 =	smul.u32 $0x8100, s12;
	v3 =	vld [tilespmem:s16+$0x10]  }
0x32: {  	s30 =	sand.u32 $0x1, s10;
	v2 =	vld [tilespmem:s16+$0xFFFFFFF0]  }
0x33: {  	s13 =	smul.u32 $0x8100, s30;
	s12 =	sshrl.u32 s12, $0x2;
	v0 =	vld [tilespmem:s16+$0x0]  }
0x34: {  	v1 =	vld [tilespmem:s16+$0xFFFFFFE0];
	s14 =	sor.u32 $0x4000, s12  }
0x35: {  	s31 =	sshrl.u32 s13, $0x2;
	s13 =	sadd.s32 $0x0, s14  }
0x36: {  	s15 =	simm.s32 $0x4;
	s16 =	sadd.s32 $0x40, s16;
	s12 =	sor.u32 $0x4000, s31;
	[tilespmem:s13+$0x1830 ss:$0x81] =	vst.msk $0xffff, v3  }
.LBB1_3:
0x37: {  	v3 =	vld [tilespmem:s16+$0x10];
	p1 =	sne.s32 s15, $0x1FC;
	[tilespmem:s13+$0x810 ss:$0x81] =	vst.msk $0xffff, v2;
	s17 =	smov.u32 s15;
	s15 =	sadd.s32 $0x4, s15  }
.Ltmp3:
0x38: {  	v2 =	vld [tilespmem:s16+$0xFFFFFFF0];
	[tilespmem:s13+$0x1020 ss:$0x81] =	vst.msk $0xffff, v0;
	(pc) =	sbr.rel @p1 .LBB1_3-.Ltmp3, $4  }
0x39: {  	v0 =	vld [tilespmem:s16+$0x0];
	[tilespmem:s13+$0x0 ss:$0x81] =	vst.msk $0xffff, v1  }
0x3a: {  	s13 =	sshra.s32 s17, $0x2;
	v1 =	vld [tilespmem:s16+$0xFFFFFFE0]  }
0x3b: {  	s13 =	sadd.s32 s13, s14  }
0x3c: {  	s16 =	sadd.s32 $0x40, s16;
	[tilespmem:s13+$0x1830 ss:$0x81] =	vst.msk $0xffff, v3  }
.Ltmp4:
0x3d: {  	_ = 	snop;
	(pc) =	sbr.rel .LBB1_4-.Ltmp4, $1  }
0x3e: {  	_ =	sdelay $0x3  }
.LBB1_6:
0x3f: {  	_ =	sfence.sel $0x180000  }
0x40: {  	s2 =	simm.s32 $0x1;
	[bflag:$0x0] =	sbarrier.arrive $0xFFFF  }
0x41: {  	s31 =	simm.s32 $0x2;
	[sflag:s2] =	ssyncpa.u1 $0x1  }
0x42: {  	[sflag:s31] =	ssyncpa.u1 $0x1  }
0x43: {  	p0 =	sne.s32 s0, $0x0;
	_ =	strace $0x9000004A  }
0x44: {  	s0 =	sadd.s32 @!p0 $0x100000, s1;
	[bflag:$0x2] =	sbarrier.arrive $0xFFFF  }
0x45: {  	[sflag:s0] =	ssyncadd.tile.s32 @!p0 $0x1;
	_ =	shalt  }
.Lfunc_end1:
_tile_overlayer_lowered:
.L_overlay_start_2:
0x46: {  	(tag) =	ssettag $0x2  }
0x47: {  	s0 =	rddreg [dreg:$0x0];
	s2 =	stileid.u32  }
0x48: {  	s1 =	rddreg [dreg:$0x1];
	p0 =	sne.s32 s2, $0x0  }
0x49: {  	s3 =	rddreg [dreg:$0x2];
	[bflag:$0x3] =	sbarrier.arrive $0xFFFF;
	s2 =	simm.s32 @!p0 $0x1C01  }
0x4a: {  	[timem:s3], [sflag:s2] =	dma.local @!p0 [hbm:s0], s1  }
0x4b: {  	s0 =	simm.s32 @!p0 $0x1  }
0x4c: {  	_ =	swait.ge @!p0 [sflag:s0], s1  }
0x4d: {  	s1 =	ssub.s32 @!p0 $0x0, s1;
	[sflag:s0] =	ssyncset.done @!p0 $0x0  }
0x4e: {  	[sflag:s0] =	ssyncadd.s32 @!p0 s1  }
0x4f: {  	[bflag:$0x3] =	sbarrier.arrive $0xFFFF  }
0x50: {  	_ =	shalt  }

</sc_bundles>
